<compile_context>
chip_gen: v7x
topology: tpu7x:2x2x1
jax: 0.10.2.dev20260603
libtpu: 0.0.44.dev20260713+nightly
codegen_flags: <defaults>
</compile_context>

<pallas_src>
import functools

import jax
import jax.numpy as jnp
from jax import lax
from jax.experimental import pallas as pl
from jax.experimental.pallas import tpu as pltpu
from jax.experimental.pallas import tpu_sc as plsc

NC, NS, LANES = 2, 16, 16

LCH = 25
DW = 2


def _make_k(Ldim, DT, BT, D8, B128):
    npairs = BT // NC
    nch = Ldim // LCH
    mesh = plsc.VectorSubcoreMesh(core_axis_name="c", subcore_axis_name="s")
    scratch = [
        pltpu.VMEM((Ldim, DW, B128), jnp.float32),
        pltpu.VMEM((Ldim, DW, B128), jnp.float32),
        pltpu.VMEM((LCH, B128), jnp.int16),
        pltpu.VMEM((LCH, B128), jnp.int16),
        pltpu.VMEM((LCH, DW, B128), jnp.float32),
        pltpu.VMEM((LCH, DW, B128), jnp.float32),
        pltpu.SemaphoreType.DMA,
        pltpu.SemaphoreType.DMA,
        pltpu.SemaphoreType.DMA,
        pltpu.SemaphoreType.DMA,
        pltpu.SemaphoreType.DMA,
        pltpu.SemaphoreType.DMA,
    ]

    @functools.partial(
        pl.kernel,
        out_type=jax.ShapeDtypeStruct((Ldim, DT, BT, D8, B128), jnp.float32),
        mesh=mesh,
        scratch_types=scratch,
        compiler_params=pltpu.CompilerParams(
            use_tc_tiling_on_sc=False, needs_layout_passes=False),
    )
    def k(rt5, it2, out5, stgA, stgB, idxA, idxB, outA, outB,
          stgAs, stgBs, idxAs, idxBs, outAs, outBs):
        cc = lax.axis_index("c")
        ss = lax.axis_index("s")
        dt = ss // 2
        spair = ss % 2
        iota = lax.iota(jnp.int32, LANES)
        bvecs = [j * LANES + iota for j in range(B128 // LANES)]
        djvecs = [jnp.zeros((LANES,), jnp.int32) + dj for dj in range(DW)]

        def stg_src(pair, d80):
            bt = cc * npairs + pair
            return rt5.at[:, dt, bt, pl.ds(d80, DW), :]

        def idx_src(bt, chunk_l0):
            return it2.at[pl.ds(chunk_l0, LCH), pl.ds(bt * B128, B128)]

        def out_dst(bt, d80, l0):
            return out5.at[pl.ds(l0, LCH), dt, bt, pl.ds(d80, DW), :]

        def compute_chunk(stg, idxbuf, outbuf):
            nj = B128 // LANES

            @plsc.parallel_loop(0, LCH, step=1, unroll=5)
            def _body(li):
                gs = {}
                for m in range(nj // 2):
                    packed = plsc.bitcast(
                        idxbuf[li, pl.ds(m * 2 * LANES, 2 * LANES)], jnp.int32)
                    gs[2 * m] = packed & 0xFFFF
                    gs[2 * m + 1] = lax.shift_right_logical(packed, 16)
                vals = [(j, dj,
                         plsc.load_gather(stg, [gs[j], djvecs[dj], bvecs[j]]))
                        for j in range(nj) for dj in range(DW)]
                for j, dj, v in vals:
                    outbuf[li, dj, pl.ds(j * LANES, LANES)] = v

        def unit_compute(pair, bt, d80, stg, next_bt, next_valid, is_first_unit):
            def body(t, carry):
                for kpar, (idxbuf, isem, outbuf, osem) in enumerate(
                        [(idxA, idxAs, outA, outAs), (idxB, idxBs, outB, outBs)]):
                    kchunk = 2 * t + kpar
                    l0 = kchunk * LCH
                    pltpu.make_async_copy(idx_src(bt, l0), idxbuf, isem).wait()
                    if is_first_unit:
                        skip = jnp.logical_and(pair == 0, t == 0)
                    else:
                        skip = jnp.logical_and(pair < 0, t == 0)

                    @pl.when(jnp.logical_not(skip))
                    def _():
                        pltpu.make_async_copy(outbuf, out_dst(bt, d80, l0), osem).wait()

                    compute_chunk(stg, idxbuf, outbuf)
                    pltpu.async_copy(outbuf, out_dst(bt, d80, l0), osem)

                    @pl.when(t < nch // 2 - 1)
                    def _():
                        pltpu.async_copy(idx_src(bt, l0 + 2 * LCH), idxbuf, isem)

                    @pl.when(jnp.logical_and(t == nch // 2 - 1, next_valid))
                    def _():
                        pltpu.async_copy(idx_src(next_bt, kpar * LCH), idxbuf, isem)
                return carry

            lax.fori_loop(0, nch // 2, body, 0)

        d8A = spair * 2 * DW
        d8B = (spair * 2 + 1) * DW
        pltpu.async_copy(stg_src(0, d8A), stgA, stgAs)
        pltpu.async_copy(stg_src(0, d8B), stgB, stgBs)
        bt0 = cc * npairs
        pltpu.async_copy(idx_src(bt0, 0), idxA, idxAs)
        pltpu.async_copy(idx_src(bt0, LCH), idxB, idxBs)

        def pair_body(pair, carry):
            bt = cc * npairs + pair
            has_next = pair + 1 < npairs
            pltpu.make_async_copy(stg_src(pair, d8A), stgA, stgAs).wait()
            unit_compute(pair, bt, d8A, stgA,
                         next_bt=bt, next_valid=jnp.bool_(True),
                         is_first_unit=True)

            @pl.when(has_next)
            def _():
                pltpu.async_copy(stg_src(pair + 1, d8A), stgA, stgAs)

            pltpu.make_async_copy(stg_src(pair, d8B), stgB, stgBs).wait()
            unit_compute(pair, bt, d8B, stgB,
                         next_bt=bt + 1, next_valid=has_next,
                         is_first_unit=False)

            @pl.when(has_next)
            def _():
                pltpu.async_copy(stg_src(pair + 1, d8B), stgB, stgBs)

            return carry

        lax.fori_loop(0, npairs, pair_body, 0)

        lastb = cc * npairs + npairs - 1
        l_last = (nch - 2) * LCH
        pltpu.make_async_copy(outA, out_dst(lastb, d8B, l_last), outAs).wait()
        pltpu.make_async_copy(outB, out_dst(lastb, d8B, l_last + LCH), outBs).wait()

    return k


def kernel(reps, index):
    B, L, D = reps.shape
    DT, D8, B128 = D // 8, 8, 128
    BT = B // B128
    rt = jnp.transpose(reps, (1, 2, 0))
    rt5 = rt.reshape(L, DT, D8, BT, B128)
    rt5 = jnp.transpose(rt5, (0, 1, 3, 2, 4))
    it2 = jnp.transpose(index.reshape(B, L).astype(jnp.int16), (1, 0))
    it2p = (it2.reshape(L, B // 32, 2, LANES)
            .transpose(0, 1, 3, 2)
            .reshape(L, B))
    out5 = _make_k(L, DT, BT, D8, B128)(rt5, it2p)
    out = jnp.transpose(out5, (0, 1, 3, 2, 4)).reshape(L, D, B)
    return jnp.transpose(out, (2, 0, 1))

# --- scband reference (transcript-rebuilt; emitter-appended) ---
"""Pipeline reference for scband-context-embedder-base-8976481649289 (READ-ONLY COPY).

The authoritative reference and input builder live on the scoring server;
editing this copy changes nothing except your own understanding.
"""

import jax, jax.numpy as jnp
import numpy as np


def setup_inputs(seed: int = 0) -> dict:
    key = jax.random.key(seed)
    k1, k2 = jax.random.split(key)
    reps = jax.random.normal(k1, (4096, 200, 64), dtype=jnp.float32)
    index = jax.random.randint(k2, (4096, 200, 1), 0, 200, dtype=jnp.int64)
    return {"reps": reps, "index": index}


def reference(reps, index):
    # Faithful translation of ContextEmbedderBase.extract_non_word_piece_reps:
    #   expand index from [B, L, 1] to [B, L, d] then torch.gather(reps, index, dim=-2)
    expand_shape = index.shape[:-1] + (reps.shape[-1],)
    idx = jnp.broadcast_to(index, expand_shape)
    nwp_reps = jnp.take_along_axis(reps, idx, axis=-2)
    return nwp_reps

if __name__ == "__main__":
    import jax
    _d = setup_inputs()
    print(jax.jit(kernel)(*tuple(_d.values())))

</pallas_src>

<mosaic_0001>
#map = affine_map<(d0, d1) -> (0, 0, 0, 0, 0)>
#map1 = affine_map<(d0, d1) -> (0, 0)>
module attributes {stable_mosaic.version = 14 : i64} {
  func.func @k(%arg0: i32, %arg1: i32, %arg2: memref<200x8x32x8x128xf32, #tpu.memory_space<hbm>>, %arg3: memref<200x4096xi16, #tpu.memory_space<hbm>>, %arg4: memref<200x8x32x8x128xf32, #tpu.memory_space<hbm>>, %arg5: memref<200x2x128xf32, #tpu.memory_space<vmem>>, %arg6: memref<200x2x128xf32, #tpu.memory_space<vmem>>, %arg7: memref<25x128xi16, #tpu.memory_space<vmem>>, %arg8: memref<25x128xi16, #tpu.memory_space<vmem>>, %arg9: memref<25x2x128xf32, #tpu.memory_space<vmem>>, %arg10: memref<25x2x128xf32, #tpu.memory_space<vmem>>, %arg11: memref<!tpu.dma_semaphore, #tpu.memory_space<semaphore_mem>>, %arg12: memref<!tpu.dma_semaphore, #tpu.memory_space<semaphore_mem>>, %arg13: memref<!tpu.dma_semaphore, #tpu.memory_space<semaphore_mem>>, %arg14: memref<!tpu.dma_semaphore, #tpu.memory_space<semaphore_mem>>, %arg15: memref<!tpu.dma_semaphore, #tpu.memory_space<semaphore_mem>>, %arg16: memref<!tpu.dma_semaphore, #tpu.memory_space<semaphore_mem>>) attributes {dimension_semantics = [#tpu.dimension_semantics<core_parallel>, #tpu.dimension_semantics<subcore_parallel>], iteration_bounds = array<i64: 2, 16>, scalar_prefetch = 0 : i64, scratch_operands = 12 : i64, tpu.core_type = #tpu.core_type<sc_vector_subcore>, window_params = [{transform_indices = #map}, {transform_indices = #map1}, {transform_indices = #map}]} {
    %jit3A = arith.constant 2 : i32
    %div3A = arith.divsi %arg1, %jit3A : i32
    %sign3A = arith.constant 0 : i32
    %sign3A_0 = arith.cmpi sgt, %arg1, %sign3A : i32
    %sign3A_1 = arith.extui %sign3A_0 : i1 to i32
    %sign3A_2 = arith.constant 0 : i32
    %sign3A_3 = arith.cmpi slt, %arg1, %sign3A_2 : i32
    %sign3A_4 = arith.extui %sign3A_3 : i1 to i32
    %sign3A_5 = arith.subi %sign3A_1, %sign3A_4 : i32
    %sign3A_6 = arith.constant 0 : i32
    %sign3A_7 = arith.cmpi sgt, %jit3A, %sign3A_6 : i32
    %sign3A_8 = arith.extui %sign3A_7 : i1 to i32
    %sign3A_9 = arith.constant 0 : i32
    %sign3A_10 = arith.cmpi slt, %jit3A, %sign3A_9 : i32
    %sign3A_11 = arith.extui %sign3A_10 : i1 to i32
    %sign3A_12 = arith.subi %sign3A_8, %sign3A_11 : i32
    %ne3A = arith.cmpi ne, %sign3A_5, %sign3A_12 : i32
    %rem3A = arith.remsi %arg1, %jit3A : i32
    %ne3A_13 = arith.constant 0 : i32
    %ne3A_14 = arith.cmpi ne, %rem3A, %ne3A_13 : i32
    %and3A = arith.andi %ne3A, %ne3A_14 : i1
    %sub3A = arith.constant 1 : i32
    %sub3A_15 = arith.subi %div3A, %sub3A : i32
    %select_n3A = arith.select %and3A, %sub3A_15, %div3A : i32
    %jit3A_16 = arith.constant 2 : i32
    %eq3A = arith.constant 0 : i32
    %eq3A_17 = arith.cmpi eq, %jit3A_16, %eq3A : i32
    %jit3A_18 = arith.constant 1 : i32
    %select_n3A_19 = arith.select %eq3A_17, %jit3A_18, %jit3A_16 : i32
    %rem3A_20 = arith.remsi %arg1, %select_n3A_19 : i32
    %ne3A_21 = arith.constant 0 : i32
    %ne3A_22 = arith.cmpi ne, %rem3A_20, %ne3A_21 : i32
    %lt3A = arith.constant 0 : i32
    %lt3A_23 = arith.cmpi slt, %rem3A_20, %lt3A : i32
    %lt3A_24 = arith.constant 0 : i32
    %lt3A_25 = arith.cmpi slt, %select_n3A_19, %lt3A_24 : i32
    %ne3A_26 = arith.xori %lt3A_23, %lt3A_25 : i1
    %and3A_27 = arith.andi %ne3A_26, %ne3A_22 : i1
    %add3A = arith.addi %rem3A_20, %select_n3A_19 : i32
    %select_n3A_28 = arith.select %and3A_27, %add3A, %rem3A_20 : i32
    %iota3A = tpu.iota {dimensions = array<i32: 0>} : vector<16xi32>
    %add3A_29 = arith.constant 0 : i32
    %add3A_30 = vector.broadcast %add3A_29 : i32 to vector<16xi32>
    %add3A_31 = arith.addi %add3A_30, %iota3A : vector<16xi32>
    %add3A_32 = arith.constant 16 : i32
    %add3A_33 = vector.broadcast %add3A_32 : i32 to vector<16xi32>
    %add3A_34 = arith.addi %add3A_33, %iota3A : vector<16xi32>
    %add3A_35 = arith.constant 32 : i32
    %add3A_36 = vector.broadcast %add3A_35 : i32 to vector<16xi32>
    %add3A_37 = arith.addi %add3A_36, %iota3A : vector<16xi32>
    %add3A_38 = arith.constant 48 : i32
    %add3A_39 = vector.broadcast %add3A_38 : i32 to vector<16xi32>
    %add3A_40 = arith.addi %add3A_39, %iota3A : vector<16xi32>
    %add3A_41 = arith.constant 64 : i32
    %add3A_42 = vector.broadcast %add3A_41 : i32 to vector<16xi32>
    %add3A_43 = arith.addi %add3A_42, %iota3A : vector<16xi32>
    %add3A_44 = arith.constant 80 : i32
    %add3A_45 = vector.broadcast %add3A_44 : i32 to vector<16xi32>
    %add3A_46 = arith.addi %add3A_45, %iota3A : vector<16xi32>
    %add3A_47 = arith.constant 96 : i32
    %add3A_48 = vector.broadcast %add3A_47 : i32 to vector<16xi32>
    %add3A_49 = arith.addi %add3A_48, %iota3A : vector<16xi32>
    %add3A_50 = arith.constant 112 : i32
    %add3A_51 = vector.broadcast %add3A_50 : i32 to vector<16xi32>
    %add3A_52 = arith.addi %add3A_51, %iota3A : vector<16xi32>
    %broadcast_in_dim3A = arith.constant 0 : i32
    %broadcast_in_dim3A_53 = vector.broadcast %broadcast_in_dim3A : i32 to vector<16xi32>
    %add3A_54 = arith.constant 0 : i32
    %add3A_55 = vector.broadcast %add3A_54 : i32 to vector<16xi32>
    %add3A_56 = arith.addi %broadcast_in_dim3A_53, %add3A_55 : vector<16xi32>
    %broadcast_in_dim3A_57 = arith.constant 0 : i32
    %broadcast_in_dim3A_58 = vector.broadcast %broadcast_in_dim3A_57 : i32 to vector<16xi32>
    %add3A_59 = arith.constant 1 : i32
    %add3A_60 = vector.broadcast %add3A_59 : i32 to vector<16xi32>
    %add3A_61 = arith.addi %broadcast_in_dim3A_58, %add3A_60 : vector<16xi32>
    %mul3A = arith.constant 2 : i32
    %mul3A_62 = arith.muli %select_n3A_28, %mul3A : i32
    %mul3A_63 = arith.constant 2 : i32
    %mul3A_64 = arith.muli %mul3A_62, %mul3A_63 : i32
    %mul3A_65 = arith.constant 2 : i32
    %mul3A_66 = arith.muli %select_n3A_28, %mul3A_65 : i32
    %add3A_67 = arith.constant 1 : i32
    %add3A_68 = arith.addi %mul3A_66, %add3A_67 : i32
    %mul3A_69 = arith.constant 2 : i32
    %mul3A_70 = arith.muli %add3A_68, %mul3A_69 : i32
    %mul3A_71 = arith.constant 16 : i32
    %mul3A_72 = arith.muli %arg0, %mul3A_71 : i32
    %add3A_73 = arith.constant 0 : i32
    %add3A_74 = arith.addi %mul3A_72, %add3A_73 : i32
    %dma_start3A = arith.constant 0 : i32
    %dma_start3A_75 = arith.constant 0 : i32
    %dma_start3A_76 = tpu.memref_slice %arg2[%dma_start3A, %select_n3A, %add3A_74, %mul3A_64, %dma_start3A_75] : memref<200x8x32x8x128xf32, #tpu.memory_space<hbm>> -> memref<200x1x1x2x128xf32, #tpu.memory_space<hbm>>
    %dma_start3A_77 = tpu.memref_squeeze %dma_start3A_76 : memref<200x1x1x2x128xf32, #tpu.memory_space<hbm>> -> memref<200x2x128xf32, #tpu.memory_space<hbm>>
    %dma_start3A_78 = arith.constant 0 : i32
    %dma_start3A_79 = arith.constant 0 : i32
    %dma_start3A_80 = tpu.memref_slice %arg2[%dma_start3A_78, %select_n3A, %add3A_74, %mul3A_64, %dma_start3A_79] : memref<200x8x32x8x128xf32, #tpu.memory_space<hbm>> -> memref<200x1x1x2x128xf32, #tpu.memory_space<hbm>>
    %dma_start3A_81 = tpu.memref_squeeze %dma_start3A_80 : memref<200x1x1x2x128xf32, #tpu.memory_space<hbm>> -> memref<200x2x128xf32, #tpu.memory_space<hbm>>
    tpu.enqueue_dma source(%dma_start3A_81 : memref<200x2x128xf32, #tpu.memory_space<hbm>>) target(%arg5 : memref<200x2x128xf32, #tpu.memory_space<vmem>>) target_semaphore(%arg11 : memref<!tpu.dma_semaphore, #tpu.memory_space<semaphore_mem>>)
    %mul3A_82 = arith.constant 16 : i32
    %mul3A_83 = arith.muli %arg0, %mul3A_82 : i32
    %add3A_84 = arith.constant 0 : i32
    %add3A_85 = arith.addi %mul3A_83, %add3A_84 : i32
    %dma_start3A_86 = arith.constant 0 : i32
    %dma_start3A_87 = arith.constant 0 : i32
    %dma_start3A_88 = tpu.memref_slice %arg2[%dma_start3A_86, %select_n3A, %add3A_85, %mul3A_70, %dma_start3A_87] : memref<200x8x32x8x128xf32, #tpu.memory_space<hbm>> -> memref<200x1x1x2x128xf32, #tpu.memory_space<hbm>>
    %dma_start3A_89 = tpu.memref_squeeze %dma_start3A_88 : memref<200x1x1x2x128xf32, #tpu.memory_space<hbm>> -> memref<200x2x128xf32, #tpu.memory_space<hbm>>
    %dma_start3A_90 = arith.constant 0 : i32
    %dma_start3A_91 = arith.constant 0 : i32
    %dma_start3A_92 = tpu.memref_slice %arg2[%dma_start3A_90, %select_n3A, %add3A_85, %mul3A_70, %dma_start3A_91] : memref<200x8x32x8x128xf32, #tpu.memory_space<hbm>> -> memref<200x1x1x2x128xf32, #tpu.memory_space<hbm>>
    %dma_start3A_93 = tpu.memref_squeeze %dma_start3A_92 : memref<200x1x1x2x128xf32, #tpu.memory_space<hbm>> -> memref<200x2x128xf32, #tpu.memory_space<hbm>>
    tpu.enqueue_dma source(%dma_start3A_93 : memref<200x2x128xf32, #tpu.memory_space<hbm>>) target(%arg6 : memref<200x2x128xf32, #tpu.memory_space<vmem>>) target_semaphore(%arg12 : memref<!tpu.dma_semaphore, #tpu.memory_space<semaphore_mem>>)
    %mul3A_94 = arith.constant 16 : i32
    %mul3A_95 = arith.muli %arg0, %mul3A_94 : i32
    %mul3A_96 = arith.constant 128 : i32
    %mul3A_97 = arith.muli %mul3A_95, %mul3A_96 : i32
    %dma_start3A_98 = arith.constant 0 : i32
    %dma_start3A_99 = tpu.memref_slice %arg3[%dma_start3A_98, %mul3A_97] : memref<200x4096xi16, #tpu.memory_space<hbm>> -> memref<25x128xi16, #tpu.memory_space<hbm>>
    %dma_start3A_100 = arith.constant 0 : i32
    %dma_start3A_101 = tpu.memref_slice %arg3[%dma_start3A_100, %mul3A_97] : memref<200x4096xi16, #tpu.memory_space<hbm>> -> memref<25x128xi16, #tpu.memory_space<hbm>>
    tpu.enqueue_dma source(%dma_start3A_101 : memref<25x128xi16, #tpu.memory_space<hbm>>) target(%arg7 : memref<25x128xi16, #tpu.memory_space<vmem>>) target_semaphore(%arg13 : memref<!tpu.dma_semaphore, #tpu.memory_space<semaphore_mem>>)
    %mul3A_102 = arith.constant 128 : i32
    %mul3A_103 = arith.muli %mul3A_95, %mul3A_102 : i32
    %dma_start3A_104 = arith.constant 25 : i32
    %dma_start3A_105 = tpu.memref_slice %arg3[%dma_start3A_104, %mul3A_103] : memref<200x4096xi16, #tpu.memory_space<hbm>> -> memref<25x128xi16, #tpu.memory_space<hbm>>
    %dma_start3A_106 = arith.constant 25 : i32
    %dma_start3A_107 = tpu.memref_slice %arg3[%dma_start3A_106, %mul3A_103] : memref<200x4096xi16, #tpu.memory_space<hbm>> -> memref<25x128xi16, #tpu.memory_space<hbm>>
    tpu.enqueue_dma source(%dma_start3A_107 : memref<25x128xi16, #tpu.memory_space<hbm>>) target(%arg8 : memref<25x128xi16, #tpu.memory_space<vmem>>) target_semaphore(%arg14 : memref<!tpu.dma_semaphore, #tpu.memory_space<semaphore_mem>>)
    %scan3A = arith.constant 0 : i32
    %scan3A_108 = arith.constant 0 : i32
    %scan3A_109 = arith.constant 16 : i32
    %scan3A_110 = arith.addi %scan3A_108, %scan3A_109 : i32
    %scan3A_111 = arith.constant 1 : i32
    scf.for %scan3A_134 = %scan3A_108 to %scan3A_110 step %scan3A_111  : i32 {
      %mul3A_135 = arith.constant 16 : i32
      %mul3A_136 = arith.muli %arg0, %mul3A_135 : i32
      %add3A_137 = arith.addi %mul3A_136, %scan3A_134 : i32
      %add3A_138 = arith.constant 1 : i32
      %add3A_139 = arith.addi %scan3A_134, %add3A_138 : i32
      %lt3A_140 = arith.constant 16 : i32
      %lt3A_141 = arith.cmpi slt, %add3A_139, %lt3A_140 : i32
      %mul3A_142 = arith.constant 16 : i32
      %mul3A_143 = arith.muli %arg0, %mul3A_142 : i32
      %add3A_144 = arith.addi %mul3A_143, %scan3A_134 : i32
      %dma_wait3A_145 = arith.constant 0 : i32
      %dma_wait3A_146 = arith.constant 0 : i32
      %dma_wait3A_147 = tpu.memref_slice %arg2[%dma_wait3A_145, %select_n3A, %add3A_144, %mul3A_64, %dma_wait3A_146] : memref<200x8x32x8x128xf32, #tpu.memory_space<hbm>> -> memref<200x1x1x2x128xf32, #tpu.memory_space<hbm>>
      %dma_wait3A_148 = tpu.memref_squeeze %dma_wait3A_147 : memref<200x1x1x2x128xf32, #tpu.memory_space<hbm>> -> memref<200x2x128xf32, #tpu.memory_space<hbm>>
      %dma_wait3A_149 = arith.constant 0 : i32
      %dma_wait3A_150 = arith.constant 0 : i32
      %dma_wait3A_151 = tpu.memref_slice %arg2[%dma_wait3A_149, %select_n3A, %add3A_144, %mul3A_64, %dma_wait3A_150] : memref<200x8x32x8x128xf32, #tpu.memory_space<hbm>> -> memref<200x1x1x2x128xf32, #tpu.memory_space<hbm>>
      %dma_wait3A_152 = tpu.memref_squeeze %dma_wait3A_151 : memref<200x1x1x2x128xf32, #tpu.memory_space<hbm>> -> memref<200x2x128xf32, #tpu.memory_space<hbm>>
      tpu.wait_dma2 semaphore(%arg11 : memref<!tpu.dma_semaphore, #tpu.memory_space<semaphore_mem>>) src(%dma_wait3A_152 : memref<200x2x128xf32, #tpu.memory_space<hbm>>) dst(%arg5 : memref<200x2x128xf32, #tpu.memory_space<vmem>>)
      %scan3A_153 = arith.constant 0 : i32
      %scan3A_154 = arith.constant true
      %scan3A_155 = arith.constant 0 : i32
      %scan3A_156 = arith.constant 4 : i32
      %scan3A_157 = arith.addi %scan3A_155, %scan3A_156 : i32
      %scan3A_158 = arith.constant 1 : i32
      scf.for %scan3A_183 = %scan3A_155 to %scan3A_157 step %scan3A_158  : i32 {
        %mul3A_184 = arith.constant 2 : i32
        %mul3A_185 = arith.muli %mul3A_184, %scan3A_183 : i32
        %add3A_186 = arith.constant 0 : i32
        %add3A_187 = arith.addi %mul3A_185, %add3A_186 : i32
        %mul3A_188 = arith.constant 25 : i32
        %mul3A_189 = arith.muli %add3A_187, %mul3A_188 : i32
        %mul3A_190 = arith.constant 128 : i32
        %mul3A_191 = arith.muli %add3A_137, %mul3A_190 : i32
        %dma_wait3A_192 = tpu.memref_slice %arg3[%mul3A_189, %mul3A_191] : memref<200x4096xi16, #tpu.memory_space<hbm>> -> memref<25x128xi16, #tpu.memory_space<hbm>>
        %dma_wait3A_193 = tpu.memref_slice %arg3[%mul3A_189, %mul3A_191] : memref<200x4096xi16, #tpu.memory_space<hbm>> -> memref<25x128xi16, #tpu.memory_space<hbm>>
        tpu.wait_dma2 semaphore(%arg13 : memref<!tpu.dma_semaphore, #tpu.memory_space<semaphore_mem>>) src(%dma_wait3A_193 : memref<25x128xi16, #tpu.memory_space<hbm>>) dst(%arg7 : memref<25x128xi16, #tpu.memory_space<vmem>>)
        %eq3A_194 = arith.constant 0 : i32
        %eq3A_195 = arith.cmpi eq, %scan3A_134, %eq3A_194 : i32
        %eq3A_196 = arith.constant 0 : i32
        %eq3A_197 = arith.cmpi eq, %scan3A_183, %eq3A_196 : i32
        %and3A_198 = arith.andi %eq3A_195, %eq3A_197 : i1
        %not3A = arith.constant true
        %not3A_199 = arith.xori %and3A_198, %not3A : i1
        %convert_element_type3A_200 = arith.extui %not3A_199 : i1 to i32
        %cond3A_201 = arith.constant 0 : i32
        %cond3A_202 = arith.cmpi ne, %convert_element_type3A_200, %cond3A_201 : i32
        scf.if %cond3A_202 {
          %dma_wait3A_262 = arith.constant 0 : i32
          %dma_wait3A_263 = tpu.memref_slice %arg4[%mul3A_189, %select_n3A, %add3A_137, %mul3A_64, %dma_wait3A_262] : memref<200x8x32x8x128xf32, #tpu.memory_space<hbm>> -> memref<25x1x1x2x128xf32, #tpu.memory_space<hbm>>
          %dma_wait3A_264 = tpu.memref_squeeze %dma_wait3A_263 : memref<25x1x1x2x128xf32, #tpu.memory_space<hbm>> -> memref<25x2x128xf32, #tpu.memory_space<hbm>>
          %dma_wait3A_265 = arith.constant 0 : i32
          %dma_wait3A_266 = tpu.memref_slice %arg4[%mul3A_189, %select_n3A, %add3A_137, %mul3A_64, %dma_wait3A_265] : memref<200x8x32x8x128xf32, #tpu.memory_space<hbm>> -> memref<25x1x1x2x128xf32, #tpu.memory_space<hbm>>
          %dma_wait3A_267 = tpu.memref_squeeze %dma_wait3A_266 : memref<25x1x1x2x128xf32, #tpu.memory_space<hbm>> -> memref<25x2x128xf32, #tpu.memory_space<hbm>>
          tpu.wait_dma2 semaphore(%arg15 : memref<!tpu.dma_semaphore, #tpu.memory_space<semaphore_mem>>) src(%arg9 : memref<25x2x128xf32, #tpu.memory_space<vmem>>) dst(%dma_wait3A_267 : memref<25x2x128xf32, #tpu.memory_space<hbm>>)
        } else {
        }
        %parallel_loop3A = arith.constant 0 : i32
        %parallel_loop3A_203 = arith.constant 25 : i32
        %parallel_loop3A_204 = arith.constant 1 : i32
        scf.for %parallel_loop3A_262 = %parallel_loop3A to %parallel_loop3A_203 step %parallel_loop3A_204  : i32 {
          %parallel_loop3A_263 = arith.index_cast %parallel_loop3A_262 : i32 to index
          %parallel_loop3A_264 = arith.constant 0 : index
          %parallel_loop3A_265 = tpu.vector_load %arg7[%parallel_loop3A_263, %parallel_loop3A_264] {strides = array<i32>} : memref<25x128xi16, #tpu.memory_space<vmem>>, vector<32xi16>,
          %parallel_loop3A_266 = vector.bitcast %parallel_loop3A_265 : vector<32xi16> to vector<16xi32>
          %parallel_loop3A_267 = arith.constant 65535 : i32
          %parallel_loop3A_268 = vector.broadcast %parallel_loop3A_267 : i32 to vector<16xi32>
          %parallel_loop3A_269 = arith.andi %parallel_loop3A_266, %parallel_loop3A_268 : vector<16xi32>
          %parallel_loop3A_270 = arith.constant 16 : i32
          %parallel_loop3A_271 = vector.broadcast %parallel_loop3A_270 : i32 to vector<16xi32>
          %parallel_loop3A_272 = arith.shrui %parallel_loop3A_266, %parallel_loop3A_271 : vector<16xi32>
          %parallel_loop3A_273 = arith.index_cast %parallel_loop3A_262 : i32 to index
          %parallel_loop3A_274 = arith.constant 32 : index
          %parallel_loop3A_275 = tpu.vector_load %arg7[%parallel_loop3A_273, %parallel_loop3A_274] {strides = array<i32>} : memref<25x128xi16, #tpu.memory_space<vmem>>, vector<32xi16>,
          %parallel_loop3A_276 = vector.bitcast %parallel_loop3A_275 : vector<32xi16> to vector<16xi32>
          %parallel_loop3A_277 = arith.constant 65535 : i32
          %parallel_loop3A_278 = vector.broadcast %parallel_loop3A_277 : i32 to vector<16xi32>
          %parallel_loop3A_279 = arith.andi %parallel_loop3A_276, %parallel_loop3A_278 : vector<16xi32>
          %parallel_loop3A_280 = arith.constant 16 : i32
          %parallel_loop3A_281 = vector.broadcast %parallel_loop3A_280 : i32 to vector<16xi32>
          %parallel_loop3A_282 = arith.shrui %parallel_loop3A_276, %parallel_loop3A_281 : vector<16xi32>
          %parallel_loop3A_283 = arith.index_cast %parallel_loop3A_262 : i32 to index
          %parallel_loop3A_284 = arith.constant 64 : index
          %parallel_loop3A_285 = tpu.vector_load %arg7[%parallel_loop3A_283, %parallel_loop3A_284] {strides = array<i32>} : memref<25x128xi16, #tpu.memory_space<vmem>>, vector<32xi16>,
          %parallel_loop3A_286 = vector.bitcast %parallel_loop3A_285 : vector<32xi16> to vector<16xi32>
          %parallel_loop3A_287 = arith.constant 65535 : i32
          %parallel_loop3A_288 = vector.broadcast %parallel_loop3A_287 : i32 to vector<16xi32>
          %parallel_loop3A_289 = arith.andi %parallel_loop3A_286, %parallel_loop3A_288 : vector<16xi32>
          %parallel_loop3A_290 = arith.constant 16 : i32
          %parallel_loop3A_291 = vector.broadcast %parallel_loop3A_290 : i32 to vector<16xi32>
          %parallel_loop3A_292 = arith.shrui %parallel_loop3A_286, %parallel_loop3A_291 : vector<16xi32>
          %parallel_loop3A_293 = arith.index_cast %parallel_loop3A_262 : i32 to index
          %parallel_loop3A_294 = arith.constant 96 : index
          %parallel_loop3A_295 = tpu.vector_load %arg7[%parallel_loop3A_293, %parallel_loop3A_294] {strides = array<i32>} : memref<25x128xi16, #tpu.memory_space<vmem>>, vector<32xi16>,
          %parallel_loop3A_296 = vector.bitcast %parallel_loop3A_295 : vector<32xi16> to vector<16xi32>
          %parallel_loop3A_297 = arith.constant 65535 : i32
          %parallel_loop3A_298 = vector.broadcast %parallel_loop3A_297 : i32 to vector<16xi32>
          %parallel_loop3A_299 = arith.andi %parallel_loop3A_296, %parallel_loop3A_298 : vector<16xi32>
          %parallel_loop3A_300 = arith.constant 16 : i32
          %parallel_loop3A_301 = vector.broadcast %parallel_loop3A_300 : i32 to vector<16xi32>
          %parallel_loop3A_302 = arith.shrui %parallel_loop3A_296, %parallel_loop3A_301 : vector<16xi32>
          %parallel_loop3A_303 = tpu.vector_load_idx %arg5[%parallel_loop3A_269, %add3A_56, %add3A_31] : memref<200x2x128xf32, #tpu.memory_space<vmem>>[vector<16xi32>, vector<16xi32>, vector<16xi32>], vector<16xf32>,
          %parallel_loop3A_304 = tpu.vector_load_idx %arg5[%parallel_loop3A_269, %add3A_61, %add3A_31] : memref<200x2x128xf32, #tpu.memory_space<vmem>>[vector<16xi32>, vector<16xi32>, vector<16xi32>], vector<16xf32>,
          %parallel_loop3A_305 = tpu.vector_load_idx %arg5[%parallel_loop3A_272, %add3A_56, %add3A_34] : memref<200x2x128xf32, #tpu.memory_space<vmem>>[vector<16xi32>, vector<16xi32>, vector<16xi32>], vector<16xf32>,
          %parallel_loop3A_306 = tpu.vector_load_idx %arg5[%parallel_loop3A_272, %add3A_61, %add3A_34] : memref<200x2x128xf32, #tpu.memory_space<vmem>>[vector<16xi32>, vector<16xi32>, vector<16xi32>], vector<16xf32>,
          %parallel_loop3A_307 = tpu.vector_load_idx %arg5[%parallel_loop3A_279, %add3A_56, %add3A_37] : memref<200x2x128xf32, #tpu.memory_space<vmem>>[vector<16xi32>, vector<16xi32>, vector<16xi32>], vector<16xf32>,
          %parallel_loop3A_308 = tpu.vector_load_idx %arg5[%parallel_loop3A_279, %add3A_61, %add3A_37] : memref<200x2x128xf32, #tpu.memory_space<vmem>>[vector<16xi32>, vector<16xi32>, vector<16xi32>], vector<16xf32>,
          %parallel_loop3A_309 = tpu.vector_load_idx %arg5[%parallel_loop3A_282, %add3A_56, %add3A_40] : memref<200x2x128xf32, #tpu.memory_space<vmem>>[vector<16xi32>, vector<16xi32>, vector<16xi32>], vector<16xf32>,
          %parallel_loop3A_310 = tpu.vector_load_idx %arg5[%parallel_loop3A_282, %add3A_61, %add3A_40] : memref<200x2x128xf32, #tpu.memory_space<vmem>>[vector<16xi32>, vector<16xi32>, vector<16xi32>], vector<16xf32>,
          %parallel_loop3A_311 = tpu.vector_load_idx %arg5[%parallel_loop3A_289, %add3A_56, %add3A_43] : memref<200x2x128xf32, #tpu.memory_space<vmem>>[vector<16xi32>, vector<16xi32>, vector<16xi32>], vector<16xf32>,
          %parallel_loop3A_312 = tpu.vector_load_idx %arg5[%parallel_loop3A_289, %add3A_61, %add3A_43] : memref<200x2x128xf32, #tpu.memory_space<vmem>>[vector<16xi32>, vector<16xi32>, vector<16xi32>], vector<16xf32>,
          %parallel_loop3A_313 = tpu.vector_load_idx %arg5[%parallel_loop3A_292, %add3A_56, %add3A_46] : memref<200x2x128xf32, #tpu.memory_space<vmem>>[vector<16xi32>, vector<16xi32>, vector<16xi32>], vector<16xf32>,
          %parallel_loop3A_314 = tpu.vector_load_idx %arg5[%parallel_loop3A_292, %add3A_61, %add3A_46] : memref<200x2x128xf32, #tpu.memory_space<vmem>>[vector<16xi32>, vector<16xi32>, vector<16xi32>], vector<16xf32>,
          %parallel_loop3A_315 = tpu.vector_load_idx %arg5[%parallel_loop3A_299, %add3A_56, %add3A_49] : memref<200x2x128xf32, #tpu.memory_space<vmem>>[vector<16xi32>, vector<16xi32>, vector<16xi32>], vector<16xf32>,
          %parallel_loop3A_316 = tpu.vector_load_idx %arg5[%parallel_loop3A_299, %add3A_61, %add3A_49] : memref<200x2x128xf32, #tpu.memory_space<vmem>>[vector<16xi32>, vector<16xi32>, vector<16xi32>], vector<16xf32>,
          %parallel_loop3A_317 = tpu.vector_load_idx %arg5[%parallel_loop3A_302, %add3A_56, %add3A_52] : memref<200x2x128xf32, #tpu.memory_space<vmem>>[vector<16xi32>, vector<16xi32>, vector<16xi32>], vector<16xf32>,
          %parallel_loop3A_318 = tpu.vector_load_idx %arg5[%parallel_loop3A_302, %add3A_61, %add3A_52] : memref<200x2x128xf32, #tpu.memory_space<vmem>>[vector<16xi32>, vector<16xi32>, vector<16xi32>], vector<16xf32>,
          %parallel_loop3A_319 = arith.constant 0 : i32
          %parallel_loop3A_320 = arith.index_cast %parallel_loop3A_262 : i32 to index
          %parallel_loop3A_321 = arith.index_cast %parallel_loop3A_319 : i32 to index
          %parallel_loop3A_322 = arith.constant 0 : index
          %parallel_loop3A_323 = tpu.vector_load %arg9[%parallel_loop3A_320, %parallel_loop3A_321, %parallel_loop3A_322] {strides = array<i32>} : memref<25x2x128xf32, #tpu.memory_space<vmem>>, vector<16xf32>,
          tpu.vector_store %arg9[%parallel_loop3A_320, %parallel_loop3A_321, %parallel_loop3A_322], %parallel_loop3A_303 {strides = array<i32>} : memref<25x2x128xf32, #tpu.memory_space<vmem>>, vector<16xf32>,
          %parallel_loop3A_324 = arith.constant 1 : i32
          %parallel_loop3A_325 = arith.index_cast %parallel_loop3A_262 : i32 to index
          %parallel_loop3A_326 = arith.index_cast %parallel_loop3A_324 : i32 to index
          %parallel_loop3A_327 = arith.constant 0 : index
          %parallel_loop3A_328 = tpu.vector_load %arg9[%parallel_loop3A_325, %parallel_loop3A_326, %parallel_loop3A_327] {strides = array<i32>} : memref<25x2x128xf32, #tpu.memory_space<vmem>>, vector<16xf32>,
          tpu.vector_store %arg9[%parallel_loop3A_325, %parallel_loop3A_326, %parallel_loop3A_327], %parallel_loop3A_304 {strides = array<i32>} : memref<25x2x128xf32, #tpu.memory_space<vmem>>, vector<16xf32>,
          %parallel_loop3A_329 = arith.constant 0 : i32
          %parallel_loop3A_330 = arith.index_cast %parallel_loop3A_262 : i32 to index
          %parallel_loop3A_331 = arith.index_cast %parallel_loop3A_329 : i32 to index
          %parallel_loop3A_332 = arith.constant 16 : index
          %parallel_loop3A_333 = tpu.vector_load %arg9[%parallel_loop3A_330, %parallel_loop3A_331, %parallel_loop3A_332] {strides = array<i32>} : memref<25x2x128xf32, #tpu.memory_space<vmem>>, vector<16xf32>,
          tpu.vector_store %arg9[%parallel_loop3A_330, %parallel_loop3A_331, %parallel_loop3A_332], %parallel_loop3A_305 {strides = array<i32>} : memref<25x2x128xf32, #tpu.memory_space<vmem>>, vector<16xf32>,
          %parallel_loop3A_334 = arith.constant 1 : i32
          %parallel_loop3A_335 = arith.index_cast %parallel_loop3A_262 : i32 to index
          %parallel_loop3A_336 = arith.index_cast %parallel_loop3A_334 : i32 to index
          %parallel_loop3A_337 = arith.constant 16 : index
          %parallel_loop3A_338 = tpu.vector_load %arg9[%parallel_loop3A_335, %parallel_loop3A_336, %parallel_loop3A_337] {strides = array<i32>} : memref<25x2x128xf32, #tpu.memory_space<vmem>>, vector<16xf32>,
          tpu.vector_store %arg9[%parallel_loop3A_335, %parallel_loop3A_336, %parallel_loop3A_337], %parallel_loop3A_306 {strides = array<i32>} : memref<25x2x128xf32, #tpu.memory_space<vmem>>, vector<16xf32>,
          %parallel_loop3A_339 = arith.constant 0 : i32
          %parallel_loop3A_340 = arith.index_cast %parallel_loop3A_262 : i32 to index
          %parallel_loop3A_341 = arith.index_cast %parallel_loop3A_339 : i32 to index
          %parallel_loop3A_342 = arith.constant 32 : index
          %parallel_loop3A_343 = tpu.vector_load %arg9[%parallel_loop3A_340, %parallel_loop3A_341, %parallel_loop3A_342] {strides = array<i32>} : memref<25x2x128xf32, #tpu.memory_space<vmem>>, vector<16xf32>,
          tpu.vector_store %arg9[%parallel_loop3A_340, %parallel_loop3A_341, %parallel_loop3A_342], %parallel_loop3A_307 {strides = array<i32>} : memref<25x2x128xf32, #tpu.memory_space<vmem>>, vector<16xf32>,
          %parallel_loop3A_344 = arith.constant 1 : i32
          %parallel_loop3A_345 = arith.index_cast %parallel_loop3A_262 : i32 to index
          %parallel_loop3A_346 = arith.index_cast %parallel_loop3A_344 : i32 to index
          %parallel_loop3A_347 = arith.constant 32 : index
          %parallel_loop3A_348 = tpu.vector_load %arg9[%parallel_loop3A_345, %parallel_loop3A_346, %parallel_loop3A_347] {strides = array<i32>} : memref<25x2x128xf32, #tpu.memory_space<vmem>>, vector<16xf32>,
          tpu.vector_store %arg9[%parallel_loop3A_345, %parallel_loop3A_346, %parallel_loop3A_347], %parallel_loop3A_308 {strides = array<i32>} : memref<25x2x128xf32, #tpu.memory_space<vmem>>, vector<16xf32>,
          %parallel_loop3A_349 = arith.constant 0 : i32
          %parallel_loop3A_350 = arith.index_cast %parallel_loop3A_262 : i32 to index
          %parallel_loop3A_351 = arith.index_cast %parallel_loop3A_349 : i32 to index
          %parallel_loop3A_352 = arith.constant 48 : index
          %parallel_loop3A_353 = tpu.vector_load %arg9[%parallel_loop3A_350, %parallel_loop3A_351, %parallel_loop3A_352] {strides = array<i32>} : memref<25x2x128xf32, #tpu.memory_space<vmem>>, vector<16xf32>,
          tpu.vector_store %arg9[%parallel_loop3A_350, %parallel_loop3A_351, %parallel_loop3A_352], %parallel_loop3A_309 {strides = array<i32>} : memref<25x2x128xf32, #tpu.memory_space<vmem>>, vector<16xf32>,
          %parallel_loop3A_354 = arith.constant 1 : i32
          %parallel_loop3A_355 = arith.index_cast %parallel_loop3A_262 : i32 to index
          %parallel_loop3A_356 = arith.index_cast %parallel_loop3A_354 : i32 to index
          %parallel_loop3A_357 = arith.constant 48 : index
          %parallel_loop3A_358 = tpu.vector_load %arg9[%parallel_loop3A_355, %parallel_loop3A_356, %parallel_loop3A_357] {strides = array<i32>} : memref<25x2x128xf32, #tpu.memory_space<vmem>>, vector<16xf32>,
          tpu.vector_store %arg9[%parallel_loop3A_355, %parallel_loop3A_356, %parallel_loop3A_357], %parallel_loop3A_310 {strides = array<i32>} : memref<25x2x128xf32, #tpu.memory_space<vmem>>, vector<16xf32>,
          %parallel_loop3A_359 = arith.constant 0 : i32
          %parallel_loop3A_360 = arith.index_cast %parallel_loop3A_262 : i32 to index
          %parallel_loop3A_361 = arith.index_cast %parallel_loop3A_359 : i32 to index
          %parallel_loop3A_362 = arith.constant 64 : index
          %parallel_loop3A_363 = tpu.vector_load %arg9[%parallel_loop3A_360, %parallel_loop3A_361, %parallel_loop3A_362] {strides = array<i32>} : memref<25x2x128xf32, #tpu.memory_space<vmem>>, vector<16xf32>,
          tpu.vector_store %arg9[%parallel_loop3A_360, %parallel_loop3A_361, %parallel_loop3A_362], %parallel_loop3A_311 {strides = array<i32>} : memref<25x2x128xf32, #tpu.memory_space<vmem>>, vector<16xf32>,
          %parallel_loop3A_364 = arith.constant 1 : i32
          %parallel_loop3A_365 = arith.index_cast %parallel_loop3A_262 : i32 to index
          %parallel_loop3A_366 = arith.index_cast %parallel_loop3A_364 : i32 to index
          %parallel_loop3A_367 = arith.constant 64 : index
          %parallel_loop3A_368 = tpu.vector_load %arg9[%parallel_loop3A_365, %parallel_loop3A_366, %parallel_loop3A_367] {strides = array<i32>} : memref<25x2x128xf32, #tpu.memory_space<vmem>>, vector<16xf32>,
          tpu.vector_store %arg9[%parallel_loop3A_365, %parallel_loop3A_366, %parallel_loop3A_367], %parallel_loop3A_312 {strides = array<i32>} : memref<25x2x128xf32, #tpu.memory_space<vmem>>, vector<16xf32>,
          %parallel_loop3A_369 = arith.constant 0 : i32
          %parallel_loop3A_370 = arith.index_cast %parallel_loop3A_262 : i32 to index
          %parallel_loop3A_371 = arith.index_cast %parallel_loop3A_369 : i32 to index
          %parallel_loop3A_372 = arith.constant 80 : index
          %parallel_loop3A_373 = tpu.vector_load %arg9[%parallel_loop3A_370, %parallel_loop3A_371, %parallel_loop3A_372] {strides = array<i32>} : memref<25x2x128xf32, #tpu.memory_space<vmem>>, vector<16xf32>,
          tpu.vector_store %arg9[%parallel_loop3A_370, %parallel_loop3A_371, %parallel_loop3A_372], %parallel_loop3A_313 {strides = array<i32>} : memref<25x2x128xf32, #tpu.memory_space<vmem>>, vector<16xf32>,
          %parallel_loop3A_374 = arith.constant 1 : i32
          %parallel_loop3A_375 = arith.index_cast %parallel_loop3A_262 : i32 to index
          %parallel_loop3A_376 = arith.index_cast %parallel_loop3A_374 : i32 to index
          %parallel_loop3A_377 = arith.constant 80 : index
          %parallel_loop3A_378 = tpu.vector_load %arg9[%parallel_loop3A_375, %parallel_loop3A_376, %parallel_loop3A_377] {strides = array<i32>} : memref<25x2x128xf32, #tpu.memory_space<vmem>>, vector<16xf32>,
          tpu.vector_store %arg9[%parallel_loop3A_375, %parallel_loop3A_376, %parallel_loop3A_377], %parallel_loop3A_314 {strides = array<i32>} : memref<25x2x128xf32, #tpu.memory_space<vmem>>, vector<16xf32>,
          %parallel_loop3A_379 = arith.constant 0 : i32
          %parallel_loop3A_380 = arith.index_cast %parallel_loop3A_262 : i32 to index
          %parallel_loop3A_381 = arith.index_cast %parallel_loop3A_379 : i32 to index
          %parallel_loop3A_382 = arith.constant 96 : index
          %parallel_loop3A_383 = tpu.vector_load %arg9[%parallel_loop3A_380, %parallel_loop3A_381, %parallel_loop3A_382] {strides = array<i32>} : memref<25x2x128xf32, #tpu.memory_space<vmem>>, vector<16xf32>,
          tpu.vector_store %arg9[%parallel_loop3A_380, %parallel_loop3A_381, %parallel_loop3A_382], %parallel_loop3A_315 {strides = array<i32>} : memref<25x2x128xf32, #tpu.memory_space<vmem>>, vector<16xf32>,
          %parallel_loop3A_384 = arith.constant 1 : i32
          %parallel_loop3A_385 = arith.index_cast %parallel_loop3A_262 : i32 to index
          %parallel_loop3A_386 = arith.index_cast %parallel_loop3A_384 : i32 to index
          %parallel_loop3A_387 = arith.constant 96 : index
          %parallel_loop3A_388 = tpu.vector_load %arg9[%parallel_loop3A_385, %parallel_loop3A_386, %parallel_loop3A_387] {strides = array<i32>} : memref<25x2x128xf32, #tpu.memory_space<vmem>>, vector<16xf32>,
          tpu.vector_store %arg9[%parallel_loop3A_385, %parallel_loop3A_386, %parallel_loop3A_387], %parallel_loop3A_316 {strides = array<i32>} : memref<25x2x128xf32, #tpu.memory_space<vmem>>, vector<16xf32>,
          %parallel_loop3A_389 = arith.constant 0 : i32
          %parallel_loop3A_390 = arith.index_cast %parallel_loop3A_262 : i32 to index
          %parallel_loop3A_391 = arith.index_cast %parallel_loop3A_389 : i32 to index
          %parallel_loop3A_392 = arith.constant 112 : index
          %parallel_loop3A_393 = tpu.vector_load %arg9[%parallel_loop3A_390, %parallel_loop3A_391, %parallel_loop3A_392] {strides = array<i32>} : memref<25x2x128xf32, #tpu.memory_space<vmem>>, vector<16xf32>,
          tpu.vector_store %arg9[%parallel_loop3A_390, %parallel_loop3A_391, %parallel_loop3A_392], %parallel_loop3A_317 {strides = array<i32>} : memref<25x2x128xf32, #tpu.memory_space<vmem>>, vector<16xf32>,
          %parallel_loop3A_394 = arith.constant 1 : i32
          %parallel_loop3A_395 = arith.index_cast %parallel_loop3A_262 : i32 to index
          %parallel_loop3A_396 = arith.index_cast %parallel_loop3A_394 : i32 to index
          %parallel_loop3A_397 = arith.constant 112 : index
          %parallel_loop3A_398 = tpu.vector_load %arg9[%parallel_loop3A_395, %parallel_loop3A_396, %parallel_loop3A_397] {strides = array<i32>} : memref<25x2x128xf32, #tpu.memory_space<vmem>>, vector<16xf32>,
          tpu.vector_store %arg9[%parallel_loop3A_395, %parallel_loop3A_396, %parallel_loop3A_397], %parallel_loop3A_318 {strides = array<i32>} : memref<25x2x128xf32, #tpu.memory_space<vmem>>, vector<16xf32>,
        } {sc.loop_unroll_factor = 5 : i64, sc.parallel_access}
        %dma_start3A_205 = arith.constant 0 : i32
        %dma_start3A_206 = tpu.memref_slice %arg4[%mul3A_189, %select_n3A, %add3A_137, %mul3A_64, %dma_start3A_205] : memref<200x8x32x8x128xf32, #tpu.memory_space<hbm>> -> memref<25x1x1x2x128xf32, #tpu.memory_space<hbm>>
        %dma_start3A_207 = tpu.memref_squeeze %dma_start3A_206 : memref<25x1x1x2x128xf32, #tpu.memory_space<hbm>> -> memref<25x2x128xf32, #tpu.memory_space<hbm>>
        %dma_start3A_208 = arith.constant 0 : i32
        %dma_start3A_209 = tpu.memref_slice %arg4[%mul3A_189, %select_n3A, %add3A_137, %mul3A_64, %dma_start3A_208] : memref<200x8x32x8x128xf32, #tpu.memory_space<hbm>> -> memref<25x1x1x2x128xf32, #tpu.memory_space<hbm>>
        %dma_start3A_210 = tpu.memref_squeeze %dma_start3A_209 : memref<25x1x1x2x128xf32, #tpu.memory_space<hbm>> -> memref<25x2x128xf32, #tpu.memory_space<hbm>>
        tpu.enqueue_dma source(%arg9 : memref<25x2x128xf32, #tpu.memory_space<vmem>>) target(%dma_start3A_210 : memref<25x2x128xf32, #tpu.memory_space<hbm>>) target_semaphore(%arg15 : memref<!tpu.dma_semaphore, #tpu.memory_space<semaphore_mem>>)
        %lt3A_211 = arith.constant 3 : i32
        %lt3A_212 = arith.cmpi slt, %scan3A_183, %lt3A_211 : i32
        %convert_element_type3A_213 = arith.extui %lt3A_212 : i1 to i32
        %cond3A_214 = arith.constant 0 : i32
        %cond3A_215 = arith.cmpi ne, %convert_element_type3A_213, %cond3A_214 : i32
        scf.if %cond3A_215 {
          %add3A_262 = arith.constant 50 : i32
          %add3A_263 = arith.addi %mul3A_189, %add3A_262 : i32
          %mul3A_264 = arith.constant 128 : i32
          %mul3A_265 = arith.muli %add3A_137, %mul3A_264 : i32
          %dma_start3A_266 = tpu.memref_slice %arg3[%add3A_263, %mul3A_265] : memref<200x4096xi16, #tpu.memory_space<hbm>> -> memref<25x128xi16, #tpu.memory_space<hbm>>
          %dma_start3A_267 = tpu.memref_slice %arg3[%add3A_263, %mul3A_265] : memref<200x4096xi16, #tpu.memory_space<hbm>> -> memref<25x128xi16, #tpu.memory_space<hbm>>
          tpu.enqueue_dma source(%dma_start3A_267 : memref<25x128xi16, #tpu.memory_space<hbm>>) target(%arg7 : memref<25x128xi16, #tpu.memory_space<vmem>>) target_semaphore(%arg13 : memref<!tpu.dma_semaphore, #tpu.memory_space<semaphore_mem>>)
        } else {
        }
        %eq3A_216 = arith.constant 3 : i32
        %eq3A_217 = arith.cmpi eq, %scan3A_183, %eq3A_216 : i32
        %and3A_218 = arith.andi %eq3A_217, %scan3A_154 : i1
        %convert_element_type3A_219 = arith.extui %and3A_218 : i1 to i32
        %cond3A_220 = arith.constant 0 : i32
        %cond3A_221 = arith.cmpi ne, %convert_element_type3A_219, %cond3A_220 : i32
        scf.if %cond3A_221 {
          %mul3A_262 = arith.constant 128 : i32
          %mul3A_263 = arith.muli %add3A_137, %mul3A_262 : i32
          %dma_start3A_264 = arith.constant 0 : i32
          %dma_start3A_265 = tpu.memref_slice %arg3[%dma_start3A_264, %mul3A_263] : memref<200x4096xi16, #tpu.memory_space<hbm>> -> memref<25x128xi16, #tpu.memory_space<hbm>>
          %dma_start3A_266 = arith.constant 0 : i32
          %dma_start3A_267 = tpu.memref_slice %arg3[%dma_start3A_266, %mul3A_263] : memref<200x4096xi16, #tpu.memory_space<hbm>> -> memref<25x128xi16, #tpu.memory_space<hbm>>
          tpu.enqueue_dma source(%dma_start3A_267 : memref<25x128xi16, #tpu.memory_space<hbm>>) target(%arg7 : memref<25x128xi16, #tpu.memory_space<vmem>>) target_semaphore(%arg13 : memref<!tpu.dma_semaphore, #tpu.memory_space<semaphore_mem>>)
        } else {
        }
        %mul3A_222 = arith.constant 2 : i32
        %mul3A_223 = arith.muli %mul3A_222, %scan3A_183 : i32
        %add3A_224 = arith.constant 1 : i32
        %add3A_225 = arith.addi %mul3A_223, %add3A_224 : i32
        %mul3A_226 = arith.constant 25 : i32
        %mul3A_227 = arith.muli %add3A_225, %mul3A_226 : i32
        %mul3A_228 = arith.constant 128 : i32
        %mul3A_229 = arith.muli %add3A_137, %mul3A_228 : i32
        %dma_wait3A_230 = tpu.memref_slice %arg3[%mul3A_227, %mul3A_229] : memref<200x4096xi16, #tpu.memory_space<hbm>> -> memref<25x128xi16, #tpu.memory_space<hbm>>
        %dma_wait3A_231 = tpu.memref_slice %arg3[%mul3A_227, %mul3A_229] : memref<200x4096xi16, #tpu.memory_space<hbm>> -> memref<25x128xi16, #tpu.memory_space<hbm>>
        tpu.wait_dma2 semaphore(%arg14 : memref<!tpu.dma_semaphore, #tpu.memory_space<semaphore_mem>>) src(%dma_wait3A_231 : memref<25x128xi16, #tpu.memory_space<hbm>>) dst(%arg8 : memref<25x128xi16, #tpu.memory_space<vmem>>)
        %eq3A_232 = arith.constant 0 : i32
        %eq3A_233 = arith.cmpi eq, %scan3A_134, %eq3A_232 : i32
        %eq3A_234 = arith.constant 0 : i32
        %eq3A_235 = arith.cmpi eq, %scan3A_183, %eq3A_234 : i32
        %and3A_236 = arith.andi %eq3A_233, %eq3A_235 : i1
        %not3A_237 = arith.constant true
        %not3A_238 = arith.xori %and3A_236, %not3A_237 : i1
        %convert_element_type3A_239 = arith.extui %not3A_238 : i1 to i32
        %cond3A_240 = arith.constant 0 : i32
        %cond3A_241 = arith.cmpi ne, %convert_element_type3A_239, %cond3A_240 : i32
        scf.if %cond3A_241 {
          %dma_wait3A_262 = arith.constant 0 : i32
          %dma_wait3A_263 = tpu.memref_slice %arg4[%mul3A_227, %select_n3A, %add3A_137, %mul3A_64, %dma_wait3A_262] : memref<200x8x32x8x128xf32, #tpu.memory_space<hbm>> -> memref<25x1x1x2x128xf32, #tpu.memory_space<hbm>>
          %dma_wait3A_264 = tpu.memref_squeeze %dma_wait3A_263 : memref<25x1x1x2x128xf32, #tpu.memory_space<hbm>> -> memref<25x2x128xf32, #tpu.memory_space<hbm>>
          %dma_wait3A_265 = arith.constant 0 : i32
          %dma_wait3A_266 = tpu.memref_slice %arg4[%mul3A_227, %select_n3A, %add3A_137, %mul3A_64, %dma_wait3A_265] : memref<200x8x32x8x128xf32, #tpu.memory_space<hbm>> -> memref<25x1x1x2x128xf32, #tpu.memory_space<hbm>>
          %dma_wait3A_267 = tpu.memref_squeeze %dma_wait3A_266 : memref<25x1x1x2x128xf32, #tpu.memory_space<hbm>> -> memref<25x2x128xf32, #tpu.memory_space<hbm>>
          tpu.wait_dma2 semaphore(%arg16 : memref<!tpu.dma_semaphore, #tpu.memory_space<semaphore_mem>>) src(%arg10 : memref<25x2x128xf32, #tpu.memory_space<vmem>>) dst(%dma_wait3A_267 : memref<25x2x128xf32, #tpu.memory_space<hbm>>)
        } else {
        }
        %parallel_loop3A_242 = arith.constant 0 : i32
        %parallel_loop3A_243 = arith.constant 25 : i32
        %parallel_loop3A_244 = arith.constant 1 : i32
        scf.for %parallel_loop3A_262 = %parallel_loop3A_242 to %parallel_loop3A_243 step %parallel_loop3A_244  : i32 {
          %parallel_loop3A_263 = arith.index_cast %parallel_loop3A_262 : i32 to index
          %parallel_loop3A_264 = arith.constant 0 : index
          %parallel_loop3A_265 = tpu.vector_load %arg8[%parallel_loop3A_263, %parallel_loop3A_264] {strides = array<i32>} : memref<25x128xi16, #tpu.memory_space<vmem>>, vector<32xi16>,
          %parallel_loop3A_266 = vector.bitcast %parallel_loop3A_265 : vector<32xi16> to vector<16xi32>
          %parallel_loop3A_267 = arith.constant 65535 : i32
          %parallel_loop3A_268 = vector.broadcast %parallel_loop3A_267 : i32 to vector<16xi32>
          %parallel_loop3A_269 = arith.andi %parallel_loop3A_266, %parallel_loop3A_268 : vector<16xi32>
          %parallel_loop3A_270 = arith.constant 16 : i32
          %parallel_loop3A_271 = vector.broadcast %parallel_loop3A_270 : i32 to vector<16xi32>
          %parallel_loop3A_272 = arith.shrui %parallel_loop3A_266, %parallel_loop3A_271 : vector<16xi32>
          %parallel_loop3A_273 = arith.index_cast %parallel_loop3A_262 : i32 to index
          %parallel_loop3A_274 = arith.constant 32 : index
          %parallel_loop3A_275 = tpu.vector_load %arg8[%parallel_loop3A_273, %parallel_loop3A_274] {strides = array<i32>} : memref<25x128xi16, #tpu.memory_space<vmem>>, vector<32xi16>,
          %parallel_loop3A_276 = vector.bitcast %parallel_loop3A_275 : vector<32xi16> to vector<16xi32>
          %parallel_loop3A_277 = arith.constant 65535 : i32
          %parallel_loop3A_278 = vector.broadcast %parallel_loop3A_277 : i32 to vector<16xi32>
          %parallel_loop3A_279 = arith.andi %parallel_loop3A_276, %parallel_loop3A_278 : vector<16xi32>
          %parallel_loop3A_280 = arith.constant 16 : i32
          %parallel_loop3A_281 = vector.broadcast %parallel_loop3A_280 : i32 to vector<16xi32>
          %parallel_loop3A_282 = arith.shrui %parallel_loop3A_276, %parallel_loop3A_281 : vector<16xi32>
          %parallel_loop3A_283 = arith.index_cast %parallel_loop3A_262 : i32 to index
          %parallel_loop3A_284 = arith.constant 64 : index
          %parallel_loop3A_285 = tpu.vector_load %arg8[%parallel_loop3A_283, %parallel_loop3A_284] {strides = array<i32>} : memref<25x128xi16, #tpu.memory_space<vmem>>, vector<32xi16>,
          %parallel_loop3A_286 = vector.bitcast %parallel_loop3A_285 : vector<32xi16> to vector<16xi32>
          %parallel_loop3A_287 = arith.constant 65535 : i32
          %parallel_loop3A_288 = vector.broadcast %parallel_loop3A_287 : i32 to vector<16xi32>
          %parallel_loop3A_289 = arith.andi %parallel_loop3A_286, %parallel_loop3A_288 : vector<16xi32>
          %parallel_loop3A_290 = arith.constant 16 : i32
          %parallel_loop3A_291 = vector.broadcast %parallel_loop3A_290 : i32 to vector<16xi32>
          %parallel_loop3A_292 = arith.shrui %parallel_loop3A_286, %parallel_loop3A_291 : vector<16xi32>
          %parallel_loop3A_293 = arith.index_cast %parallel_loop3A_262 : i32 to index
          %parallel_loop3A_294 = arith.constant 96 : index
          %parallel_loop3A_295 = tpu.vector_load %arg8[%parallel_loop3A_293, %parallel_loop3A_294] {strides = array<i32>} : memref<25x128xi16, #tpu.memory_space<vmem>>, vector<32xi16>,
          %parallel_loop3A_296 = vector.bitcast %parallel_loop3A_295 : vector<32xi16> to vector<16xi32>
          %parallel_loop3A_297 = arith.constant 65535 : i32
          %parallel_loop3A_298 = vector.broadcast %parallel_loop3A_297 : i32 to vector<16xi32>
          %parallel_loop3A_299 = arith.andi %parallel_loop3A_296, %parallel_loop3A_298 : vector<16xi32>
          %parallel_loop3A_300 = arith.constant 16 : i32
          %parallel_loop3A_301 = vector.broadcast %parallel_loop3A_300 : i32 to vector<16xi32>
          %parallel_loop3A_302 = arith.shrui %parallel_loop3A_296, %parallel_loop3A_301 : vector<16xi32>
          %parallel_loop3A_303 = tpu.vector_load_idx %arg5[%parallel_loop3A_269, %add3A_56, %add3A_31] : memref<200x2x128xf32, #tpu.memory_space<vmem>>[vector<16xi32>, vector<16xi32>, vector<16xi32>], vector<16xf32>,
          %parallel_loop3A_304 = tpu.vector_load_idx %arg5[%parallel_loop3A_269, %add3A_61, %add3A_31] : memref<200x2x128xf32, #tpu.memory_space<vmem>>[vector<16xi32>, vector<16xi32>, vector<16xi32>], vector<16xf32>,
          %parallel_loop3A_305 = tpu.vector_load_idx %arg5[%parallel_loop3A_272, %add3A_56, %add3A_34] : memref<200x2x128xf32, #tpu.memory_space<vmem>>[vector<16xi32>, vector<16xi32>, vector<16xi32>], vector<16xf32>,
          %parallel_loop3A_306 = tpu.vector_load_idx %arg5[%parallel_loop3A_272, %add3A_61, %add3A_34] : memref<200x2x128xf32, #tpu.memory_space<vmem>>[vector<16xi32>, vector<16xi32>, vector<16xi32>], vector<16xf32>,
          %parallel_loop3A_307 = tpu.vector_load_idx %arg5[%parallel_loop3A_279, %add3A_56, %add3A_37] : memref<200x2x128xf32, #tpu.memory_space<vmem>>[vector<16xi32>, vector<16xi32>, vector<16xi32>], vector<16xf32>,
          %parallel_loop3A_308 = tpu.vector_load_idx %arg5[%parallel_loop3A_279, %add3A_61, %add3A_37] : memref<200x2x128xf32, #tpu.memory_space<vmem>>[vector<16xi32>, vector<16xi32>, vector<16xi32>], vector<16xf32>,
          %parallel_loop3A_309 = tpu.vector_load_idx %arg5[%parallel_loop3A_282, %add3A_56, %add3A_40] : memref<200x2x128xf32, #tpu.memory_space<vmem>>[vector<16xi32>, vector<16xi32>, vector<16xi32>], vector<16xf32>,
          %parallel_loop3A_310 = tpu.vector_load_idx %arg5[%parallel_loop3A_282, %add3A_61, %add3A_40] : memref<200x2x128xf32, #tpu.memory_space<vmem>>[vector<16xi32>, vector<16xi32>, vector<16xi32>], vector<16xf32>,
          %parallel_loop3A_311 = tpu.vector_load_idx %arg5[%parallel_loop3A_289, %add3A_56, %add3A_43] : memref<200x2x128xf32, #tpu.memory_space<vmem>>[vector<16xi32>, vector<16xi32>, vector<16xi32>], vector<16xf32>,
          %parallel_loop3A_312 = tpu.vector_load_idx %arg5[%parallel_loop3A_289, %add3A_61, %add3A_43] : memref<200x2x128xf32, #tpu.memory_space<vmem>>[vector<16xi32>, vector<16xi32>, vector<16xi32>], vector<16xf32>,
          %parallel_loop3A_313 = tpu.vector_load_idx %arg5[%parallel_loop3A_292, %add3A_56, %add3A_46] : memref<200x2x128xf32, #tpu.memory_space<vmem>>[vector<16xi32>, vector<16xi32>, vector<16xi32>], vector<16xf32>,
          %parallel_loop3A_314 = tpu.vector_load_idx %arg5[%parallel_loop3A_292, %add3A_61, %add3A_46] : memref<200x2x128xf32, #tpu.memory_space<vmem>>[vector<16xi32>, vector<16xi32>, vector<16xi32>], vector<16xf32>,
          %parallel_loop3A_315 = tpu.vector_load_idx %arg5[%parallel_loop3A_299, %add3A_56, %add3A_49] : memref<200x2x128xf32, #tpu.memory_space<vmem>>[vector<16xi32>, vector<16xi32>, vector<16xi32>], vector<16xf32>,
          %parallel_loop3A_316 = tpu.vector_load_idx %arg5[%parallel_loop3A_299, %add3A_61, %add3A_49] : memref<200x2x128xf32, #tpu.memory_space<vmem>>[vector<16xi32>, vector<16xi32>, vector<16xi32>], vector<16xf32>,
          %parallel_loop3A_317 = tpu.vector_load_idx %arg5[%parallel_loop3A_302, %add3A_56, %add3A_52] : memref<200x2x128xf32, #tpu.memory_space<vmem>>[vector<16xi32>, vector<16xi32>, vector<16xi32>], vector<16xf32>,
          %parallel_loop3A_318 = tpu.vector_load_idx %arg5[%parallel_loop3A_302, %add3A_61, %add3A_52] : memref<200x2x128xf32, #tpu.memory_space<vmem>>[vector<16xi32>, vector<16xi32>, vector<16xi32>], vector<16xf32>,
          %parallel_loop3A_319 = arith.constant 0 : i32
          %parallel_loop3A_320 = arith.index_cast %parallel_loop3A_262 : i32 to index
          %parallel_loop3A_321 = arith.index_cast %parallel_loop3A_319 : i32 to index
          %parallel_loop3A_322 = arith.constant 0 : index
          %parallel_loop3A_323 = tpu.vector_load %arg10[%parallel_loop3A_320, %parallel_loop3A_321, %parallel_loop3A_322] {strides = array<i32>} : memref<25x2x128xf32, #tpu.memory_space<vmem>>, vector<16xf32>,
          tpu.vector_store %arg10[%parallel_loop3A_320, %parallel_loop3A_321, %parallel_loop3A_322], %parallel_loop3A_303 {strides = array<i32>} : memref<25x2x128xf32, #tpu.memory_space<vmem>>, vector<16xf32>,
          %parallel_loop3A_324 = arith.constant 1 : i32
          %parallel_loop3A_325 = arith.index_cast %parallel_loop3A_262 : i32 to index
          %parallel_loop3A_326 = arith.index_cast %parallel_loop3A_324 : i32 to index
          %parallel_loop3A_327 = arith.constant 0 : index
          %parallel_loop3A_328 = tpu.vector_load %arg10[%parallel_loop3A_325, %parallel_loop3A_326, %parallel_loop3A_327] {strides = array<i32>} : memref<25x2x128xf32, #tpu.memory_space<vmem>>, vector<16xf32>,
          tpu.vector_store %arg10[%parallel_loop3A_325, %parallel_loop3A_326, %parallel_loop3A_327], %parallel_loop3A_304 {strides = array<i32>} : memref<25x2x128xf32, #tpu.memory_space<vmem>>, vector<16xf32>,
          %parallel_loop3A_329 = arith.constant 0 : i32
          %parallel_loop3A_330 = arith.index_cast %parallel_loop3A_262 : i32 to index
          %parallel_loop3A_331 = arith.index_cast %parallel_loop3A_329 : i32 to index
          %parallel_loop3A_332 = arith.constant 16 : index
          %parallel_loop3A_333 = tpu.vector_load %arg10[%parallel_loop3A_330, %parallel_loop3A_331, %parallel_loop3A_332] {strides = array<i32>} : memref<25x2x128xf32, #tpu.memory_space<vmem>>, vector<16xf32>,
          tpu.vector_store %arg10[%parallel_loop3A_330, %parallel_loop3A_331, %parallel_loop3A_332], %parallel_loop3A_305 {strides = array<i32>} : memref<25x2x128xf32, #tpu.memory_space<vmem>>, vector<16xf32>,
          %parallel_loop3A_334 = arith.constant 1 : i32
          %parallel_loop3A_335 = arith.index_cast %parallel_loop3A_262 : i32 to index
          %parallel_loop3A_336 = arith.index_cast %parallel_loop3A_334 : i32 to index
          %parallel_loop3A_337 = arith.constant 16 : index
          %parallel_loop3A_338 = tpu.vector_load %arg10[%parallel_loop3A_335, %parallel_loop3A_336, %parallel_loop3A_337] {strides = array<i32>} : memref<25x2x128xf32, #tpu.memory_space<vmem>>, vector<16xf32>,
          tpu.vector_store %arg10[%parallel_loop3A_335, %parallel_loop3A_336, %parallel_loop3A_337], %parallel_loop3A_306 {strides = array<i32>} : memref<25x2x128xf32, #tpu.memory_space<vmem>>, vector<16xf32>,
          %parallel_loop3A_339 = arith.constant 0 : i32
          %parallel_loop3A_340 = arith.index_cast %parallel_loop3A_262 : i32 to index
          %parallel_loop3A_341 = arith.index_cast %parallel_loop3A_339 : i32 to index
          %parallel_loop3A_342 = arith.constant 32 : index
          %parallel_loop3A_343 = tpu.vector_load %arg10[%parallel_loop3A_340, %parallel_loop3A_341, %parallel_loop3A_342] {strides = array<i32>} : memref<25x2x128xf32, #tpu.memory_space<vmem>>, vector<16xf32>,
          tpu.vector_store %arg10[%parallel_loop3A_340, %parallel_loop3A_341, %parallel_loop3A_342], %parallel_loop3A_307 {strides = array<i32>} : memref<25x2x128xf32, #tpu.memory_space<vmem>>, vector<16xf32>,
          %parallel_loop3A_344 = arith.constant 1 : i32
          %parallel_loop3A_345 = arith.index_cast %parallel_loop3A_262 : i32 to index
          %parallel_loop3A_346 = arith.index_cast %parallel_loop3A_344 : i32 to index
          %parallel_loop3A_347 = arith.constant 32 : index
          %parallel_loop3A_348 = tpu.vector_load %arg10[%parallel_loop3A_345, %parallel_loop3A_346, %parallel_loop3A_347] {strides = array<i32>} : memref<25x2x128xf32, #tpu.memory_space<vmem>>, vector<16xf32>,
          tpu.vector_store %arg10[%parallel_loop3A_345, %parallel_loop3A_346, %parallel_loop3A_347], %parallel_loop3A_308 {strides = array<i32>} : memref<25x2x128xf32, #tpu.memory_space<vmem>>, vector<16xf32>,
          %parallel_loop3A_349 = arith.constant 0 : i32
          %parallel_loop3A_350 = arith.index_cast %parallel_loop3A_262 : i32 to index
          %parallel_loop3A_351 = arith.index_cast %parallel_loop3A_349 : i32 to index
          %parallel_loop3A_352 = arith.constant 48 : index
          %parallel_loop3A_353 = tpu.vector_load %arg10[%parallel_loop3A_350, %parallel_loop3A_351, %parallel_loop3A_352] {strides = array<i32>} : memref<25x2x128xf32, #tpu.memory_space<vmem>>, vector<16xf32>,
          tpu.vector_store %arg10[%parallel_loop3A_350, %parallel_loop3A_351, %parallel_loop3A_352], %parallel_loop3A_309 {strides = array<i32>} : memref<25x2x128xf32, #tpu.memory_space<vmem>>, vector<16xf32>,
          %parallel_loop3A_354 = arith.constant 1 : i32
          %parallel_loop3A_355 = arith.index_cast %parallel_loop3A_262 : i32 to index
          %parallel_loop3A_356 = arith.index_cast %parallel_loop3A_354 : i32 to index
          %parallel_loop3A_357 = arith.constant 48 : index
          %parallel_loop3A_358 = tpu.vector_load %arg10[%parallel_loop3A_355, %parallel_loop3A_356, %parallel_loop3A_357] {strides = array<i32>} : memref<25x2x128xf32, #tpu.memory_space<vmem>>, vector<16xf32>,
          tpu.vector_store %arg10[%parallel_loop3A_355, %parallel_loop3A_356, %parallel_loop3A_357], %parallel_loop3A_310 {strides = array<i32>} : memref<25x2x128xf32, #tpu.memory_space<vmem>>, vector<16xf32>,
          %parallel_loop3A_359 = arith.constant 0 : i32
          %parallel_loop3A_360 = arith.index_cast %parallel_loop3A_262 : i32 to index
          %parallel_loop3A_361 = arith.index_cast %parallel_loop3A_359 : i32 to index
          %parallel_loop3A_362 = arith.constant 64 : index
          %parallel_loop3A_363 = tpu.vector_load %arg10[%parallel_loop3A_360, %parallel_loop3A_361, %parallel_loop3A_362] {strides = array<i32>} : memref<25x2x128xf32, #tpu.memory_space<vmem>>, vector<16xf32>,
          tpu.vector_store %arg10[%parallel_loop3A_360, %parallel_loop3A_361, %parallel_loop3A_362], %parallel_loop3A_311 {strides = array<i32>} : memref<25x2x128xf32, #tpu.memory_space<vmem>>, vector<16xf32>,
          %parallel_loop3A_364 = arith.constant 1 : i32
          %parallel_loop3A_365 = arith.index_cast %parallel_loop3A_262 : i32 to index
          %parallel_loop3A_366 = arith.index_cast %parallel_loop3A_364 : i32 to index
          %parallel_loop3A_367 = arith.constant 64 : index
          %parallel_loop3A_368 = tpu.vector_load %arg10[%parallel_loop3A_365, %parallel_loop3A_366, %parallel_loop3A_367] {strides = array<i32>} : memref<25x2x128xf32, #tpu.memory_space<vmem>>, vector<16xf32>,
          tpu.vector_store %arg10[%parallel_loop3A_365, %parallel_loop3A_366, %parallel_loop3A_367], %parallel_loop3A_312 {strides = array<i32>} : memref<25x2x128xf32, #tpu.memory_space<vmem>>, vector<16xf32>,
          %parallel_loop3A_369 = arith.constant 0 : i32
          %parallel_loop3A_370 = arith.index_cast %parallel_loop3A_262 : i32 to index
          %parallel_loop3A_371 = arith.index_cast %parallel_loop3A_369 : i32 to index
          %parallel_loop3A_372 = arith.constant 80 : index
          %parallel_loop3A_373 = tpu.vector_load %arg10[%parallel_loop3A_370, %parallel_loop3A_371, %parallel_loop3A_372] {strides = array<i32>} : memref<25x2x128xf32, #tpu.memory_space<vmem>>, vector<16xf32>,
          tpu.vector_store %arg10[%parallel_loop3A_370, %parallel_loop3A_371, %parallel_loop3A_372], %parallel_loop3A_313 {strides = array<i32>} : memref<25x2x128xf32, #tpu.memory_space<vmem>>, vector<16xf32>,
          %parallel_loop3A_374 = arith.constant 1 : i32
          %parallel_loop3A_375 = arith.index_cast %parallel_loop3A_262 : i32 to index
          %parallel_loop3A_376 = arith.index_cast %parallel_loop3A_374 : i32 to index
          %parallel_loop3A_377 = arith.constant 80 : index
          %parallel_loop3A_378 = tpu.vector_load %arg10[%parallel_loop3A_375, %parallel_loop3A_376, %parallel_loop3A_377] {strides = array<i32>} : memref<25x2x128xf32, #tpu.memory_space<vmem>>, vector<16xf32>,
          tpu.vector_store %arg10[%parallel_loop3A_375, %parallel_loop3A_376, %parallel_loop3A_377], %parallel_loop3A_314 {strides = array<i32>} : memref<25x2x128xf32, #tpu.memory_space<vmem>>, vector<16xf32>,
          %parallel_loop3A_379 = arith.constant 0 : i32
          %parallel_loop3A_380 = arith.index_cast %parallel_loop3A_262 : i32 to index
          %parallel_loop3A_381 = arith.index_cast %parallel_loop3A_379 : i32 to index
          %parallel_loop3A_382 = arith.constant 96 : index
          %parallel_loop3A_383 = tpu.vector_load %arg10[%parallel_loop3A_380, %parallel_loop3A_381, %parallel_loop3A_382] {strides = array<i32>} : memref<25x2x128xf32, #tpu.memory_space<vmem>>, vector<16xf32>,
          tpu.vector_store %arg10[%parallel_loop3A_380, %parallel_loop3A_381, %parallel_loop3A_382], %parallel_loop3A_315 {strides = array<i32>} : memref<25x2x128xf32, #tpu.memory_space<vmem>>, vector<16xf32>,
          %parallel_loop3A_384 = arith.constant 1 : i32
          %parallel_loop3A_385 = arith.index_cast %parallel_loop3A_262 : i32 to index
          %parallel_loop3A_386 = arith.index_cast %parallel_loop3A_384 : i32 to index
          %parallel_loop3A_387 = arith.constant 96 : index
          %parallel_loop3A_388 = tpu.vector_load %arg10[%parallel_loop3A_385, %parallel_loop3A_386, %parallel_loop3A_387] {strides = array<i32>} : memref<25x2x128xf32, #tpu.memory_space<vmem>>, vector<16xf32>,
          tpu.vector_store %arg10[%parallel_loop3A_385, %parallel_loop3A_386, %parallel_loop3A_387], %parallel_loop3A_316 {strides = array<i32>} : memref<25x2x128xf32, #tpu.memory_space<vmem>>, vector<16xf32>,
          %parallel_loop3A_389 = arith.constant 0 : i32
          %parallel_loop3A_390 = arith.index_cast %parallel_loop3A_262 : i32 to index
          %parallel_loop3A_391 = arith.index_cast %parallel_loop3A_389 : i32 to index
          %parallel_loop3A_392 = arith.constant 112 : index
          %parallel_loop3A_393 = tpu.vector_load %arg10[%parallel_loop3A_390, %parallel_loop3A_391, %parallel_loop3A_392] {strides = array<i32>} : memref<25x2x128xf32, #tpu.memory_space<vmem>>, vector<16xf32>,
          tpu.vector_store %arg10[%parallel_loop3A_390, %parallel_loop3A_391, %parallel_loop3A_392], %parallel_loop3A_317 {strides = array<i32>} : memref<25x2x128xf32, #tpu.memory_space<vmem>>, vector<16xf32>,
          %parallel_loop3A_394 = arith.constant 1 : i32
          %parallel_loop3A_395 = arith.index_cast %parallel_loop3A_262 : i32 to index
          %parallel_loop3A_396 = arith.index_cast %parallel_loop3A_394 : i32 to index
          %parallel_loop3A_397 = arith.constant 112 : index
          %parallel_loop3A_398 = tpu.vector_load %arg10[%parallel_loop3A_395, %parallel_loop3A_396, %parallel_loop3A_397] {strides = array<i32>} : memref<25x2x128xf32, #tpu.memory_space<vmem>>, vector<16xf32>,
          tpu.vector_store %arg10[%parallel_loop3A_395, %parallel_loop3A_396, %parallel_loop3A_397], %parallel_loop3A_318 {strides = array<i32>} : memref<25x2x128xf32, #tpu.memory_space<vmem>>, vector<16xf32>,
        } {sc.loop_unroll_factor = 5 : i64, sc.parallel_access}
        %dma_start3A_245 = arith.constant 0 : i32
        %dma_start3A_246 = tpu.memref_slice %arg4[%mul3A_227, %select_n3A, %add3A_137, %mul3A_64, %dma_start3A_245] : memref<200x8x32x8x128xf32, #tpu.memory_space<hbm>> -> memref<25x1x1x2x128xf32, #tpu.memory_space<hbm>>
        %dma_start3A_247 = tpu.memref_squeeze %dma_start3A_246 : memref<25x1x1x2x128xf32, #tpu.memory_space<hbm>> -> memref<25x2x128xf32, #tpu.memory_space<hbm>>
        %dma_start3A_248 = arith.constant 0 : i32
        %dma_start3A_249 = tpu.memref_slice %arg4[%mul3A_227, %select_n3A, %add3A_137, %mul3A_64, %dma_start3A_248] : memref<200x8x32x8x128xf32, #tpu.memory_space<hbm>> -> memref<25x1x1x2x128xf32, #tpu.memory_space<hbm>>
        %dma_start3A_250 = tpu.memref_squeeze %dma_start3A_249 : memref<25x1x1x2x128xf32, #tpu.memory_space<hbm>> -> memref<25x2x128xf32, #tpu.memory_space<hbm>>
        tpu.enqueue_dma source(%arg10 : memref<25x2x128xf32, #tpu.memory_space<vmem>>) target(%dma_start3A_250 : memref<25x2x128xf32, #tpu.memory_space<hbm>>) target_semaphore(%arg16 : memref<!tpu.dma_semaphore, #tpu.memory_space<semaphore_mem>>)
        %lt3A_251 = arith.constant 3 : i32
        %lt3A_252 = arith.cmpi slt, %scan3A_183, %lt3A_251 : i32
        %convert_element_type3A_253 = arith.extui %lt3A_252 : i1 to i32
        %cond3A_254 = arith.constant 0 : i32
        %cond3A_255 = arith.cmpi ne, %convert_element_type3A_253, %cond3A_254 : i32
        scf.if %cond3A_255 {
          %add3A_262 = arith.constant 50 : i32
          %add3A_263 = arith.addi %mul3A_227, %add3A_262 : i32
          %mul3A_264 = arith.constant 128 : i32
          %mul3A_265 = arith.muli %add3A_137, %mul3A_264 : i32
          %dma_start3A_266 = tpu.memref_slice %arg3[%add3A_263, %mul3A_265] : memref<200x4096xi16, #tpu.memory_space<hbm>> -> memref<25x128xi16, #tpu.memory_space<hbm>>
          %dma_start3A_267 = tpu.memref_slice %arg3[%add3A_263, %mul3A_265] : memref<200x4096xi16, #tpu.memory_space<hbm>> -> memref<25x128xi16, #tpu.memory_space<hbm>>
          tpu.enqueue_dma source(%dma_start3A_267 : memref<25x128xi16, #tpu.memory_space<hbm>>) target(%arg8 : memref<25x128xi16, #tpu.memory_space<vmem>>) target_semaphore(%arg14 : memref<!tpu.dma_semaphore, #tpu.memory_space<semaphore_mem>>)
        } else {
        }
        %eq3A_256 = arith.constant 3 : i32
        %eq3A_257 = arith.cmpi eq, %scan3A_183, %eq3A_256 : i32
        %and3A_258 = arith.andi %eq3A_257, %scan3A_154 : i1
        %convert_element_type3A_259 = arith.extui %and3A_258 : i1 to i32
        %cond3A_260 = arith.constant 0 : i32
        %cond3A_261 = arith.cmpi ne, %convert_element_type3A_259, %cond3A_260 : i32
        scf.if %cond3A_261 {
          %mul3A_262 = arith.constant 128 : i32
          %mul3A_263 = arith.muli %add3A_137, %mul3A_262 : i32
          %dma_start3A_264 = arith.constant 25 : i32
          %dma_start3A_265 = tpu.memref_slice %arg3[%dma_start3A_264, %mul3A_263] : memref<200x4096xi16, #tpu.memory_space<hbm>> -> memref<25x128xi16, #tpu.memory_space<hbm>>
          %dma_start3A_266 = arith.constant 25 : i32
          %dma_start3A_267 = tpu.memref_slice %arg3[%dma_start3A_266, %mul3A_263] : memref<200x4096xi16, #tpu.memory_space<hbm>> -> memref<25x128xi16, #tpu.memory_space<hbm>>
          tpu.enqueue_dma source(%dma_start3A_267 : memref<25x128xi16, #tpu.memory_space<hbm>>) target(%arg8 : memref<25x128xi16, #tpu.memory_space<vmem>>) target_semaphore(%arg14 : memref<!tpu.dma_semaphore, #tpu.memory_space<semaphore_mem>>)
        } else {
        }
      }
      %scan3A_159 = arith.constant 4 : i32
      %convert_element_type3A = arith.extui %lt3A_141 : i1 to i32
      %cond3A = arith.constant 0 : i32
      %cond3A_160 = arith.cmpi ne, %convert_element_type3A, %cond3A : i32
      scf.if %cond3A_160 {
        %add3A_183 = arith.constant 1 : i32
        %add3A_184 = arith.addi %scan3A_134, %add3A_183 : i32
        %mul3A_185 = arith.constant 16 : i32
        %mul3A_186 = arith.muli %arg0, %mul3A_185 : i32
        %add3A_187 = arith.addi %mul3A_186, %add3A_184 : i32
        %dma_start3A_188 = arith.constant 0 : i32
        %dma_start3A_189 = arith.constant 0 : i32
        %dma_start3A_190 = tpu.memref_slice %arg2[%dma_start3A_188, %select_n3A, %add3A_187, %mul3A_64, %dma_start3A_189] : memref<200x8x32x8x128xf32, #tpu.memory_space<hbm>> -> memref<200x1x1x2x128xf32, #tpu.memory_space<hbm>>
        %dma_start3A_191 = tpu.memref_squeeze %dma_start3A_190 : memref<200x1x1x2x128xf32, #tpu.memory_space<hbm>> -> memref<200x2x128xf32, #tpu.memory_space<hbm>>
        %dma_start3A_192 = arith.constant 0 : i32
        %dma_start3A_193 = arith.constant 0 : i32
        %dma_start3A_194 = tpu.memref_slice %arg2[%dma_start3A_192, %select_n3A, %add3A_187, %mul3A_64, %dma_start3A_193] : memref<200x8x32x8x128xf32, #tpu.memory_space<hbm>> -> memref<200x1x1x2x128xf32, #tpu.memory_space<hbm>>
        %dma_start3A_195 = tpu.memref_squeeze %dma_start3A_194 : memref<200x1x1x2x128xf32, #tpu.memory_space<hbm>> -> memref<200x2x128xf32, #tpu.memory_space<hbm>>
        tpu.enqueue_dma source(%dma_start3A_195 : memref<200x2x128xf32, #tpu.memory_space<hbm>>) target(%arg5 : memref<200x2x128xf32, #tpu.memory_space<vmem>>) target_semaphore(%arg11 : memref<!tpu.dma_semaphore, #tpu.memory_space<semaphore_mem>>)
      } else {
      }
      %mul3A_161 = arith.constant 16 : i32
      %mul3A_162 = arith.muli %arg0, %mul3A_161 : i32
      %add3A_163 = arith.addi %mul3A_162, %scan3A_134 : i32
      %dma_wait3A_164 = arith.constant 0 : i32
      %dma_wait3A_165 = arith.constant 0 : i32
      %dma_wait3A_166 = tpu.memref_slice %arg2[%dma_wait3A_164, %select_n3A, %add3A_163, %mul3A_70, %dma_wait3A_165] : memref<200x8x32x8x128xf32, #tpu.memory_space<hbm>> -> memref<200x1x1x2x128xf32, #tpu.memory_space<hbm>>
      %dma_wait3A_167 = tpu.memref_squeeze %dma_wait3A_166 : memref<200x1x1x2x128xf32, #tpu.memory_space<hbm>> -> memref<200x2x128xf32, #tpu.memory_space<hbm>>
      %dma_wait3A_168 = arith.constant 0 : i32
      %dma_wait3A_169 = arith.constant 0 : i32
      %dma_wait3A_170 = tpu.memref_slice %arg2[%dma_wait3A_168, %select_n3A, %add3A_163, %mul3A_70, %dma_wait3A_169] : memref<200x8x32x8x128xf32, #tpu.memory_space<hbm>> -> memref<200x1x1x2x128xf32, #tpu.memory_space<hbm>>
      %dma_wait3A_171 = tpu.memref_squeeze %dma_wait3A_170 : memref<200x1x1x2x128xf32, #tpu.memory_space<hbm>> -> memref<200x2x128xf32, #tpu.memory_space<hbm>>
      tpu.wait_dma2 semaphore(%arg12 : memref<!tpu.dma_semaphore, #tpu.memory_space<semaphore_mem>>) src(%dma_wait3A_171 : memref<200x2x128xf32, #tpu.memory_space<hbm>>) dst(%arg6 : memref<200x2x128xf32, #tpu.memory_space<vmem>>)
      %add3A_172 = arith.constant 1 : i32
      %add3A_173 = arith.addi %add3A_137, %add3A_172 : i32
      %scan3A_174 = arith.constant 0 : i32
      %scan3A_175 = arith.constant 0 : i32
      %scan3A_176 = arith.constant 4 : i32
      %scan3A_177 = arith.addi %scan3A_175, %scan3A_176 : i32
      %scan3A_178 = arith.constant 1 : i32
      scf.for %scan3A_183 = %scan3A_175 to %scan3A_177 step %scan3A_178  : i32 {
        %mul3A_184 = arith.constant 2 : i32
        %mul3A_185 = arith.muli %mul3A_184, %scan3A_183 : i32
        %add3A_186 = arith.constant 0 : i32
        %add3A_187 = arith.addi %mul3A_185, %add3A_186 : i32
        %mul3A_188 = arith.constant 25 : i32
        %mul3A_189 = arith.muli %add3A_187, %mul3A_188 : i32
        %mul3A_190 = arith.constant 128 : i32
        %mul3A_191 = arith.muli %add3A_137, %mul3A_190 : i32
        %dma_wait3A_192 = tpu.memref_slice %arg3[%mul3A_189, %mul3A_191] : memref<200x4096xi16, #tpu.memory_space<hbm>> -> memref<25x128xi16, #tpu.memory_space<hbm>>
        %dma_wait3A_193 = tpu.memref_slice %arg3[%mul3A_189, %mul3A_191] : memref<200x4096xi16, #tpu.memory_space<hbm>> -> memref<25x128xi16, #tpu.memory_space<hbm>>
        tpu.wait_dma2 semaphore(%arg13 : memref<!tpu.dma_semaphore, #tpu.memory_space<semaphore_mem>>) src(%dma_wait3A_193 : memref<25x128xi16, #tpu.memory_space<hbm>>) dst(%arg7 : memref<25x128xi16, #tpu.memory_space<vmem>>)
        %lt3A_194 = arith.constant 0 : i32
        %lt3A_195 = arith.cmpi slt, %scan3A_134, %lt3A_194 : i32
        %eq3A_196 = arith.constant 0 : i32
        %eq3A_197 = arith.cmpi eq, %scan3A_183, %eq3A_196 : i32
        %and3A_198 = arith.andi %lt3A_195, %eq3A_197 : i1
        %not3A = arith.constant true
        %not3A_199 = arith.xori %and3A_198, %not3A : i1
        %convert_element_type3A_200 = arith.extui %not3A_199 : i1 to i32
        %cond3A_201 = arith.constant 0 : i32
        %cond3A_202 = arith.cmpi ne, %convert_element_type3A_200, %cond3A_201 : i32
        scf.if %cond3A_202 {
          %dma_wait3A_262 = arith.constant 0 : i32
          %dma_wait3A_263 = tpu.memref_slice %arg4[%mul3A_189, %select_n3A, %add3A_137, %mul3A_70, %dma_wait3A_262] : memref<200x8x32x8x128xf32, #tpu.memory_space<hbm>> -> memref<25x1x1x2x128xf32, #tpu.memory_space<hbm>>
          %dma_wait3A_264 = tpu.memref_squeeze %dma_wait3A_263 : memref<25x1x1x2x128xf32, #tpu.memory_space<hbm>> -> memref<25x2x128xf32, #tpu.memory_space<hbm>>
          %dma_wait3A_265 = arith.constant 0 : i32
          %dma_wait3A_266 = tpu.memref_slice %arg4[%mul3A_189, %select_n3A, %add3A_137, %mul3A_70, %dma_wait3A_265] : memref<200x8x32x8x128xf32, #tpu.memory_space<hbm>> -> memref<25x1x1x2x128xf32, #tpu.memory_space<hbm>>
          %dma_wait3A_267 = tpu.memref_squeeze %dma_wait3A_266 : memref<25x1x1x2x128xf32, #tpu.memory_space<hbm>> -> memref<25x2x128xf32, #tpu.memory_space<hbm>>
          tpu.wait_dma2 semaphore(%arg15 : memref<!tpu.dma_semaphore, #tpu.memory_space<semaphore_mem>>) src(%arg9 : memref<25x2x128xf32, #tpu.memory_space<vmem>>) dst(%dma_wait3A_267 : memref<25x2x128xf32, #tpu.memory_space<hbm>>)
        } else {
        }
        %parallel_loop3A = arith.constant 0 : i32
        %parallel_loop3A_203 = arith.constant 25 : i32
        %parallel_loop3A_204 = arith.constant 1 : i32
        scf.for %parallel_loop3A_262 = %parallel_loop3A to %parallel_loop3A_203 step %parallel_loop3A_204  : i32 {
          %parallel_loop3A_263 = arith.index_cast %parallel_loop3A_262 : i32 to index
          %parallel_loop3A_264 = arith.constant 0 : index
          %parallel_loop3A_265 = tpu.vector_load %arg7[%parallel_loop3A_263, %parallel_loop3A_264] {strides = array<i32>} : memref<25x128xi16, #tpu.memory_space<vmem>>, vector<32xi16>,
          %parallel_loop3A_266 = vector.bitcast %parallel_loop3A_265 : vector<32xi16> to vector<16xi32>
          %parallel_loop3A_267 = arith.constant 65535 : i32
          %parallel_loop3A_268 = vector.broadcast %parallel_loop3A_267 : i32 to vector<16xi32>
          %parallel_loop3A_269 = arith.andi %parallel_loop3A_266, %parallel_loop3A_268 : vector<16xi32>
          %parallel_loop3A_270 = arith.constant 16 : i32
          %parallel_loop3A_271 = vector.broadcast %parallel_loop3A_270 : i32 to vector<16xi32>
          %parallel_loop3A_272 = arith.shrui %parallel_loop3A_266, %parallel_loop3A_271 : vector<16xi32>
          %parallel_loop3A_273 = arith.index_cast %parallel_loop3A_262 : i32 to index
          %parallel_loop3A_274 = arith.constant 32 : index
          %parallel_loop3A_275 = tpu.vector_load %arg7[%parallel_loop3A_273, %parallel_loop3A_274] {strides = array<i32>} : memref<25x128xi16, #tpu.memory_space<vmem>>, vector<32xi16>,
          %parallel_loop3A_276 = vector.bitcast %parallel_loop3A_275 : vector<32xi16> to vector<16xi32>
          %parallel_loop3A_277 = arith.constant 65535 : i32
          %parallel_loop3A_278 = vector.broadcast %parallel_loop3A_277 : i32 to vector<16xi32>
          %parallel_loop3A_279 = arith.andi %parallel_loop3A_276, %parallel_loop3A_278 : vector<16xi32>
          %parallel_loop3A_280 = arith.constant 16 : i32
          %parallel_loop3A_281 = vector.broadcast %parallel_loop3A_280 : i32 to vector<16xi32>
          %parallel_loop3A_282 = arith.shrui %parallel_loop3A_276, %parallel_loop3A_281 : vector<16xi32>
          %parallel_loop3A_283 = arith.index_cast %parallel_loop3A_262 : i32 to index
          %parallel_loop3A_284 = arith.constant 64 : index
          %parallel_loop3A_285 = tpu.vector_load %arg7[%parallel_loop3A_283, %parallel_loop3A_284] {strides = array<i32>} : memref<25x128xi16, #tpu.memory_space<vmem>>, vector<32xi16>,
          %parallel_loop3A_286 = vector.bitcast %parallel_loop3A_285 : vector<32xi16> to vector<16xi32>
          %parallel_loop3A_287 = arith.constant 65535 : i32
          %parallel_loop3A_288 = vector.broadcast %parallel_loop3A_287 : i32 to vector<16xi32>
          %parallel_loop3A_289 = arith.andi %parallel_loop3A_286, %parallel_loop3A_288 : vector<16xi32>
          %parallel_loop3A_290 = arith.constant 16 : i32
          %parallel_loop3A_291 = vector.broadcast %parallel_loop3A_290 : i32 to vector<16xi32>
          %parallel_loop3A_292 = arith.shrui %parallel_loop3A_286, %parallel_loop3A_291 : vector<16xi32>
          %parallel_loop3A_293 = arith.index_cast %parallel_loop3A_262 : i32 to index
          %parallel_loop3A_294 = arith.constant 96 : index
          %parallel_loop3A_295 = tpu.vector_load %arg7[%parallel_loop3A_293, %parallel_loop3A_294] {strides = array<i32>} : memref<25x128xi16, #tpu.memory_space<vmem>>, vector<32xi16>,
          %parallel_loop3A_296 = vector.bitcast %parallel_loop3A_295 : vector<32xi16> to vector<16xi32>
          %parallel_loop3A_297 = arith.constant 65535 : i32
          %parallel_loop3A_298 = vector.broadcast %parallel_loop3A_297 : i32 to vector<16xi32>
          %parallel_loop3A_299 = arith.andi %parallel_loop3A_296, %parallel_loop3A_298 : vector<16xi32>
          %parallel_loop3A_300 = arith.constant 16 : i32
          %parallel_loop3A_301 = vector.broadcast %parallel_loop3A_300 : i32 to vector<16xi32>
          %parallel_loop3A_302 = arith.shrui %parallel_loop3A_296, %parallel_loop3A_301 : vector<16xi32>
          %parallel_loop3A_303 = tpu.vector_load_idx %arg6[%parallel_loop3A_269, %add3A_56, %add3A_31] : memref<200x2x128xf32, #tpu.memory_space<vmem>>[vector<16xi32>, vector<16xi32>, vector<16xi32>], vector<16xf32>,
          %parallel_loop3A_304 = tpu.vector_load_idx %arg6[%parallel_loop3A_269, %add3A_61, %add3A_31] : memref<200x2x128xf32, #tpu.memory_space<vmem>>[vector<16xi32>, vector<16xi32>, vector<16xi32>], vector<16xf32>,
          %parallel_loop3A_305 = tpu.vector_load_idx %arg6[%parallel_loop3A_272, %add3A_56, %add3A_34] : memref<200x2x128xf32, #tpu.memory_space<vmem>>[vector<16xi32>, vector<16xi32>, vector<16xi32>], vector<16xf32>,
          %parallel_loop3A_306 = tpu.vector_load_idx %arg6[%parallel_loop3A_272, %add3A_61, %add3A_34] : memref<200x2x128xf32, #tpu.memory_space<vmem>>[vector<16xi32>, vector<16xi32>, vector<16xi32>], vector<16xf32>,
          %parallel_loop3A_307 = tpu.vector_load_idx %arg6[%parallel_loop3A_279, %add3A_56, %add3A_37] : memref<200x2x128xf32, #tpu.memory_space<vmem>>[vector<16xi32>, vector<16xi32>, vector<16xi32>], vector<16xf32>,
          %parallel_loop3A_308 = tpu.vector_load_idx %arg6[%parallel_loop3A_279, %add3A_61, %add3A_37] : memref<200x2x128xf32, #tpu.memory_space<vmem>>[vector<16xi32>, vector<16xi32>, vector<16xi32>], vector<16xf32>,
          %parallel_loop3A_309 = tpu.vector_load_idx %arg6[%parallel_loop3A_282, %add3A_56, %add3A_40] : memref<200x2x128xf32, #tpu.memory_space<vmem>>[vector<16xi32>, vector<16xi32>, vector<16xi32>], vector<16xf32>,
          %parallel_loop3A_310 = tpu.vector_load_idx %arg6[%parallel_loop3A_282, %add3A_61, %add3A_40] : memref<200x2x128xf32, #tpu.memory_space<vmem>>[vector<16xi32>, vector<16xi32>, vector<16xi32>], vector<16xf32>,
          %parallel_loop3A_311 = tpu.vector_load_idx %arg6[%parallel_loop3A_289, %add3A_56, %add3A_43] : memref<200x2x128xf32, #tpu.memory_space<vmem>>[vector<16xi32>, vector<16xi32>, vector<16xi32>], vector<16xf32>,
          %parallel_loop3A_312 = tpu.vector_load_idx %arg6[%parallel_loop3A_289, %add3A_61, %add3A_43] : memref<200x2x128xf32, #tpu.memory_space<vmem>>[vector<16xi32>, vector<16xi32>, vector<16xi32>], vector<16xf32>,
          %parallel_loop3A_313 = tpu.vector_load_idx %arg6[%parallel_loop3A_292, %add3A_56, %add3A_46] : memref<200x2x128xf32, #tpu.memory_space<vmem>>[vector<16xi32>, vector<16xi32>, vector<16xi32>], vector<16xf32>,
          %parallel_loop3A_314 = tpu.vector_load_idx %arg6[%parallel_loop3A_292, %add3A_61, %add3A_46] : memref<200x2x128xf32, #tpu.memory_space<vmem>>[vector<16xi32>, vector<16xi32>, vector<16xi32>], vector<16xf32>,
          %parallel_loop3A_315 = tpu.vector_load_idx %arg6[%parallel_loop3A_299, %add3A_56, %add3A_49] : memref<200x2x128xf32, #tpu.memory_space<vmem>>[vector<16xi32>, vector<16xi32>, vector<16xi32>], vector<16xf32>,
          %parallel_loop3A_316 = tpu.vector_load_idx %arg6[%parallel_loop3A_299, %add3A_61, %add3A_49] : memref<200x2x128xf32, #tpu.memory_space<vmem>>[vector<16xi32>, vector<16xi32>, vector<16xi32>], vector<16xf32>,
          %parallel_loop3A_317 = tpu.vector_load_idx %arg6[%parallel_loop3A_302, %add3A_56, %add3A_52] : memref<200x2x128xf32, #tpu.memory_space<vmem>>[vector<16xi32>, vector<16xi32>, vector<16xi32>], vector<16xf32>,
          %parallel_loop3A_318 = tpu.vector_load_idx %arg6[%parallel_loop3A_302, %add3A_61, %add3A_52] : memref<200x2x128xf32, #tpu.memory_space<vmem>>[vector<16xi32>, vector<16xi32>, vector<16xi32>], vector<16xf32>,
          %parallel_loop3A_319 = arith.constant 0 : i32
          %parallel_loop3A_320 = arith.index_cast %parallel_loop3A_262 : i32 to index
          %parallel_loop3A_321 = arith.index_cast %parallel_loop3A_319 : i32 to index
          %parallel_loop3A_322 = arith.constant 0 : index
          %parallel_loop3A_323 = tpu.vector_load %arg9[%parallel_loop3A_320, %parallel_loop3A_321, %parallel_loop3A_322] {strides = array<i32>} : memref<25x2x128xf32, #tpu.memory_space<vmem>>, vector<16xf32>,
          tpu.vector_store %arg9[%parallel_loop3A_320, %parallel_loop3A_321, %parallel_loop3A_322], %parallel_loop3A_303 {strides = array<i32>} : memref<25x2x128xf32, #tpu.memory_space<vmem>>, vector<16xf32>,
          %parallel_loop3A_324 = arith.constant 1 : i32
          %parallel_loop3A_325 = arith.index_cast %parallel_loop3A_262 : i32 to index
          %parallel_loop3A_326 = arith.index_cast %parallel_loop3A_324 : i32 to index
          %parallel_loop3A_327 = arith.constant 0 : index
          %parallel_loop3A_328 = tpu.vector_load %arg9[%parallel_loop3A_325, %parallel_loop3A_326, %parallel_loop3A_327] {strides = array<i32>} : memref<25x2x128xf32, #tpu.memory_space<vmem>>, vector<16xf32>,
          tpu.vector_store %arg9[%parallel_loop3A_325, %parallel_loop3A_326, %parallel_loop3A_327], %parallel_loop3A_304 {strides = array<i32>} : memref<25x2x128xf32, #tpu.memory_space<vmem>>, vector<16xf32>,
          %parallel_loop3A_329 = arith.constant 0 : i32
          %parallel_loop3A_330 = arith.index_cast %parallel_loop3A_262 : i32 to index
          %parallel_loop3A_331 = arith.index_cast %parallel_loop3A_329 : i32 to index
          %parallel_loop3A_332 = arith.constant 16 : index
          %parallel_loop3A_333 = tpu.vector_load %arg9[%parallel_loop3A_330, %parallel_loop3A_331, %parallel_loop3A_332] {strides = array<i32>} : memref<25x2x128xf32, #tpu.memory_space<vmem>>, vector<16xf32>,
          tpu.vector_store %arg9[%parallel_loop3A_330, %parallel_loop3A_331, %parallel_loop3A_332], %parallel_loop3A_305 {strides = array<i32>} : memref<25x2x128xf32, #tpu.memory_space<vmem>>, vector<16xf32>,
          %parallel_loop3A_334 = arith.constant 1 : i32
          %parallel_loop3A_335 = arith.index_cast %parallel_loop3A_262 : i32 to index
          %parallel_loop3A_336 = arith.index_cast %parallel_loop3A_334 : i32 to index
          %parallel_loop3A_337 = arith.constant 16 : index
          %parallel_loop3A_338 = tpu.vector_load %arg9[%parallel_loop3A_335, %parallel_loop3A_336, %parallel_loop3A_337] {strides = array<i32>} : memref<25x2x128xf32, #tpu.memory_space<vmem>>, vector<16xf32>,
          tpu.vector_store %arg9[%parallel_loop3A_335, %parallel_loop3A_336, %parallel_loop3A_337], %parallel_loop3A_306 {strides = array<i32>} : memref<25x2x128xf32, #tpu.memory_space<vmem>>, vector<16xf32>,
          %parallel_loop3A_339 = arith.constant 0 : i32
          %parallel_loop3A_340 = arith.index_cast %parallel_loop3A_262 : i32 to index
          %parallel_loop3A_341 = arith.index_cast %parallel_loop3A_339 : i32 to index
          %parallel_loop3A_342 = arith.constant 32 : index
          %parallel_loop3A_343 = tpu.vector_load %arg9[%parallel_loop3A_340, %parallel_loop3A_341, %parallel_loop3A_342] {strides = array<i32>} : memref<25x2x128xf32, #tpu.memory_space<vmem>>, vector<16xf32>,
          tpu.vector_store %arg9[%parallel_loop3A_340, %parallel_loop3A_341, %parallel_loop3A_342], %parallel_loop3A_307 {strides = array<i32>} : memref<25x2x128xf32, #tpu.memory_space<vmem>>, vector<16xf32>,
          %parallel_loop3A_344 = arith.constant 1 : i32
          %parallel_loop3A_345 = arith.index_cast %parallel_loop3A_262 : i32 to index
          %parallel_loop3A_346 = arith.index_cast %parallel_loop3A_344 : i32 to index
          %parallel_loop3A_347 = arith.constant 32 : index
          %parallel_loop3A_348 = tpu.vector_load %arg9[%parallel_loop3A_345, %parallel_loop3A_346, %parallel_loop3A_347] {strides = array<i32>} : memref<25x2x128xf32, #tpu.memory_space<vmem>>, vector<16xf32>,
          tpu.vector_store %arg9[%parallel_loop3A_345, %parallel_loop3A_346, %parallel_loop3A_347], %parallel_loop3A_308 {strides = array<i32>} : memref<25x2x128xf32, #tpu.memory_space<vmem>>, vector<16xf32>,
          %parallel_loop3A_349 = arith.constant 0 : i32
          %parallel_loop3A_350 = arith.index_cast %parallel_loop3A_262 : i32 to index
          %parallel_loop3A_351 = arith.index_cast %parallel_loop3A_349 : i32 to index
          %parallel_loop3A_352 = arith.constant 48 : index
          %parallel_loop3A_353 = tpu.vector_load %arg9[%parallel_loop3A_350, %parallel_loop3A_351, %parallel_loop3A_352] {strides = array<i32>} : memref<25x2x128xf32, #tpu.memory_space<vmem>>, vector<16xf32>,
          tpu.vector_store %arg9[%parallel_loop3A_350, %parallel_loop3A_351, %parallel_loop3A_352], %parallel_loop3A_309 {strides = array<i32>} : memref<25x2x128xf32, #tpu.memory_space<vmem>>, vector<16xf32>,
          %parallel_loop3A_354 = arith.constant 1 : i32
          %parallel_loop3A_355 = arith.index_cast %parallel_loop3A_262 : i32 to index
          %parallel_loop3A_356 = arith.index_cast %parallel_loop3A_354 : i32 to index
          %parallel_loop3A_357 = arith.constant 48 : index
          %parallel_loop3A_358 = tpu.vector_load %arg9[%parallel_loop3A_355, %parallel_loop3A_356, %parallel_loop3A_357] {strides = array<i32>} : memref<25x2x128xf32, #tpu.memory_space<vmem>>, vector<16xf32>,
          tpu.vector_store %arg9[%parallel_loop3A_355, %parallel_loop3A_356, %parallel_loop3A_357], %parallel_loop3A_310 {strides = array<i32>} : memref<25x2x128xf32, #tpu.memory_space<vmem>>, vector<16xf32>,
          %parallel_loop3A_359 = arith.constant 0 : i32
          %parallel_loop3A_360 = arith.index_cast %parallel_loop3A_262 : i32 to index
          %parallel_loop3A_361 = arith.index_cast %parallel_loop3A_359 : i32 to index
          %parallel_loop3A_362 = arith.constant 64 : index
          %parallel_loop3A_363 = tpu.vector_load %arg9[%parallel_loop3A_360, %parallel_loop3A_361, %parallel_loop3A_362] {strides = array<i32>} : memref<25x2x128xf32, #tpu.memory_space<vmem>>, vector<16xf32>,
          tpu.vector_store %arg9[%parallel_loop3A_360, %parallel_loop3A_361, %parallel_loop3A_362], %parallel_loop3A_311 {strides = array<i32>} : memref<25x2x128xf32, #tpu.memory_space<vmem>>, vector<16xf32>,
          %parallel_loop3A_364 = arith.constant 1 : i32
          %parallel_loop3A_365 = arith.index_cast %parallel_loop3A_262 : i32 to index
          %parallel_loop3A_366 = arith.index_cast %parallel_loop3A_364 : i32 to index
          %parallel_loop3A_367 = arith.constant 64 : index
          %parallel_loop3A_368 = tpu.vector_load %arg9[%parallel_loop3A_365, %parallel_loop3A_366, %parallel_loop3A_367] {strides = array<i32>} : memref<25x2x128xf32, #tpu.memory_space<vmem>>, vector<16xf32>,
          tpu.vector_store %arg9[%parallel_loop3A_365, %parallel_loop3A_366, %parallel_loop3A_367], %parallel_loop3A_312 {strides = array<i32>} : memref<25x2x128xf32, #tpu.memory_space<vmem>>, vector<16xf32>,
          %parallel_loop3A_369 = arith.constant 0 : i32
          %parallel_loop3A_370 = arith.index_cast %parallel_loop3A_262 : i32 to index
          %parallel_loop3A_371 = arith.index_cast %parallel_loop3A_369 : i32 to index
          %parallel_loop3A_372 = arith.constant 80 : index
          %parallel_loop3A_373 = tpu.vector_load %arg9[%parallel_loop3A_370, %parallel_loop3A_371, %parallel_loop3A_372] {strides = array<i32>} : memref<25x2x128xf32, #tpu.memory_space<vmem>>, vector<16xf32>,
          tpu.vector_store %arg9[%parallel_loop3A_370, %parallel_loop3A_371, %parallel_loop3A_372], %parallel_loop3A_313 {strides = array<i32>} : memref<25x2x128xf32, #tpu.memory_space<vmem>>, vector<16xf32>,
          %parallel_loop3A_374 = arith.constant 1 : i32
          %parallel_loop3A_375 = arith.index_cast %parallel_loop3A_262 : i32 to index
          %parallel_loop3A_376 = arith.index_cast %parallel_loop3A_374 : i32 to index
          %parallel_loop3A_377 = arith.constant 80 : index
          %parallel_loop3A_378 = tpu.vector_load %arg9[%parallel_loop3A_375, %parallel_loop3A_376, %parallel_loop3A_377] {strides = array<i32>} : memref<25x2x128xf32, #tpu.memory_space<vmem>>, vector<16xf32>,
          tpu.vector_store %arg9[%parallel_loop3A_375, %parallel_loop3A_376, %parallel_loop3A_377], %parallel_loop3A_314 {strides = array<i32>} : memref<25x2x128xf32, #tpu.memory_space<vmem>>, vector<16xf32>,
          %parallel_loop3A_379 = arith.constant 0 : i32
          %parallel_loop3A_380 = arith.index_cast %parallel_loop3A_262 : i32 to index
          %parallel_loop3A_381 = arith.index_cast %parallel_loop3A_379 : i32 to index
          %parallel_loop3A_382 = arith.constant 96 : index
          %parallel_loop3A_383 = tpu.vector_load %arg9[%parallel_loop3A_380, %parallel_loop3A_381, %parallel_loop3A_382] {strides = array<i32>} : memref<25x2x128xf32, #tpu.memory_space<vmem>>, vector<16xf32>,
          tpu.vector_store %arg9[%parallel_loop3A_380, %parallel_loop3A_381, %parallel_loop3A_382], %parallel_loop3A_315 {strides = array<i32>} : memref<25x2x128xf32, #tpu.memory_space<vmem>>, vector<16xf32>,
          %parallel_loop3A_384 = arith.constant 1 : i32
          %parallel_loop3A_385 = arith.index_cast %parallel_loop3A_262 : i32 to index
          %parallel_loop3A_386 = arith.index_cast %parallel_loop3A_384 : i32 to index
          %parallel_loop3A_387 = arith.constant 96 : index
          %parallel_loop3A_388 = tpu.vector_load %arg9[%parallel_loop3A_385, %parallel_loop3A_386, %parallel_loop3A_387] {strides = array<i32>} : memref<25x2x128xf32, #tpu.memory_space<vmem>>, vector<16xf32>,
          tpu.vector_store %arg9[%parallel_loop3A_385, %parallel_loop3A_386, %parallel_loop3A_387], %parallel_loop3A_316 {strides = array<i32>} : memref<25x2x128xf32, #tpu.memory_space<vmem>>, vector<16xf32>,
          %parallel_loop3A_389 = arith.constant 0 : i32
          %parallel_loop3A_390 = arith.index_cast %parallel_loop3A_262 : i32 to index
          %parallel_loop3A_391 = arith.index_cast %parallel_loop3A_389 : i32 to index
          %parallel_loop3A_392 = arith.constant 112 : index
          %parallel_loop3A_393 = tpu.vector_load %arg9[%parallel_loop3A_390, %parallel_loop3A_391, %parallel_loop3A_392] {strides = array<i32>} : memref<25x2x128xf32, #tpu.memory_space<vmem>>, vector<16xf32>,
          tpu.vector_store %arg9[%parallel_loop3A_390, %parallel_loop3A_391, %parallel_loop3A_392], %parallel_loop3A_317 {strides = array<i32>} : memref<25x2x128xf32, #tpu.memory_space<vmem>>, vector<16xf32>,
          %parallel_loop3A_394 = arith.constant 1 : i32
          %parallel_loop3A_395 = arith.index_cast %parallel_loop3A_262 : i32 to index
          %parallel_loop3A_396 = arith.index_cast %parallel_loop3A_394 : i32 to index
          %parallel_loop3A_397 = arith.constant 112 : index
          %parallel_loop3A_398 = tpu.vector_load %arg9[%parallel_loop3A_395, %parallel_loop3A_396, %parallel_loop3A_397] {strides = array<i32>} : memref<25x2x128xf32, #tpu.memory_space<vmem>>, vector<16xf32>,
          tpu.vector_store %arg9[%parallel_loop3A_395, %parallel_loop3A_396, %parallel_loop3A_397], %parallel_loop3A_318 {strides = array<i32>} : memref<25x2x128xf32, #tpu.memory_space<vmem>>, vector<16xf32>,
        } {sc.loop_unroll_factor = 5 : i64, sc.parallel_access}
        %dma_start3A_205 = arith.constant 0 : i32
        %dma_start3A_206 = tpu.memref_slice %arg4[%mul3A_189, %select_n3A, %add3A_137, %mul3A_70, %dma_start3A_205] : memref<200x8x32x8x128xf32, #tpu.memory_space<hbm>> -> memref<25x1x1x2x128xf32, #tpu.memory_space<hbm>>
        %dma_start3A_207 = tpu.memref_squeeze %dma_start3A_206 : memref<25x1x1x2x128xf32, #tpu.memory_space<hbm>> -> memref<25x2x128xf32, #tpu.memory_space<hbm>>
        %dma_start3A_208 = arith.constant 0 : i32
        %dma_start3A_209 = tpu.memref_slice %arg4[%mul3A_189, %select_n3A, %add3A_137, %mul3A_70, %dma_start3A_208] : memref<200x8x32x8x128xf32, #tpu.memory_space<hbm>> -> memref<25x1x1x2x128xf32, #tpu.memory_space<hbm>>
        %dma_start3A_210 = tpu.memref_squeeze %dma_start3A_209 : memref<25x1x1x2x128xf32, #tpu.memory_space<hbm>> -> memref<25x2x128xf32, #tpu.memory_space<hbm>>
        tpu.enqueue_dma source(%arg9 : memref<25x2x128xf32, #tpu.memory_space<vmem>>) target(%dma_start3A_210 : memref<25x2x128xf32, #tpu.memory_space<hbm>>) target_semaphore(%arg15 : memref<!tpu.dma_semaphore, #tpu.memory_space<semaphore_mem>>)
        %lt3A_211 = arith.constant 3 : i32
        %lt3A_212 = arith.cmpi slt, %scan3A_183, %lt3A_211 : i32
        %convert_element_type3A_213 = arith.extui %lt3A_212 : i1 to i32
        %cond3A_214 = arith.constant 0 : i32
        %cond3A_215 = arith.cmpi ne, %convert_element_type3A_213, %cond3A_214 : i32
        scf.if %cond3A_215 {
          %add3A_262 = arith.constant 50 : i32
          %add3A_263 = arith.addi %mul3A_189, %add3A_262 : i32
          %mul3A_264 = arith.constant 128 : i32
          %mul3A_265 = arith.muli %add3A_137, %mul3A_264 : i32
          %dma_start3A_266 = tpu.memref_slice %arg3[%add3A_263, %mul3A_265] : memref<200x4096xi16, #tpu.memory_space<hbm>> -> memref<25x128xi16, #tpu.memory_space<hbm>>
          %dma_start3A_267 = tpu.memref_slice %arg3[%add3A_263, %mul3A_265] : memref<200x4096xi16, #tpu.memory_space<hbm>> -> memref<25x128xi16, #tpu.memory_space<hbm>>
          tpu.enqueue_dma source(%dma_start3A_267 : memref<25x128xi16, #tpu.memory_space<hbm>>) target(%arg7 : memref<25x128xi16, #tpu.memory_space<vmem>>) target_semaphore(%arg13 : memref<!tpu.dma_semaphore, #tpu.memory_space<semaphore_mem>>)
        } else {
        }
        %eq3A_216 = arith.constant 3 : i32
        %eq3A_217 = arith.cmpi eq, %scan3A_183, %eq3A_216 : i32
        %and3A_218 = arith.andi %eq3A_217, %lt3A_141 : i1
        %convert_element_type3A_219 = arith.extui %and3A_218 : i1 to i32
        %cond3A_220 = arith.constant 0 : i32
        %cond3A_221 = arith.cmpi ne, %convert_element_type3A_219, %cond3A_220 : i32
        scf.if %cond3A_221 {
          %mul3A_262 = arith.constant 128 : i32
          %mul3A_263 = arith.muli %add3A_173, %mul3A_262 : i32
          %dma_start3A_264 = arith.constant 0 : i32
          %dma_start3A_265 = tpu.memref_slice %arg3[%dma_start3A_264, %mul3A_263] : memref<200x4096xi16, #tpu.memory_space<hbm>> -> memref<25x128xi16, #tpu.memory_space<hbm>>
          %dma_start3A_266 = arith.constant 0 : i32
          %dma_start3A_267 = tpu.memref_slice %arg3[%dma_start3A_266, %mul3A_263] : memref<200x4096xi16, #tpu.memory_space<hbm>> -> memref<25x128xi16, #tpu.memory_space<hbm>>
          tpu.enqueue_dma source(%dma_start3A_267 : memref<25x128xi16, #tpu.memory_space<hbm>>) target(%arg7 : memref<25x128xi16, #tpu.memory_space<vmem>>) target_semaphore(%arg13 : memref<!tpu.dma_semaphore, #tpu.memory_space<semaphore_mem>>)
        } else {
        }
        %mul3A_222 = arith.constant 2 : i32
        %mul3A_223 = arith.muli %mul3A_222, %scan3A_183 : i32
        %add3A_224 = arith.constant 1 : i32
        %add3A_225 = arith.addi %mul3A_223, %add3A_224 : i32
        %mul3A_226 = arith.constant 25 : i32
        %mul3A_227 = arith.muli %add3A_225, %mul3A_226 : i32
        %mul3A_228 = arith.constant 128 : i32
        %mul3A_229 = arith.muli %add3A_137, %mul3A_228 : i32
        %dma_wait3A_230 = tpu.memref_slice %arg3[%mul3A_227, %mul3A_229] : memref<200x4096xi16, #tpu.memory_space<hbm>> -> memref<25x128xi16, #tpu.memory_space<hbm>>
        %dma_wait3A_231 = tpu.memref_slice %arg3[%mul3A_227, %mul3A_229] : memref<200x4096xi16, #tpu.memory_space<hbm>> -> memref<25x128xi16, #tpu.memory_space<hbm>>
        tpu.wait_dma2 semaphore(%arg14 : memref<!tpu.dma_semaphore, #tpu.memory_space<semaphore_mem>>) src(%dma_wait3A_231 : memref<25x128xi16, #tpu.memory_space<hbm>>) dst(%arg8 : memref<25x128xi16, #tpu.memory_space<vmem>>)
        %lt3A_232 = arith.constant 0 : i32
        %lt3A_233 = arith.cmpi slt, %scan3A_134, %lt3A_232 : i32
        %eq3A_234 = arith.constant 0 : i32
        %eq3A_235 = arith.cmpi eq, %scan3A_183, %eq3A_234 : i32
        %and3A_236 = arith.andi %lt3A_233, %eq3A_235 : i1
        %not3A_237 = arith.constant true
        %not3A_238 = arith.xori %and3A_236, %not3A_237 : i1
        %convert_element_type3A_239 = arith.extui %not3A_238 : i1 to i32
        %cond3A_240 = arith.constant 0 : i32
        %cond3A_241 = arith.cmpi ne, %convert_element_type3A_239, %cond3A_240 : i32
        scf.if %cond3A_241 {
          %dma_wait3A_262 = arith.constant 0 : i32
          %dma_wait3A_263 = tpu.memref_slice %arg4[%mul3A_227, %select_n3A, %add3A_137, %mul3A_70, %dma_wait3A_262] : memref<200x8x32x8x128xf32, #tpu.memory_space<hbm>> -> memref<25x1x1x2x128xf32, #tpu.memory_space<hbm>>
          %dma_wait3A_264 = tpu.memref_squeeze %dma_wait3A_263 : memref<25x1x1x2x128xf32, #tpu.memory_space<hbm>> -> memref<25x2x128xf32, #tpu.memory_space<hbm>>
          %dma_wait3A_265 = arith.constant 0 : i32
          %dma_wait3A_266 = tpu.memref_slice %arg4[%mul3A_227, %select_n3A, %add3A_137, %mul3A_70, %dma_wait3A_265] : memref<200x8x32x8x128xf32, #tpu.memory_space<hbm>> -> memref<25x1x1x2x128xf32, #tpu.memory_space<hbm>>
          %dma_wait3A_267 = tpu.memref_squeeze %dma_wait3A_266 : memref<25x1x1x2x128xf32, #tpu.memory_space<hbm>> -> memref<25x2x128xf32, #tpu.memory_space<hbm>>
          tpu.wait_dma2 semaphore(%arg16 : memref<!tpu.dma_semaphore, #tpu.memory_space<semaphore_mem>>) src(%arg10 : memref<25x2x128xf32, #tpu.memory_space<vmem>>) dst(%dma_wait3A_267 : memref<25x2x128xf32, #tpu.memory_space<hbm>>)
        } else {
        }
        %parallel_loop3A_242 = arith.constant 0 : i32
        %parallel_loop3A_243 = arith.constant 25 : i32
        %parallel_loop3A_244 = arith.constant 1 : i32
        scf.for %parallel_loop3A_262 = %parallel_loop3A_242 to %parallel_loop3A_243 step %parallel_loop3A_244  : i32 {
          %parallel_loop3A_263 = arith.index_cast %parallel_loop3A_262 : i32 to index
          %parallel_loop3A_264 = arith.constant 0 : index
          %parallel_loop3A_265 = tpu.vector_load %arg8[%parallel_loop3A_263, %parallel_loop3A_264] {strides = array<i32>} : memref<25x128xi16, #tpu.memory_space<vmem>>, vector<32xi16>,
          %parallel_loop3A_266 = vector.bitcast %parallel_loop3A_265 : vector<32xi16> to vector<16xi32>
          %parallel_loop3A_267 = arith.constant 65535 : i32
          %parallel_loop3A_268 = vector.broadcast %parallel_loop3A_267 : i32 to vector<16xi32>
          %parallel_loop3A_269 = arith.andi %parallel_loop3A_266, %parallel_loop3A_268 : vector<16xi32>
          %parallel_loop3A_270 = arith.constant 16 : i32
          %parallel_loop3A_271 = vector.broadcast %parallel_loop3A_270 : i32 to vector<16xi32>
          %parallel_loop3A_272 = arith.shrui %parallel_loop3A_266, %parallel_loop3A_271 : vector<16xi32>
          %parallel_loop3A_273 = arith.index_cast %parallel_loop3A_262 : i32 to index
          %parallel_loop3A_274 = arith.constant 32 : index
          %parallel_loop3A_275 = tpu.vector_load %arg8[%parallel_loop3A_273, %parallel_loop3A_274] {strides = array<i32>} : memref<25x128xi16, #tpu.memory_space<vmem>>, vector<32xi16>,
          %parallel_loop3A_276 = vector.bitcast %parallel_loop3A_275 : vector<32xi16> to vector<16xi32>
          %parallel_loop3A_277 = arith.constant 65535 : i32
          %parallel_loop3A_278 = vector.broadcast %parallel_loop3A_277 : i32 to vector<16xi32>
          %parallel_loop3A_279 = arith.andi %parallel_loop3A_276, %parallel_loop3A_278 : vector<16xi32>
          %parallel_loop3A_280 = arith.constant 16 : i32
          %parallel_loop3A_281 = vector.broadcast %parallel_loop3A_280 : i32 to vector<16xi32>
          %parallel_loop3A_282 = arith.shrui %parallel_loop3A_276, %parallel_loop3A_281 : vector<16xi32>
          %parallel_loop3A_283 = arith.index_cast %parallel_loop3A_262 : i32 to index
          %parallel_loop3A_284 = arith.constant 64 : index
          %parallel_loop3A_285 = tpu.vector_load %arg8[%parallel_loop3A_283, %parallel_loop3A_284] {strides = array<i32>} : memref<25x128xi16, #tpu.memory_space<vmem>>, vector<32xi16>,
          %parallel_loop3A_286 = vector.bitcast %parallel_loop3A_285 : vector<32xi16> to vector<16xi32>
          %parallel_loop3A_287 = arith.constant 65535 : i32
          %parallel_loop3A_288 = vector.broadcast %parallel_loop3A_287 : i32 to vector<16xi32>
          %parallel_loop3A_289 = arith.andi %parallel_loop3A_286, %parallel_loop3A_288 : vector<16xi32>
          %parallel_loop3A_290 = arith.constant 16 : i32
          %parallel_loop3A_291 = vector.broadcast %parallel_loop3A_290 : i32 to vector<16xi32>
          %parallel_loop3A_292 = arith.shrui %parallel_loop3A_286, %parallel_loop3A_291 : vector<16xi32>
          %parallel_loop3A_293 = arith.index_cast %parallel_loop3A_262 : i32 to index
          %parallel_loop3A_294 = arith.constant 96 : index
          %parallel_loop3A_295 = tpu.vector_load %arg8[%parallel_loop3A_293, %parallel_loop3A_294] {strides = array<i32>} : memref<25x128xi16, #tpu.memory_space<vmem>>, vector<32xi16>,
          %parallel_loop3A_296 = vector.bitcast %parallel_loop3A_295 : vector<32xi16> to vector<16xi32>
          %parallel_loop3A_297 = arith.constant 65535 : i32
          %parallel_loop3A_298 = vector.broadcast %parallel_loop3A_297 : i32 to vector<16xi32>
          %parallel_loop3A_299 = arith.andi %parallel_loop3A_296, %parallel_loop3A_298 : vector<16xi32>
          %parallel_loop3A_300 = arith.constant 16 : i32
          %parallel_loop3A_301 = vector.broadcast %parallel_loop3A_300 : i32 to vector<16xi32>
          %parallel_loop3A_302 = arith.shrui %parallel_loop3A_296, %parallel_loop3A_301 : vector<16xi32>
          %parallel_loop3A_303 = tpu.vector_load_idx %arg6[%parallel_loop3A_269, %add3A_56, %add3A_31] : memref<200x2x128xf32, #tpu.memory_space<vmem>>[vector<16xi32>, vector<16xi32>, vector<16xi32>], vector<16xf32>,
          %parallel_loop3A_304 = tpu.vector_load_idx %arg6[%parallel_loop3A_269, %add3A_61, %add3A_31] : memref<200x2x128xf32, #tpu.memory_space<vmem>>[vector<16xi32>, vector<16xi32>, vector<16xi32>], vector<16xf32>,
          %parallel_loop3A_305 = tpu.vector_load_idx %arg6[%parallel_loop3A_272, %add3A_56, %add3A_34] : memref<200x2x128xf32, #tpu.memory_space<vmem>>[vector<16xi32>, vector<16xi32>, vector<16xi32>], vector<16xf32>,
          %parallel_loop3A_306 = tpu.vector_load_idx %arg6[%parallel_loop3A_272, %add3A_61, %add3A_34] : memref<200x2x128xf32, #tpu.memory_space<vmem>>[vector<16xi32>, vector<16xi32>, vector<16xi32>], vector<16xf32>,
          %parallel_loop3A_307 = tpu.vector_load_idx %arg6[%parallel_loop3A_279, %add3A_56, %add3A_37] : memref<200x2x128xf32, #tpu.memory_space<vmem>>[vector<16xi32>, vector<16xi32>, vector<16xi32>], vector<16xf32>,
          %parallel_loop3A_308 = tpu.vector_load_idx %arg6[%parallel_loop3A_279, %add3A_61, %add3A_37] : memref<200x2x128xf32, #tpu.memory_space<vmem>>[vector<16xi32>, vector<16xi32>, vector<16xi32>], vector<16xf32>,
          %parallel_loop3A_309 = tpu.vector_load_idx %arg6[%parallel_loop3A_282, %add3A_56, %add3A_40] : memref<200x2x128xf32, #tpu.memory_space<vmem>>[vector<16xi32>, vector<16xi32>, vector<16xi32>], vector<16xf32>,
          %parallel_loop3A_310 = tpu.vector_load_idx %arg6[%parallel_loop3A_282, %add3A_61, %add3A_40] : memref<200x2x128xf32, #tpu.memory_space<vmem>>[vector<16xi32>, vector<16xi32>, vector<16xi32>], vector<16xf32>,
          %parallel_loop3A_311 = tpu.vector_load_idx %arg6[%parallel_loop3A_289, %add3A_56, %add3A_43] : memref<200x2x128xf32, #tpu.memory_space<vmem>>[vector<16xi32>, vector<16xi32>, vector<16xi32>], vector<16xf32>,
          %parallel_loop3A_312 = tpu.vector_load_idx %arg6[%parallel_loop3A_289, %add3A_61, %add3A_43] : memref<200x2x128xf32, #tpu.memory_space<vmem>>[vector<16xi32>, vector<16xi32>, vector<16xi32>], vector<16xf32>,
          %parallel_loop3A_313 = tpu.vector_load_idx %arg6[%parallel_loop3A_292, %add3A_56, %add3A_46] : memref<200x2x128xf32, #tpu.memory_space<vmem>>[vector<16xi32>, vector<16xi32>, vector<16xi32>], vector<16xf32>,
          %parallel_loop3A_314 = tpu.vector_load_idx %arg6[%parallel_loop3A_292, %add3A_61, %add3A_46] : memref<200x2x128xf32, #tpu.memory_space<vmem>>[vector<16xi32>, vector<16xi32>, vector<16xi32>], vector<16xf32>,
          %parallel_loop3A_315 = tpu.vector_load_idx %arg6[%parallel_loop3A_299, %add3A_56, %add3A_49] : memref<200x2x128xf32, #tpu.memory_space<vmem>>[vector<16xi32>, vector<16xi32>, vector<16xi32>], vector<16xf32>,
          %parallel_loop3A_316 = tpu.vector_load_idx %arg6[%parallel_loop3A_299, %add3A_61, %add3A_49] : memref<200x2x128xf32, #tpu.memory_space<vmem>>[vector<16xi32>, vector<16xi32>, vector<16xi32>], vector<16xf32>,
          %parallel_loop3A_317 = tpu.vector_load_idx %arg6[%parallel_loop3A_302, %add3A_56, %add3A_52] : memref<200x2x128xf32, #tpu.memory_space<vmem>>[vector<16xi32>, vector<16xi32>, vector<16xi32>], vector<16xf32>,
          %parallel_loop3A_318 = tpu.vector_load_idx %arg6[%parallel_loop3A_302, %add3A_61, %add3A_52] : memref<200x2x128xf32, #tpu.memory_space<vmem>>[vector<16xi32>, vector<16xi32>, vector<16xi32>], vector<16xf32>,
          %parallel_loop3A_319 = arith.constant 0 : i32
          %parallel_loop3A_320 = arith.index_cast %parallel_loop3A_262 : i32 to index
          %parallel_loop3A_321 = arith.index_cast %parallel_loop3A_319 : i32 to index
          %parallel_loop3A_322 = arith.constant 0 : index
          %parallel_loop3A_323 = tpu.vector_load %arg10[%parallel_loop3A_320, %parallel_loop3A_321, %parallel_loop3A_322] {strides = array<i32>} : memref<25x2x128xf32, #tpu.memory_space<vmem>>, vector<16xf32>,
          tpu.vector_store %arg10[%parallel_loop3A_320, %parallel_loop3A_321, %parallel_loop3A_322], %parallel_loop3A_303 {strides = array<i32>} : memref<25x2x128xf32, #tpu.memory_space<vmem>>, vector<16xf32>,
          %parallel_loop3A_324 = arith.constant 1 : i32
          %parallel_loop3A_325 = arith.index_cast %parallel_loop3A_262 : i32 to index
          %parallel_loop3A_326 = arith.index_cast %parallel_loop3A_324 : i32 to index
          %parallel_loop3A_327 = arith.constant 0 : index
          %parallel_loop3A_328 = tpu.vector_load %arg10[%parallel_loop3A_325, %parallel_loop3A_326, %parallel_loop3A_327] {strides = array<i32>} : memref<25x2x128xf32, #tpu.memory_space<vmem>>, vector<16xf32>,
          tpu.vector_store %arg10[%parallel_loop3A_325, %parallel_loop3A_326, %parallel_loop3A_327], %parallel_loop3A_304 {strides = array<i32>} : memref<25x2x128xf32, #tpu.memory_space<vmem>>, vector<16xf32>,
          %parallel_loop3A_329 = arith.constant 0 : i32
          %parallel_loop3A_330 = arith.index_cast %parallel_loop3A_262 : i32 to index
          %parallel_loop3A_331 = arith.index_cast %parallel_loop3A_329 : i32 to index
          %parallel_loop3A_332 = arith.constant 16 : index
          %parallel_loop3A_333 = tpu.vector_load %arg10[%parallel_loop3A_330, %parallel_loop3A_331, %parallel_loop3A_332] {strides = array<i32>} : memref<25x2x128xf32, #tpu.memory_space<vmem>>, vector<16xf32>,
          tpu.vector_store %arg10[%parallel_loop3A_330, %parallel_loop3A_331, %parallel_loop3A_332], %parallel_loop3A_305 {strides = array<i32>} : memref<25x2x128xf32, #tpu.memory_space<vmem>>, vector<16xf32>,
          %parallel_loop3A_334 = arith.constant 1 : i32
          %parallel_loop3A_335 = arith.index_cast %parallel_loop3A_262 : i32 to index
          %parallel_loop3A_336 = arith.index_cast %parallel_loop3A_334 : i32 to index
          %parallel_loop3A_337 = arith.constant 16 : index
          %parallel_loop3A_338 = tpu.vector_load %arg10[%parallel_loop3A_335, %parallel_loop3A_336, %parallel_loop3A_337] {strides = array<i32>} : memref<25x2x128xf32, #tpu.memory_space<vmem>>, vector<16xf32>,
          tpu.vector_store %arg10[%parallel_loop3A_335, %parallel_loop3A_336, %parallel_loop3A_337], %parallel_loop3A_306 {strides = array<i32>} : memref<25x2x128xf32, #tpu.memory_space<vmem>>, vector<16xf32>,
          %parallel_loop3A_339 = arith.constant 0 : i32
          %parallel_loop3A_340 = arith.index_cast %parallel_loop3A_262 : i32 to index
          %parallel_loop3A_341 = arith.index_cast %parallel_loop3A_339 : i32 to index
          %parallel_loop3A_342 = arith.constant 32 : index
          %parallel_loop3A_343 = tpu.vector_load %arg10[%parallel_loop3A_340, %parallel_loop3A_341, %parallel_loop3A_342] {strides = array<i32>} : memref<25x2x128xf32, #tpu.memory_space<vmem>>, vector<16xf32>,
          tpu.vector_store %arg10[%parallel_loop3A_340, %parallel_loop3A_341, %parallel_loop3A_342], %parallel_loop3A_307 {strides = array<i32>} : memref<25x2x128xf32, #tpu.memory_space<vmem>>, vector<16xf32>,
          %parallel_loop3A_344 = arith.constant 1 : i32
          %parallel_loop3A_345 = arith.index_cast %parallel_loop3A_262 : i32 to index
          %parallel_loop3A_346 = arith.index_cast %parallel_loop3A_344 : i32 to index
          %parallel_loop3A_347 = arith.constant 32 : index
          %parallel_loop3A_348 = tpu.vector_load %arg10[%parallel_loop3A_345, %parallel_loop3A_346, %parallel_loop3A_347] {strides = array<i32>} : memref<25x2x128xf32, #tpu.memory_space<vmem>>, vector<16xf32>,
          tpu.vector_store %arg10[%parallel_loop3A_345, %parallel_loop3A_346, %parallel_loop3A_347], %parallel_loop3A_308 {strides = array<i32>} : memref<25x2x128xf32, #tpu.memory_space<vmem>>, vector<16xf32>,
          %parallel_loop3A_349 = arith.constant 0 : i32
          %parallel_loop3A_350 = arith.index_cast %parallel_loop3A_262 : i32 to index
          %parallel_loop3A_351 = arith.index_cast %parallel_loop3A_349 : i32 to index
          %parallel_loop3A_352 = arith.constant 48 : index
          %parallel_loop3A_353 = tpu.vector_load %arg10[%parallel_loop3A_350, %parallel_loop3A_351, %parallel_loop3A_352] {strides = array<i32>} : memref<25x2x128xf32, #tpu.memory_space<vmem>>, vector<16xf32>,
          tpu.vector_store %arg10[%parallel_loop3A_350, %parallel_loop3A_351, %parallel_loop3A_352], %parallel_loop3A_309 {strides = array<i32>} : memref<25x2x128xf32, #tpu.memory_space<vmem>>, vector<16xf32>,
          %parallel_loop3A_354 = arith.constant 1 : i32
          %parallel_loop3A_355 = arith.index_cast %parallel_loop3A_262 : i32 to index
          %parallel_loop3A_356 = arith.index_cast %parallel_loop3A_354 : i32 to index
          %parallel_loop3A_357 = arith.constant 48 : index
          %parallel_loop3A_358 = tpu.vector_load %arg10[%parallel_loop3A_355, %parallel_loop3A_356, %parallel_loop3A_357] {strides = array<i32>} : memref<25x2x128xf32, #tpu.memory_space<vmem>>, vector<16xf32>,
          tpu.vector_store %arg10[%parallel_loop3A_355, %parallel_loop3A_356, %parallel_loop3A_357], %parallel_loop3A_310 {strides = array<i32>} : memref<25x2x128xf32, #tpu.memory_space<vmem>>, vector<16xf32>,
          %parallel_loop3A_359 = arith.constant 0 : i32
          %parallel_loop3A_360 = arith.index_cast %parallel_loop3A_262 : i32 to index
          %parallel_loop3A_361 = arith.index_cast %parallel_loop3A_359 : i32 to index
          %parallel_loop3A_362 = arith.constant 64 : index
          %parallel_loop3A_363 = tpu.vector_load %arg10[%parallel_loop3A_360, %parallel_loop3A_361, %parallel_loop3A_362] {strides = array<i32>} : memref<25x2x128xf32, #tpu.memory_space<vmem>>, vector<16xf32>,
          tpu.vector_store %arg10[%parallel_loop3A_360, %parallel_loop3A_361, %parallel_loop3A_362], %parallel_loop3A_311 {strides = array<i32>} : memref<25x2x128xf32, #tpu.memory_space<vmem>>, vector<16xf32>,
          %parallel_loop3A_364 = arith.constant 1 : i32
          %parallel_loop3A_365 = arith.index_cast %parallel_loop3A_262 : i32 to index
          %parallel_loop3A_366 = arith.index_cast %parallel_loop3A_364 : i32 to index
          %parallel_loop3A_367 = arith.constant 64 : index
          %parallel_loop3A_368 = tpu.vector_load %arg10[%parallel_loop3A_365, %parallel_loop3A_366, %parallel_loop3A_367] {strides = array<i32>} : memref<25x2x128xf32, #tpu.memory_space<vmem>>, vector<16xf32>,
          tpu.vector_store %arg10[%parallel_loop3A_365, %parallel_loop3A_366, %parallel_loop3A_367], %parallel_loop3A_312 {strides = array<i32>} : memref<25x2x128xf32, #tpu.memory_space<vmem>>, vector<16xf32>,
          %parallel_loop3A_369 = arith.constant 0 : i32
          %parallel_loop3A_370 = arith.index_cast %parallel_loop3A_262 : i32 to index
          %parallel_loop3A_371 = arith.index_cast %parallel_loop3A_369 : i32 to index
          %parallel_loop3A_372 = arith.constant 80 : index
          %parallel_loop3A_373 = tpu.vector_load %arg10[%parallel_loop3A_370, %parallel_loop3A_371, %parallel_loop3A_372] {strides = array<i32>} : memref<25x2x128xf32, #tpu.memory_space<vmem>>, vector<16xf32>,
          tpu.vector_store %arg10[%parallel_loop3A_370, %parallel_loop3A_371, %parallel_loop3A_372], %parallel_loop3A_313 {strides = array<i32>} : memref<25x2x128xf32, #tpu.memory_space<vmem>>, vector<16xf32>,
          %parallel_loop3A_374 = arith.constant 1 : i32
          %parallel_loop3A_375 = arith.index_cast %parallel_loop3A_262 : i32 to index
          %parallel_loop3A_376 = arith.index_cast %parallel_loop3A_374 : i32 to index
          %parallel_loop3A_377 = arith.constant 80 : index
          %parallel_loop3A_378 = tpu.vector_load %arg10[%parallel_loop3A_375, %parallel_loop3A_376, %parallel_loop3A_377] {strides = array<i32>} : memref<25x2x128xf32, #tpu.memory_space<vmem>>, vector<16xf32>,
          tpu.vector_store %arg10[%parallel_loop3A_375, %parallel_loop3A_376, %parallel_loop3A_377], %parallel_loop3A_314 {strides = array<i32>} : memref<25x2x128xf32, #tpu.memory_space<vmem>>, vector<16xf32>,
          %parallel_loop3A_379 = arith.constant 0 : i32
          %parallel_loop3A_380 = arith.index_cast %parallel_loop3A_262 : i32 to index
          %parallel_loop3A_381 = arith.index_cast %parallel_loop3A_379 : i32 to index
          %parallel_loop3A_382 = arith.constant 96 : index
          %parallel_loop3A_383 = tpu.vector_load %arg10[%parallel_loop3A_380, %parallel_loop3A_381, %parallel_loop3A_382] {strides = array<i32>} : memref<25x2x128xf32, #tpu.memory_space<vmem>>, vector<16xf32>,
          tpu.vector_store %arg10[%parallel_loop3A_380, %parallel_loop3A_381, %parallel_loop3A_382], %parallel_loop3A_315 {strides = array<i32>} : memref<25x2x128xf32, #tpu.memory_space<vmem>>, vector<16xf32>,
          %parallel_loop3A_384 = arith.constant 1 : i32
          %parallel_loop3A_385 = arith.index_cast %parallel_loop3A_262 : i32 to index
          %parallel_loop3A_386 = arith.index_cast %parallel_loop3A_384 : i32 to index
          %parallel_loop3A_387 = arith.constant 96 : index
          %parallel_loop3A_388 = tpu.vector_load %arg10[%parallel_loop3A_385, %parallel_loop3A_386, %parallel_loop3A_387] {strides = array<i32>} : memref<25x2x128xf32, #tpu.memory_space<vmem>>, vector<16xf32>,
          tpu.vector_store %arg10[%parallel_loop3A_385, %parallel_loop3A_386, %parallel_loop3A_387], %parallel_loop3A_316 {strides = array<i32>} : memref<25x2x128xf32, #tpu.memory_space<vmem>>, vector<16xf32>,
          %parallel_loop3A_389 = arith.constant 0 : i32
          %parallel_loop3A_390 = arith.index_cast %parallel_loop3A_262 : i32 to index
          %parallel_loop3A_391 = arith.index_cast %parallel_loop3A_389 : i32 to index
          %parallel_loop3A_392 = arith.constant 112 : index
          %parallel_loop3A_393 = tpu.vector_load %arg10[%parallel_loop3A_390, %parallel_loop3A_391, %parallel_loop3A_392] {strides = array<i32>} : memref<25x2x128xf32, #tpu.memory_space<vmem>>, vector<16xf32>,
          tpu.vector_store %arg10[%parallel_loop3A_390, %parallel_loop3A_391, %parallel_loop3A_392], %parallel_loop3A_317 {strides = array<i32>} : memref<25x2x128xf32, #tpu.memory_space<vmem>>, vector<16xf32>,
          %parallel_loop3A_394 = arith.constant 1 : i32
          %parallel_loop3A_395 = arith.index_cast %parallel_loop3A_262 : i32 to index
          %parallel_loop3A_396 = arith.index_cast %parallel_loop3A_394 : i32 to index
          %parallel_loop3A_397 = arith.constant 112 : index
          %parallel_loop3A_398 = tpu.vector_load %arg10[%parallel_loop3A_395, %parallel_loop3A_396, %parallel_loop3A_397] {strides = array<i32>} : memref<25x2x128xf32, #tpu.memory_space<vmem>>, vector<16xf32>,
          tpu.vector_store %arg10[%parallel_loop3A_395, %parallel_loop3A_396, %parallel_loop3A_397], %parallel_loop3A_318 {strides = array<i32>} : memref<25x2x128xf32, #tpu.memory_space<vmem>>, vector<16xf32>,
        } {sc.loop_unroll_factor = 5 : i64, sc.parallel_access}
        %dma_start3A_245 = arith.constant 0 : i32
        %dma_start3A_246 = tpu.memref_slice %arg4[%mul3A_227, %select_n3A, %add3A_137, %mul3A_70, %dma_start3A_245] : memref<200x8x32x8x128xf32, #tpu.memory_space<hbm>> -> memref<25x1x1x2x128xf32, #tpu.memory_space<hbm>>
        %dma_start3A_247 = tpu.memref_squeeze %dma_start3A_246 : memref<25x1x1x2x128xf32, #tpu.memory_space<hbm>> -> memref<25x2x128xf32, #tpu.memory_space<hbm>>
        %dma_start3A_248 = arith.constant 0 : i32
        %dma_start3A_249 = tpu.memref_slice %arg4[%mul3A_227, %select_n3A, %add3A_137, %mul3A_70, %dma_start3A_248] : memref<200x8x32x8x128xf32, #tpu.memory_space<hbm>> -> memref<25x1x1x2x128xf32, #tpu.memory_space<hbm>>
        %dma_start3A_250 = tpu.memref_squeeze %dma_start3A_249 : memref<25x1x1x2x128xf32, #tpu.memory_space<hbm>> -> memref<25x2x128xf32, #tpu.memory_space<hbm>>
        tpu.enqueue_dma source(%arg10 : memref<25x2x128xf32, #tpu.memory_space<vmem>>) target(%dma_start3A_250 : memref<25x2x128xf32, #tpu.memory_space<hbm>>) target_semaphore(%arg16 : memref<!tpu.dma_semaphore, #tpu.memory_space<semaphore_mem>>)
        %lt3A_251 = arith.constant 3 : i32
        %lt3A_252 = arith.cmpi slt, %scan3A_183, %lt3A_251 : i32
        %convert_element_type3A_253 = arith.extui %lt3A_252 : i1 to i32
        %cond3A_254 = arith.constant 0 : i32
        %cond3A_255 = arith.cmpi ne, %convert_element_type3A_253, %cond3A_254 : i32
        scf.if %cond3A_255 {
          %add3A_262 = arith.constant 50 : i32
          %add3A_263 = arith.addi %mul3A_227, %add3A_262 : i32
          %mul3A_264 = arith.constant 128 : i32
          %mul3A_265 = arith.muli %add3A_137, %mul3A_264 : i32
          %dma_start3A_266 = tpu.memref_slice %arg3[%add3A_263, %mul3A_265] : memref<200x4096xi16, #tpu.memory_space<hbm>> -> memref<25x128xi16, #tpu.memory_space<hbm>>
          %dma_start3A_267 = tpu.memref_slice %arg3[%add3A_263, %mul3A_265] : memref<200x4096xi16, #tpu.memory_space<hbm>> -> memref<25x128xi16, #tpu.memory_space<hbm>>
          tpu.enqueue_dma source(%dma_start3A_267 : memref<25x128xi16, #tpu.memory_space<hbm>>) target(%arg8 : memref<25x128xi16, #tpu.memory_space<vmem>>) target_semaphore(%arg14 : memref<!tpu.dma_semaphore, #tpu.memory_space<semaphore_mem>>)
        } else {
        }
        %eq3A_256 = arith.constant 3 : i32
        %eq3A_257 = arith.cmpi eq, %scan3A_183, %eq3A_256 : i32
        %and3A_258 = arith.andi %eq3A_257, %lt3A_141 : i1
        %convert_element_type3A_259 = arith.extui %and3A_258 : i1 to i32
        %cond3A_260 = arith.constant 0 : i32
        %cond3A_261 = arith.cmpi ne, %convert_element_type3A_259, %cond3A_260 : i32
        scf.if %cond3A_261 {
          %mul3A_262 = arith.constant 128 : i32
          %mul3A_263 = arith.muli %add3A_173, %mul3A_262 : i32
          %dma_start3A_264 = arith.constant 25 : i32
          %dma_start3A_265 = tpu.memref_slice %arg3[%dma_start3A_264, %mul3A_263] : memref<200x4096xi16, #tpu.memory_space<hbm>> -> memref<25x128xi16, #tpu.memory_space<hbm>>
          %dma_start3A_266 = arith.constant 25 : i32
          %dma_start3A_267 = tpu.memref_slice %arg3[%dma_start3A_266, %mul3A_263] : memref<200x4096xi16, #tpu.memory_space<hbm>> -> memref<25x128xi16, #tpu.memory_space<hbm>>
          tpu.enqueue_dma source(%dma_start3A_267 : memref<25x128xi16, #tpu.memory_space<hbm>>) target(%arg8 : memref<25x128xi16, #tpu.memory_space<vmem>>) target_semaphore(%arg14 : memref<!tpu.dma_semaphore, #tpu.memory_space<semaphore_mem>>)
        } else {
        }
      }
      %scan3A_179 = arith.constant 4 : i32
      %convert_element_type3A_180 = arith.extui %lt3A_141 : i1 to i32
      %cond3A_181 = arith.constant 0 : i32
      %cond3A_182 = arith.cmpi ne, %convert_element_type3A_180, %cond3A_181 : i32
      scf.if %cond3A_182 {
        %add3A_183 = arith.constant 1 : i32
        %add3A_184 = arith.addi %scan3A_134, %add3A_183 : i32
        %mul3A_185 = arith.constant 16 : i32
        %mul3A_186 = arith.muli %arg0, %mul3A_185 : i32
        %add3A_187 = arith.addi %mul3A_186, %add3A_184 : i32
        %dma_start3A_188 = arith.constant 0 : i32
        %dma_start3A_189 = arith.constant 0 : i32
        %dma_start3A_190 = tpu.memref_slice %arg2[%dma_start3A_188, %select_n3A, %add3A_187, %mul3A_70, %dma_start3A_189] : memref<200x8x32x8x128xf32, #tpu.memory_space<hbm>> -> memref<200x1x1x2x128xf32, #tpu.memory_space<hbm>>
        %dma_start3A_191 = tpu.memref_squeeze %dma_start3A_190 : memref<200x1x1x2x128xf32, #tpu.memory_space<hbm>> -> memref<200x2x128xf32, #tpu.memory_space<hbm>>
        %dma_start3A_192 = arith.constant 0 : i32
        %dma_start3A_193 = arith.constant 0 : i32
        %dma_start3A_194 = tpu.memref_slice %arg2[%dma_start3A_192, %select_n3A, %add3A_187, %mul3A_70, %dma_start3A_193] : memref<200x8x32x8x128xf32, #tpu.memory_space<hbm>> -> memref<200x1x1x2x128xf32, #tpu.memory_space<hbm>>
        %dma_start3A_195 = tpu.memref_squeeze %dma_start3A_194 : memref<200x1x1x2x128xf32, #tpu.memory_space<hbm>> -> memref<200x2x128xf32, #tpu.memory_space<hbm>>
        tpu.enqueue_dma source(%dma_start3A_195 : memref<200x2x128xf32, #tpu.memory_space<hbm>>) target(%arg6 : memref<200x2x128xf32, #tpu.memory_space<vmem>>) target_semaphore(%arg12 : memref<!tpu.dma_semaphore, #tpu.memory_space<semaphore_mem>>)
      } else {
      }
    }
    %scan3A_112 = arith.constant 16 : i32
    %mul3A_113 = arith.constant 16 : i32
    %mul3A_114 = arith.muli %arg0, %mul3A_113 : i32
    %add3A_115 = arith.constant 16 : i32
    %add3A_116 = arith.addi %mul3A_114, %add3A_115 : i32
    %sub3A_117 = arith.constant 1 : i32
    %sub3A_118 = arith.subi %add3A_116, %sub3A_117 : i32
    %dma_wait3A = arith.constant 150 : i32
    %dma_wait3A_119 = arith.constant 0 : i32
    %dma_wait3A_120 = tpu.memref_slice %arg4[%dma_wait3A, %select_n3A, %sub3A_118, %mul3A_70, %dma_wait3A_119] : memref<200x8x32x8x128xf32, #tpu.memory_space<hbm>> -> memref<25x1x1x2x128xf32, #tpu.memory_space<hbm>>
    %dma_wait3A_121 = tpu.memref_squeeze %dma_wait3A_120 : memref<25x1x1x2x128xf32, #tpu.memory_space<hbm>> -> memref<25x2x128xf32, #tpu.memory_space<hbm>>
    %dma_wait3A_122 = arith.constant 150 : i32
    %dma_wait3A_123 = arith.constant 0 : i32
    %dma_wait3A_124 = tpu.memref_slice %arg4[%dma_wait3A_122, %select_n3A, %sub3A_118, %mul3A_70, %dma_wait3A_123] : memref<200x8x32x8x128xf32, #tpu.memory_space<hbm>> -> memref<25x1x1x2x128xf32, #tpu.memory_space<hbm>>
    %dma_wait3A_125 = tpu.memref_squeeze %dma_wait3A_124 : memref<25x1x1x2x128xf32, #tpu.memory_space<hbm>> -> memref<25x2x128xf32, #tpu.memory_space<hbm>>
    tpu.wait_dma2 semaphore(%arg15 : memref<!tpu.dma_semaphore, #tpu.memory_space<semaphore_mem>>) src(%arg9 : memref<25x2x128xf32, #tpu.memory_space<vmem>>) dst(%dma_wait3A_125 : memref<25x2x128xf32, #tpu.memory_space<hbm>>)
    %dma_wait3A_126 = arith.constant 175 : i32
    %dma_wait3A_127 = arith.constant 0 : i32
    %dma_wait3A_128 = tpu.memref_slice %arg4[%dma_wait3A_126, %select_n3A, %sub3A_118, %mul3A_70, %dma_wait3A_127] : memref<200x8x32x8x128xf32, #tpu.memory_space<hbm>> -> memref<25x1x1x2x128xf32, #tpu.memory_space<hbm>>
    %dma_wait3A_129 = tpu.memref_squeeze %dma_wait3A_128 : memref<25x1x1x2x128xf32, #tpu.memory_space<hbm>> -> memref<25x2x128xf32, #tpu.memory_space<hbm>>
    %dma_wait3A_130 = arith.constant 175 : i32
    %dma_wait3A_131 = arith.constant 0 : i32
    %dma_wait3A_132 = tpu.memref_slice %arg4[%dma_wait3A_130, %select_n3A, %sub3A_118, %mul3A_70, %dma_wait3A_131] : memref<200x8x32x8x128xf32, #tpu.memory_space<hbm>> -> memref<25x1x1x2x128xf32, #tpu.memory_space<hbm>>
    %dma_wait3A_133 = tpu.memref_squeeze %dma_wait3A_132 : memref<25x1x1x2x128xf32, #tpu.memory_space<hbm>> -> memref<25x2x128xf32, #tpu.memory_space<hbm>>
    tpu.wait_dma2 semaphore(%arg16 : memref<!tpu.dma_semaphore, #tpu.memory_space<semaphore_mem>>) src(%arg10 : memref<25x2x128xf32, #tpu.memory_space<vmem>>) dst(%dma_wait3A_133 : memref<25x2x128xf32, #tpu.memory_space<hbm>>)
    return
  }
}

</mosaic_0001>

<sc_bundles>
// kernel: kernel.3.cloned.1.call-start
scs
__scs_entry_jumppad:
0x0: {  	(pc) =	sbr.rel $0x88, $3  }
0x1: {  	(tag) =	ssettag $0x0;
	lr =	simm.s32 $0x1  }
0x2: {  	[smem:$0x3F9F] =	sst lr;
	_ =	strace $0xD0000000  }
0x3: {  	_ = 	snop  }
0x4: {  	_ = 	snop  }
0x5: {  	_ = 	snop  }
0x6: {  	_ = 	snop  }
0x7: {  	_ = 	snop  }
__scs_overlays_trampoline_lowered:
0x8: {  	[smem:$0x3FAE] =	sst s0  }
0x9: {  	[smem:$0x3FAF] =	sst s1  }
0xa: {  	[smem:$0x3FB0] =	sst s2  }
0xb: {  	[smem:$0x3FB1] =	sst s3  }
0xc: {  	[smem:$0x3FB2] =	sst s4  }
0xd: {  	[smem:$0x3FB3] =	sst s5  }
0xe: {  	[smem:$0x3FB4] =	sst s6  }
0xf: {  	[smem:$0x3FB5] =	sst s7  }
0x10: {  	[smem:$0x3FB6] =	sst s8  }
0x11: {  	[smem:$0x3FB7] =	sst s9;
	s0 =	simm.s32 @!p0 $0x0  }
0x12: {  	s1 =	sld [smem:$0x3F9D];
	s0 =	simm.s32 @p0 $0x1  }
0x13: {  	[smem:$0x3FB8] =	sst s0;
	s0 =	simm.s32 @!p1 $0x0  }
0x14: {  	s2 =	sld [smem:$0x3F9C];
	s0 =	simm.s32 @p1 $0x1  }
0x15: {  	[smem:$0x3FB9] =	sst s0;
	s0 =	simm.s32 @!p2 $0x0  }
0x16: {  	s3 =	sld [smem:$0x3FDB];
	s0 =	simm.s32 @p2 $0x1  }
0x17: {  	s4 =	simm.s32 $0x1BF5;
	[smem:$0x3FBB] =	sst s0  }
0x18: {  	s0 =	sld [smem:$0x3F9E];
	_ =	swait.ge [sflag:s4], $0x0  }
0x19: {  	s7 =	sld [smem:$0x3F9F]  }
0x1a: {  	s8 =	sadd.s32 $0xFFFFE003, lr  }
0x1b: {  	s9 =	sadd.s32 $0xFFFFFEF7, lr;
	s5 =	simm.s32 $0xFFFFFFFF;
	p2 =	slt.u32 s8, $0xFFFFF086  }
0x1c: {  	p1 =	slt.u32 s9, $0xF7A;
	s5 =	simm.s32 @!p2 $0x0  }
0x1d: {  	s5 =	simm.s32 @p1 $0x1;
	p0 =	seq.s32 s7, s2  }
0x1e: {  	s7 =	smul.u32 @!p0 $0xF7A, s2;
	p2 =	seq.s32 @!p0 s5, $0x0  }
0x1f: {  	s9 =	smul.u32 $0xF7A, s1;
	s8 =	simm.s32 @!p0 $0x1BF5;
	p2 =	por !p2, p0  }
0x20: {  	[sflag:s8] =	ssyncset.s32 @!p0 $0xFFFFF086;
	s6 =	sadd.s32 @!p0 s3, s7;
	s7 =	simm.s32 @!p0 $0x108  }
0x21: {  	s3 =	sadd.s32 s3, s9;
	s6 =	sadd.s32 @!p0 $0x88, s6;
	s7 =	simm.s32 @p2 $0x1082  }
0x22: {  	[simem:s7], [sflag:s8] =	dma.local @!p0 [hbm:s6], $0xF7A  }
0x23: {  	s9 =	sor.u32 $0xD0000000, s2;
	s6 =	simm.s32 $0x108;
	_ =	swait.ge @!p0 [sflag:s8], $0x0  }
0x24: {  	s3 =	sadd.s32 $0x88, s3;
	s6 =	simm.s32 @!p1 $0x1082;
	[sflag:s4] =	ssyncset.s32 $0xFFFFF086  }
0x25: {  	[simem:s6], [sflag:s4] =	dma.local [hbm:s3], $0xF7A  }
0x26: {  	[smem:$0x3F9F] =	sst s1;
	(tag) =	ssettag s2;
	_ =	strace s9  }
0x27: {  	s1 =	sld [smem:$0x3FAF]  }
0x28: {  	s2 =	sld [smem:$0x3FB0]  }
0x29: {  	s4 =	sld [smem:$0x3FB2]  }
0x2a: {  	p0 =	seq.s32 s5, $0x0;
	s5 =	sld [smem:$0x3FB3]  }
0x2b: {  	s6 =	sld [smem:$0x3FB4]  }
0x2c: {  	s7 =	sld [smem:$0x3FB5]  }
0x2d: {  	s3 =	simm.s32 $0x108;
	s8 =	sld [smem:$0x3FB6]  }
0x2e: {  	s3 =	simm.s32 @!p0 $0x1082;
	s9 =	sld [smem:$0x3FB7]  }
0x2f: {  	lr =	sadd.s32 s0, s3;
	s0 =	sld [smem:$0x3FAE]  }
0x30: {  	s3 =	sld [smem:$0x3FB1]  }
0x31: {  	[smem:$0x3FBA] =	sst s10  }
0x32: {  	s10 =	sld [smem:$0x3FB8];
	_ =	sdelay $0x3  }
0x33: {  	p0 =	seq.s32 s10, $0x1;
	s10 =	sld [smem:$0x3FBA];
	_ =	sdelay $0x3  }
0x34: {  	[smem:$0x3FBA] =	sst s10  }
0x35: {  	s10 =	sld [smem:$0x3FB9];
	_ =	sdelay $0x3  }
0x36: {  	p1 =	seq.s32 s10, $0x1;
	s10 =	sld [smem:$0x3FBA];
	_ =	sdelay $0x3  }
0x37: {  	[smem:$0x3FBA] =	sst s10  }
0x38: {  	s10 =	sld [smem:$0x3FBB]  }
0x39: {  	_ = 	snop;
	(pc) =	sbr.ind lr, $3  }
0x3a: {  	_ = 	snop  }
0x3b: {  	_ = 	snop  }
0x3c: {  	p2 =	seq.s32 s10, $0x1;
	s10 =	sld [smem:$0x3FBA]  }
0x3d: {  	_ =	shalt  }
0x3e: {  	_ =	shalt  }
0x3f: {  	_ =	shalt  }
0x40: {  	_ =	shalt  }
0x41: {  	_ =	shalt  }
0x42: {  	_ =	shalt  }
0x43: {  	_ =	shalt  }
0x44: {  	_ =	shalt  }
0x45: {  	_ =	shalt  }
0x46: {  	_ =	shalt  }
0x47: {  	_ =	shalt  }
0x48: {  	_ =	shalt  }
0x49: {  	_ =	shalt  }
0x4a: {  	_ =	shalt  }
0x4b: {  	_ =	shalt  }
0x4c: {  	_ =	shalt  }
0x4d: {  	_ =	shalt  }
0x4e: {  	_ =	shalt  }
0x4f: {  	_ =	shalt  }
0x50: {  	_ =	shalt  }
0x51: {  	_ =	shalt  }
0x52: {  	_ =	shalt  }
0x53: {  	_ =	shalt  }
0x54: {  	_ =	shalt  }
0x55: {  	_ =	shalt  }
0x56: {  	_ =	shalt  }
0x57: {  	_ =	shalt  }
0x58: {  	_ =	shalt  }
0x59: {  	_ =	shalt  }
0x5a: {  	_ =	shalt  }
0x5b: {  	_ =	shalt  }
0x5c: {  	_ =	shalt  }
0x5d: {  	_ =	shalt  }
0x5e: {  	_ =	shalt  }
0x5f: {  	_ =	shalt  }
0x60: {  	_ =	shalt  }
0x61: {  	_ =	shalt  }
0x62: {  	_ =	shalt  }
0x63: {  	_ =	shalt  }
0x64: {  	_ =	shalt  }
0x65: {  	_ =	shalt  }
0x66: {  	_ =	shalt  }
0x67: {  	_ =	shalt  }
0x68: {  	_ =	shalt  }
0x69: {  	_ =	shalt  }
0x6a: {  	_ =	shalt  }
0x6b: {  	_ =	shalt  }
0x6c: {  	_ =	shalt  }
0x6d: {  	_ =	shalt  }
0x6e: {  	_ =	shalt  }
0x6f: {  	_ =	shalt  }
0x70: {  	_ =	shalt  }
0x71: {  	_ =	shalt  }
0x72: {  	_ =	shalt  }
0x73: {  	_ =	shalt  }
0x74: {  	_ =	shalt  }
0x75: {  	_ =	shalt  }
0x76: {  	_ =	shalt  }
0x77: {  	_ =	shalt  }
0x78: {  	_ =	shalt  }
0x79: {  	_ =	shalt  }
0x7a: {  	_ =	shalt  }
0x7b: {  	_ =	shalt  }
0x7c: {  	_ =	shalt  }
0x7d: {  	_ =	shalt  }
0x7e: {  	_ =	shalt  }
0x7f: {  	_ =	shalt  }
0x80: {  	_ =	shalt  }
0x81: {  	_ =	shalt  }
0x82: {  	_ =	shalt  }
0x83: {  	_ =	shalt  }
0x84: {  	_ =	shalt  }
0x85: {  	_ =	shalt  }
0x86: {  	_ =	shalt  }
0x87: {  	_ =	shalt  }
.Lfunc_end0:
.L_simem_size_0:
called_computation_lowered:
.L_overlay_start_0:
0x88: {  	s2 =	sld [smem:$0x3FD9]  }
0x89: {  	s3 =	sld [smem:$0x3FFE];
	_ =	sdelay $0x1  }
0x8a: {  	s1 =	srdreg.scid  }
0x8b: {  	s0 =	sand.u32 $0x1, s1  }
0x8c: {  	s17 =	sshll.u32 s0, $0xA;
	s2 =	sadd.s32 s3, s2  }
0x8d: {  	s2 =	sadd.s32 s2, s17  }
0x8e: {  	[smem:$0x3FC6] =	sst s2  }
0x8f: {  	_ = 	snop  }
0x90: {  	s2 =	sld [smem:$0x3FC9]  }
0x91: {  	s18 =	sld [smem:$0x3FD0];
	(tm) =	ssettm $0x1  }
0x92: {  	s4 =	sld [smem:$0x3FFB];
	_ =	sdelay $0x3  }
0x93: {  	_ =	strace s4  }
0x94: {  	s4 =	sld [smem:$0x3FFC];
	_ =	sdelay $0x3  }
0x95: {  	_ =	strace s4  }
0x96: {  	s4 =	sld [smem:$0x3FFD];
	_ =	sdelay $0x3  }
0x97: {  	_ =	strace s4  }
0x98: {  	_ =	strace $0x8FFFFFFF  }
0x99: {  	s19 =	sld [smem:$0x3FDB];
	_ =	sdelay $0x1  }
0x9a: {  	s5 =	simm.s32 $_scs_section_size  }
0x9b: {  	s6 =	simm.s32 $_size__tile_overlayer_lowered;
	s7 =	simm.s32 $_tile_overlayer_lowered  }
0x9c: {  	s22 =	simm.s32 $0x1BFF;
	s21 =	sshll.u32 s7, $0x1;
	s4 =	sadd.s32 s5, s19  }
0x9d: {  	s8 =	simm.s32 $0x0;
	s20 =	sshll.u32 s6, $0x1;
	s6 =	sadd.s32 s21, s4  }
0x9e: {  	[timem:s8], [sflag:s22] =	dma.local [hbm:s6], s20  }
0x9f: {  	_ =	swait.ge [sflag:s22], s20  }
0xa0: {  	s5 =	ssub.s32 $0x0, s20;
	[sflag:s22] =	ssyncset.done $0x0  }
0xa1: {  	[sflag:s22] =	ssyncadd.s32 s5;
	_ =	sdelay $0x1  }
0xa2: {  	s23 =	simm.s32 $0x1B8B  }
0xa3: {  	_ =	swait.ge [sflag:s23], $0x1  }
0xa4: {  	[sflag:s23] =	ssyncset.done $0x0  }
0xa5: {  	s25 =	simm.s32 $0x1B8E;
	s24 =	sld [smem:$0x3FFE];
	[sflag:s23] =	ssyncadd.s32 $0xFFFFFFFF  }
0xa6: {  	s26 =	simm.s32 $execute0_lowered;
	[smem:$0x3FD2] =	sst s25  }
0xa7: {  	s6 =	sshll.u32 s26, $0x1;
	_ =	strace $0x80000046;
	[dreg:$0x1] =	wrdreg $0xFFFFFFFF  }
0xa8: {  	s28 =	simm.s32 $_size_execute0_lowered;
	s4 =	sadd.s32 s4, s6;
	[dreg:$0x0] =	wrdreg $0x0  }
0xa9: {  	s6 =	sshll.u32 s28, $0x1;
	[dreg:$0x2] =	wrdreg s4  }
0xaa: {  	[dreg:$0x3] =	wrdreg s6  }
0xab: {  	[dreg:$0x4] =	wrdreg $0xC0  }
0xac: {  	_ =	task [dreg:s8], $0x5FFFF  }
0xad: {  	[dreg:$0x1] =	wrdreg $0xFFFFFFFF  }
0xae: {  	[dreg:$0x0] =	wrdreg $0x60  }
0xaf: {  	[dreg:$0x2] =	wrdreg s2  }
0xb0: {  	[dreg:$0x3] =	wrdreg s24  }
0xb1: {  	[dreg:$0x4] =	wrdreg s18  }
0xb2: {  	[dreg:$0x5] =	wrdreg $0x9  }
0xb3: {  	_ =	task.clear_ibuf [dreg:s8], $0x6FFFF;
	_ =	strace $0x90000046  }
0xb4: {  	s29 =	simm.s32 $0x9;
	_ =	strace $0x80000048  }
0xb5: {  	_ =	swait.ge [sflag:s29], $0x1  }
0xb6: {  	[sflag:s29] =	ssyncadd.s32 $0xFFFFFFFF  }
0xb7: {  	_ =	strace $0x90000048  }
0xb8: {  	_ =	sfence  }
0xb9: {  	s30 =	sld [smem:$0x0];
	_ =	sdelay $0x2  }
0xba: {  	s31 =	sshll.u32 s1, $0xD;
	s1 =	sshrl.u32 s1, $0x2  }
0xbb: {  	s3 =	sand.u32 $0x4000, s31;
	s1 =	sadd.s32 s1, s30  }
0xbc: {  	s0 =	sor.u32 s3, s0;
	s1 =	sshll.u32 s1, $0x11  }
0xbd: {  	s0 =	sor.u32 s1, s0  }
0xbe: {  	s0 =	sadd.s32 $0x8F2B, s0  }
0xbf: {  	[sflag:s0] =	ssyncadd.remote.s32 $0x1  }
0xc0: {  	_ =	sfence.sel $0xFFFF  }
0xc1: {  	[dreg:$0x0] =	wrdreg $0xFFFFFFFF;
	(pc) =	sbr.abs _section_cstart, $3  }
0xc2: {  	[dreg:$0x1] =	wrdreg $0xFFFFFFFF  }
0xc3: {  	_ =	task.clear_ibuf [dreg:s8], $0x2FFFF;
	_ =	strace $0x9FFFFFFF  }
0xc4: {  	(tm) =	ssettm $0x7FFFFFFF  }
0xc5: {  	_ =	shalt  }
tec
execute0_lowered:
.L_overlay_start_1:
0x0: {  	(tag) =	ssettag $0x1  }
0x1: {  	s12 =	rddreg [dreg:$0x0]  }
0x2: {  	s0 =	rddreg [dreg:$0x1]  }
0x3: {  	s2 =	rddreg [dreg:$0x2];
	s3 =	simm.s32 $0x0  }
0x4: {  	s1 =	srdreg.scid;
	s7 =	stileid.u32;
	s17 =	simm.s32 $0x100  }
0x5: {  	s18 =	simm.s32 $0x40000;
	s19 =	simm.s32 $0xC800;
	s20 =	simm.s32 $0x40  }
0x6: {  	v8 =	vlaneseq.u32;
	s28 =	simm.s32 $0x4;
	s29 =	simm.s32 $0x1B580;
	s31 =	simm.s32 $0x5  }
0x7: {  	[smem:$0x7FF] =	sst s3;
	s5 =	sadd.s32 $0x400, s0;
	s1 =	sand.u32 $0x1, s1;
	v0 =	vor.u32 $0x80, v8  }
0x8: {  	s6 =	sshll.u32 s7, $0x9;
	s7 =	sshll.u32 s7, $0xE;
	v1 =	vor.u32 $0x10, v8;
	_ =	strace $0x80000047;
	[tilespmem:$0x1FF10] =	vst v0  }
0x9: {  	s0 =	sadd.s32 $0x1D00, s0;
	v2 =	vor.u32 $0x90, v8;
	s4 =	ssub.s32 $0x2, s1;
	s8 =	sand.u32 $0x200, s6;
	[tilespmem:$0x1FF20] =	vst v1  }
0xa: {  	v3 =	vor.u32 $0x20, v8;
	s7 =	sand.u32 $0x38000, s7;
	s21 =	sshll.u32 s1, $0xE;
	[dreg:$0x7] =	wrdreg s0;
	[tilespmem:$0x1FF30] =	vst v2  }
0xb: {  	v4 =	vor.u32 $0xA0, v8;
	[tilespmem:$0x1FF40] =	vst v3;
	s9 =	sshrl.u32 s4, $0x1;
	s10 =	sor.u32 $0x100, s8;
	s6 =	sor.u32 s21, s7  }
0xc: {  	v5 =	vor.u32 $0x30, v8;
	[tilespmem:$0x1FF50] =	vst v4;
	s21 =	simm.s32 $0x800;
	s4 =	ssub.s32 s4, s9;
	s22 =	sor.u32 s8, s6  }
0xd: {  	v6 =	vor.u32 $0xB0, v8;
	[tilespmem:$0x1FF60] =	vst v5;
	s11 =	sor.u32 s10, s6;
	s6 =	sshll.u32 s1, $0x4;
	s8 =	sor.u32 s8, s7  }
0xe: {  	v7 =	vor.u32 $0x40, v8;
	[tilespmem:$0x1FF70] =	vst v6;
	s1 =	sshll.u32 s1, $0x7;
	s25 =	sor.u32 s10, s7;
	[dreg:$0x8] =	wrdreg s8  }
0xf: {  	v9 =	vor.u32 $0xC0, v8;
	[tilespmem:$0x1FF80] =	vst v7;
	s9 =	sshrl.u32 s22, $0x3;
	s24 =	sadd.s32 s5, s1;
	[dreg:$0xa] =	wrdreg s25  }
0x10: {  	v10 =	vor.u32 $0x50, v8;
	[tilespmem:$0x1FF90] =	vst v9;
	s11 =	sshrl.u32 s11, $0x3;
	s0 =	sadd.s32 s1, s0;
	[dreg:$0x6] =	wrdreg s24  }
0x11: {  	v11 =	vor.u32 $0xD0, v8;
	[tilespmem:$0x1FFA0] =	vst v10;
	s26 =	sor.u32 $0x640000, s8;
	s30 =	smax.u32 s4, $0x1;
	[dreg:$0x9] =	wrdreg s0  }
.Ltmp0:
0x12: {  	v12 =	vor.u32 $0x60, v8;
	[tilespmem:$0x1FFB0] =	vst v11;
	s22 =	simm.s32 $0x19000;
	[dreg:$0xb] =	wrdreg s26;
	(pc) =	sbr.rel .LBB2_1-.Ltmp0, $4  }
0x13: {  	v13 =	vor.u32 $0xE0, v8;
	[tilespmem:$0x1FFC0] =	vst v12;
	s4 =	simm.s32 $0x0;
	s9 =	sadd.s32 s12, s9;
	[dreg:$0xd] =	wrdreg s30  }
0x14: {  	v14 =	vor.u32 $0x70, v8;
	[tilespmem:$0x1FFD0] =	vst v13;
	s23 =	sadd.s32 s12, s11;
	s0 =	sor.u32 $0x640000, s25;
	[dreg:$0x4] =	wrdreg s9  }
0x15: {  	v15 =	vor.u32 $0xF0, v8;
	[tilespmem:$0x1FFE0] =	vst v14;
	s25 =	simm.s32 $0x3;
	s26 =	simm.s32 $0x19C80;
	[dreg:$0x5] =	wrdreg s23  }
0x16: {  	[tilespmem:$0x1FFF0] =	vst v15;
	[dreg:$0xc] =	wrdreg s0;
	s23 =	simm.s32 $0x19640;
	s0 =	simm.s32 $0x6  }
.LBB2_21:
0x17: {  	_ =	swait.ge [sflag:s31], $0x1900  }
0x18: {  	[sflag:s31] =	ssyncset.done $0x0  }
0x19: {  	[sflag:s31] =	ssyncadd.s32 $0xFFFFE700  }
0x1a: {  	_ =	swait.ge [sflag:s0], $0x1900  }
0x1b: {  	s4 =	rddreg [dreg:$0xe];
	v0 =	vld [tilespmem:$0x1FF10]  }
0x1c: {  	s1 =	rddreg [dreg:$0xd];
	v1 =	vld [tilespmem:$0x1FF20];
	s4 =	sadd.s32 $0x1, s4  }
0x1d: {  	v2 =	vld [tilespmem:$0x1FF30];
	p0 =	sne.s32 s4, s1  }
.Ltmp1:
0x1e: {  	v3 =	vld [tilespmem:$0x1FF40];
	(pc) =	sbr.rel @!p0 .LBB2_22-.Ltmp1, $4  }
0x1f: {  	v4 =	vld [tilespmem:$0x1FF50]  }
0x20: {  	v5 =	vld [tilespmem:$0x1FF60]  }
0x21: {  	[sflag:s0] =	ssyncset.done $0x0;
	v6 =	vld [tilespmem:$0x1FF70]  }
0x22: {  	v7 =	vld [tilespmem:$0x1FF80];
	[sflag:s0] =	ssyncadd.s32 $0xFFFFE700  }
.LBB2_1:
0x23: {  	[dreg:$0xe] =	wrdreg s4  }
0x24: {  	s1 =	rddreg [dreg:$0x4]  }
0x25: {  	[tilespmem:s3], [sflag:$0x1] =	stream.strided.gather [hbm4b:s1+s17], $0xC800, s18, s17, $0x38;
	[tilespmem:$0x1CE80] =	vst v63  }
0x26: {  	s16 =	rddreg [dreg:$0x5]  }
0x27: {  	[tilespmem:s19], [sflag:$0x2] =	stream.strided.gather [hbm4b:s16+s17], $0xC800, s18, s17, $0x38;
	[tilespmem:$0x1CE80] =	vst v63  }
0x28: {  	s24 =	rddreg [dreg:$0x6]  }
0x29: {  	[tilespmem:s22], [sflag:$0x3] =	stream.strided.gather [hbm4b:s24+s20], $0x640, s21, s20, $0x38;
	[tilespmem:$0x1CE80] =	vst v63  }
0x2a: {  	s30 =	rddreg [dreg:$0x9];
	s4 =	simm.s32 $0x0  }
0x2b: {  	[tilespmem:s23], [sflag:$0x4] =	stream.strided.gather [hbm4b:s30+s20], $0x640, s21, s20, $0x38;
	[tilespmem:$0x1CE80] =	vst v63  }
.LBB2_2:
0x2c: {  	s7 =	simm.s32 $0x1  }
0x2d: {  	s9 =	sor.u32 s6, s4;
	_ =	swait.ge [sflag:s7], $0xC800  }
0x2e: {  	s1 =	sshll.u32 s9, $0x7;
	s16 =	rddreg [dreg:$0x8]  }
0x2f: {  	s12 =	sshll.u32 s9, $0xA;
	[sflag:s7] =	ssyncset.done $0x0;
	s24 =	rddreg [dreg:$0xb]  }
0x30: {  	s8 =	sadd.s32 $0x4B000, s1;
	s30 =	rddreg [dreg:$0x7];
	[sflag:s7] =	ssyncadd.s32 $0xFFFF3800  }
0x31: {  	s7 =	sadd.s32 $0x32000, s1;
	s1 =	sor.u32 s12, s16;
	s16 =	sshll.u32 s9, $0x3  }
0x32: {  	s15 =	simm.s32 $0x0;
	s14 =	sadd.s32 s24, s12;
	s9 =	sadd.s32 s16, s30  }
.LBB2_3:
0x33: {  	_ =	swait.ge [sflag:s25], $0x640;
	s10 =	sor.u32 s4, s15  }
0x34: {  	[sflag:s25] =	ssyncset.done $0x0;
	p0 =	seq.s32 s10, $0x0  }
0x35: {  	[sflag:s25] =	ssyncadd.s32 $0xFFFFF9C0;
	s10 =	simm.s32 @!p0 $0x5  }
0x36: {  	_ =	swait.ge @!p0 [sflag:s10], $0x1900  }
0x37: {  	v9 =	vld [tilespmem:$0x1FFF0]  }
0x38: {  	v10 =	vld [tilespmem:$0x1FF90]  }
0x39: {  	v11 =	vld [tilespmem:$0x1FFA0]  }
0x3a: {  	v12 =	vld [tilespmem:$0x1FFB0]  }
0x3b: {  	v13 =	vld [tilespmem:$0x1FFC0]  }
0x3c: {  	[sflag:s10] =	ssyncset.done @!p0 $0x0;
	v14 =	vld [tilespmem:$0x1FFD0]  }
0x3d: {  	s30 =	simm.s32 $0x190A0;
	v15 =	vld [tilespmem:$0x1FFE0];
	[sflag:s10] =	ssyncadd.s32 @!p0 $0xFFFFE700  }
0x3e: {  	v16 =	vld [tilespmem:s30+$0x60]  }
0x3f: {  	v17 =	vld [tilespmem:s30+$0xFFFFFF70]  }
0x40: {  	v26 =	vld [tilespmem:s30+$0xFFFFFF80]  }
0x41: {  	v27 =	vld [tilespmem:s30+$0xFFFFFF90]  }
0x42: {  	v18 =	vld [tilespmem:s30+$0x70]  }
0x43: {  	v28 =	vld [tilespmem:s30+$0xFFFFFFA0]  }
0x44: {  	v25 =	vld [tilespmem:s30+$0x90];
	v19 =	vshll.u32 v16, $0x8  }
0x45: {  	v29 =	vld [tilespmem:s30+$0xFFFFFFB0];
	v19 =	vand.u32 $0xFFFF00, v19  }
0x46: {  	v24 =	vld [tilespmem:s30+$0xFFFFFFC0];
	v16 =	vshrl.u32 v16, $0x8;
	v20 =	vor.u32 v8, v19  }
0x47: {  	v22 =	vld [tilespmem:s30+$0x80];
	v16 =	vand.u32 $0xFFFF00, v16;
	v19 =	vor.u32 v0, v19  }
0x48: {  	v23 =	vld [tilespmem:s30+$0xFFFFFFD0];
	v21 =	vshll.u32 v18, $0x8;
	v30 =	vor.u32 v1, v16  }
0x49: {  	v52 =	vld [tilespmem:s30+$0xFFFFFF60];
	v35 =	vshrl.u32 v25, $0x8;
	v31 =	vand.u32 $0xFFFF00, v21;
	v16 =	vor.u32 v2, v16  }
0x4a: {  	v53 =	vshll.u32 v27, $0x8;
	v21 =	vld [tilespmem:s30+$0xFFFFFFE0];
	v35 =	vand.u32 $0xFFFF00, v35;
	v32 =	vor.u32 v3, v31  }
0x4b: {  	v53 =	vand.u32 $0xFFFF00, v53;
	v37 =	vor.u32 v9, v35;
	v33 =	vld.idx.msk [tilespmem:v20+s3+$0x0], $0xffff  }
0x4c: {  	v27 =	vshrl.u32 v27, $0x8;
	v55 =	vor.u32 v13, v53;
	v20 =	vor.u32 v4, v31;
	v31 =	vld.idx.msk [tilespmem:v19+s3+$0x0], $0xffff  }
0x4d: {  	v27 =	vand.u32 $0xFFFF00, v27;
	v53 =	vor.u32 v14, v53;
	v30 =	vld.idx.msk [tilespmem:v30+s3+$0x0], $0xffff  }
0x4e: {  	v58 =	vshll.u32 v52, $0x8;
	v57 =	vor.u32 v15, v27;
	v36 =	vld.idx.msk [tilespmem:v16+s3+$0x0], $0xffff  }
0x4f: {  	v58 =	vand.u32 $0xFFFF00, v58;
	v27 =	vor.u32 v9, v27;
	v32 =	vld.idx.msk [tilespmem:v32+s3+$0x0], $0xffff  }
0x50: {  	v18 =	vshrl.u32 v18, $0x8;
	v63 =	vor.u32 v8, v58;
	v37 =	vld.idx.msk [tilespmem:v37+s3+$0x0], $0xffff  }
0x51: {  	v18 =	vand.u32 $0xFFFF00, v18;
	v55 =	vld.idx.msk [tilespmem:v55+s3+$0x0], $0xffff  }
0x52: {  	v34 =	vshll.u32 v22, $0x8;
	v19 =	vor.u32 v5, v18;
	v53 =	vld.idx.msk [tilespmem:v53+s3+$0x0], $0xffff  }
0x53: {  	v34 =	vand.u32 $0xFFFF00, v34;
	v18 =	vor.u32 v6, v18;
	v57 =	vld.idx.msk [tilespmem:v57+s3+$0x0], $0xffff  }
0x54: {  	v16 =	vor.u32 v7, v34;
	v27 =	vld.idx.msk [tilespmem:v27+s3+$0x0], $0xffff  }
0x55: {  	v22 =	vshrl.u32 v22, $0x8;
	v62 =	vshrl.u32 v52, $0x8;
	v52 =	vld.idx.msk [tilespmem:v63+s3+$0x0], $0xffff  }
0x56: {  	v22 =	vand.u32 $0xFFFF00, v22;
	v38 =	vld.idx.msk [tilespmem:v20+s3+$0x0], $0xffff;
	v20 =	vor.u32 v10, v34  }
0x57: {  	v34 =	vld.idx.msk [tilespmem:v19+s3+$0x0], $0xffff;
	v19 =	vor.u32 v11, v22  }
0x58: {  	v39 =	vld.idx.msk [tilespmem:v18+s3+$0x0], $0xffff;
	v18 =	vor.u32 v12, v22  }
0x59: {  	v25 =	vshll.u32 v25, $0x8;
	v40 =	vld.idx.msk [tilespmem:v16+s3+$0x0], $0xffff  }
0x5a: {  	v22 =	vand.u32 $0xFFFF00, v25;
	v25 =	vld [tilespmem:s30+$0xFFFFFFF0]  }
0x5b: {  	v16 =	vor.u32 v13, v22;
	v41 =	vld.idx.msk [tilespmem:v20+s3+$0x0], $0xffff  }
0x5c: {  	v22 =	vor.u32 v14, v22;
	v20 =	vor.u32 v15, v35;
	v35 =	vld.idx.msk [tilespmem:v19+s3+$0x0], $0xffff  }
0x5d: {  	v42 =	vld.idx.msk [tilespmem:v18+s3+$0x0], $0xffff  }
0x5e: {  	v19 =	vld [tilespmem:s30+$0x20]  }
0x5f: {  	v56 =	vshll.u32 v28, $0x8;
	v18 =	vld [tilespmem:s30+$0x30]  }
0x60: {  	v56 =	vand.u32 $0xFFFF00, v56;
	v43 =	vld.idx.msk [tilespmem:v16+s3+$0x0], $0xffff  }
0x61: {  	v61 =	vor.u32 v8, v56;
	v44 =	vld.idx.msk [tilespmem:v22+s3+$0x0], $0xffff;
	v16 =	vshll.u32 v17, $0x8;
	v17 =	vshrl.u32 v17, $0x8  }
0x62: {  	v60 =	vor.u32 v0, v56;
	v22 =	vld [tilespmem:s30+$0x0];
	v16 =	vand.u32 $0xFFFF00, v16;
	v47 =	vand.u32 $0xFFFF00, v17  }
0x63: {  	v17 =	vld [tilespmem:s30+$0x40];
	v46 =	vor.u32 v3, v16;
	v48 =	vor.u32 v4, v16;
	v16 =	vshll.u32 v26, $0x8  }
0x64: {  	v50 =	vand.u32 $0xFFFF00, v16;
	v16 =	vld [tilespmem:s30+$0x50]  }
0x65: {  	v45 =	vld.idx.msk [tilespmem:v20+s3+$0x0], $0xffff  }
0x66: {  	s24 =	simm.s32 $0x19F00;
	v49 =	vor.u32 v5, v47;
	v20 =	vld [tilespmem:s30+$0x10]  }
0x67: {  	v47 =	vor.u32 v6, v47;
	[tilespmem:s24+$0x1A0] =	vst v32;
	v32 =	vld.idx.msk [tilespmem:v61+s3+$0x0], $0xffff  }
0x68: {  	v26 =	vshrl.u32 v26, $0x8;
	v51 =	vor.u32 v7, v50;
	[tilespmem:s24+$0x210] =	vst v36;
	v36 =	vld.idx.msk [tilespmem:v60+s3+$0x0], $0xffff  }
0x69: {  	v26 =	vand.u32 $0xFFFF00, v26;
	v50 =	vor.u32 v10, v50;
	[tilespmem:s24+$0x270] =	vst v37;
	v46 =	vld.idx.msk [tilespmem:v46+s3+$0x0], $0xffff  }
0x6a: {  	v54 =	vor.u32 v11, v26;
	[tilespmem:s24+$0x180] =	vst v33;
	v48 =	vld.idx.msk [tilespmem:v48+s3+$0x0], $0xffff  }
0x6b: {  	v28 =	vshrl.u32 v28, $0x8;
	v26 =	vor.u32 v12, v26;
	[tilespmem:s24+$0x200] =	vst v31;
	v49 =	vld.idx.msk [tilespmem:v49+s3+$0x0], $0xffff  }
0x6c: {  	v28 =	vand.u32 $0xFFFF00, v28;
	v33 =	vor.u32 v0, v58;
	[tilespmem:s24+$0x190] =	vst v30;
	v47 =	vld.idx.msk [tilespmem:v47+s3+$0x0], $0xffff  }
0x6d: {  	v56 =	vshll.u32 v24, $0x8;
	v31 =	vand.u32 $0xFFFF00, v62;
	[tilespmem:s24+$0x220] =	vst v38;
	v62 =	vor.u32 v1, v28;
	v51 =	vld.idx.msk [tilespmem:v51+s3+$0x0], $0xffff  }
0x6e: {  	v59 =	vand.u32 $0xFFFF00, v56;
	[tilespmem:s24+$0x1B0] =	vst v34;
	v28 =	vor.u32 v2, v28;
	v50 =	vld.idx.msk [tilespmem:v50+s3+$0x0], $0xffff  }
0x6f: {  	[tilespmem:s24+$0x1D0] =	vst v35;
	v35 =	vor.u32 v10, v59;
	v54 =	vld.idx.msk [tilespmem:v54+s3+$0x0], $0xffff  }
0x70: {  	v24 =	vshrl.u32 v24, $0x8;
	[tilespmem:s24+$0x230] =	vst v39;
	v30 =	vor.u32 v1, v31;
	v26 =	vld.idx.msk [tilespmem:v26+s3+$0x0], $0xffff  }
0x71: {  	v24 =	vand.u32 $0xFFFF00, v24;
	v61 =	vshll.u32 v29, $0x8;
	[tilespmem:s24+$0x1C0] =	vst v40;
	v31 =	vor.u32 v2, v31;
	v33 =	vld.idx.msk [tilespmem:v33+s3+$0x0], $0xffff  }
0x72: {  	[tilespmem:s24+$0x240] =	vst v41;
	v63 =	vand.u32 $0xFFFF00, v61;
	v61 =	vor.u32 v11, v24;
	v24 =	vor.u32 v12, v24;
	v38 =	vld.idx.msk [tilespmem:v62+s3+$0x0], $0xffff  }
0x73: {  	v29 =	vshrl.u32 v29, $0x8;
	[tilespmem:s24+$0x250] =	vst v42;
	v37 =	vor.u32 v3, v63;
	v28 =	vld.idx.msk [tilespmem:v28+s3+$0x0], $0xffff  }
0x74: {  	v29 =	vand.u32 $0xFFFF00, v29;
	[tilespmem:s24+$0x260] =	vst v44;
	v34 =	vor.u32 v4, v63;
	v44 =	vld.idx.msk [tilespmem:v35+s3+$0x0], $0xffff  }
0x75: {  	v56 =	vshll.u32 v25, $0x8;
	[tilespmem:s24+$0x1E0] =	vst v43;
	v58 =	vor.u32 v5, v29;
	v30 =	vld.idx.msk [tilespmem:v30+s3+$0x0], $0xffff  }
0x76: {  	v39 =	vor.u32 v7, v59;
	v43 =	vand.u32 $0xFFFF00, v56;
	v29 =	vor.u32 v6, v29;
	[tilespmem:s24+$0x1F0] =	vst v45;
	v31 =	vld.idx.msk [tilespmem:v31+s3+$0x0], $0xffff  }
0x77: {  	v59 =	vor.u32 v3, v43;
	v43 =	vor.u32 v4, v43;
	[tilespmem:s24+$0xFFFFFD80] =	vst v52;
	v42 =	vld.idx.msk [tilespmem:v24+s3+$0x0], $0xffff  }
0x78: {  	[tilespmem:s24+$0xFFFFFDE0] =	vst v55;
	v37 =	vld.idx.msk [tilespmem:v37+s3+$0x0], $0xffff  }
0x79: {  	v60 =	vshll.u32 v23, $0x8;
	[tilespmem:s24+$0xFFFFFE60] =	vst v53;
	v34 =	vld.idx.msk [tilespmem:v34+s3+$0x0], $0xffff  }
0x7a: {  	v41 =	vand.u32 $0xFFFF00, v60;
	v63 =	vshll.u32 v21, $0x8;
	[tilespmem:s24+$0xFFFFFDF0] =	vst v57;
	v40 =	vld.idx.msk [tilespmem:v58+s3+$0x0], $0xffff  }
0x7b: {  	v21 =	vshrl.u32 v21, $0x8;
	v62 =	vor.u32 v13, v41;
	v41 =	vor.u32 v14, v41;
	[tilespmem:s24+$0xFFFFFE70] =	vst v27;
	v29 =	vld.idx.msk [tilespmem:v29+s3+$0x0], $0xffff  }
0x7c: {  	v21 =	vand.u32 $0xFFFF00, v21;
	v43 =	vld.idx.msk [tilespmem:v43+s3+$0x0], $0xffff;
	[tilespmem:s24+$0xFFFFFDA0] =	vst v46  }
0x7d: {  	v25 =	vshrl.u32 v25, $0x8;
	v58 =	vor.u32 v1, v21;
	[tilespmem:s24+$0xFFFFFE20] =	vst v48;
	v46 =	vld.idx.msk [tilespmem:v59+s3+$0x0], $0xffff  }
0x7e: {  	v25 =	vand.u32 $0xFFFF00, v25;
	v23 =	vshrl.u32 v23, $0x8;
	v21 =	vor.u32 v2, v21;
	[tilespmem:s24+$0xFFFFFE00] =	vst v33;
	v33 =	vld.idx.msk [tilespmem:v39+s3+$0x0], $0xffff  }
0x7f: {  	v23 =	vand.u32 $0xFFFF00, v23;
	v39 =	vld.idx.msk [tilespmem:v61+s3+$0x0], $0xffff;
	v61 =	vor.u32 v5, v25;
	[tilespmem:s24+$0xFFFFFD90] =	vst v30  }
0x80: {  	v41 =	vld.idx.msk [tilespmem:v41+s3+$0x0], $0xffff;
	v25 =	vor.u32 v6, v25;
	v30 =	vor.u32 v15, v23;
	[tilespmem:s24+$0xFFFFFE10] =	vst v31;
	v31 =	vand.u32 $0xFFFF00, v63  }
0x81: {  	v23 =	vor.u32 v9, v23;
	v52 =	vor.u32 v8, v31;
	v24 =	vor.u32 v0, v31;
	v31 =	vld.idx.msk [tilespmem:v62+s3+$0x0], $0xffff  }
0x82: {  	[tilespmem:s24+$0xFFFFFE50] =	vst v26;
	v26 =	vld.idx.msk [tilespmem:v58+s3+$0x0], $0xffff  }
0x83: {  	v56 =	vshll.u32 v18, $0x8;
	v18 =	vshrl.u32 v18, $0x8;
	[tilespmem:s24+$0xFFFFFDB0] =	vst v49;
	v45 =	vld.idx.msk [tilespmem:v21+s3+$0x0], $0xffff  }
0x84: {  	v60 =	vshll.u32 v22, $0x8;
	v22 =	vshrl.u32 v22, $0x8;
	v18 =	vand.u32 $0xFFFF00, v18;
	[tilespmem:s24+$0xFFFFFE30] =	vst v47;
	v48 =	vld.idx.msk [tilespmem:v61+s3+$0x0], $0xffff  }
0x85: {  	[tilespmem:s24+$0xFFFFFDC0] =	vst v51;
	v21 =	vand.u32 $0xFFFF00, v22;
	v58 =	vor.u32 v5, v18;
	v18 =	vor.u32 v6, v18;
	v51 =	vld.idx.msk [tilespmem:v25+s3+$0x0], $0xffff  }
0x86: {  	[tilespmem:s24+$0xFFFFFE40] =	vst v50;
	v62 =	vor.u32 v11, v21;
	v23 =	vld.idx.msk [tilespmem:v23+s3+$0x0], $0xffff  }
0x87: {  	[tilespmem:s24+$0xFFFFFDD0] =	vst v54;
	v49 =	vld.idx.msk [tilespmem:v24+s3+$0x0], $0xffff;
	v24 =	vand.u32 $0xFFFF00, v60  }
0x88: {  	v27 =	vor.u32 v12, v21;
	v30 =	vld.idx.msk [tilespmem:v30+s3+$0x0], $0xffff;
	[tilespmem:s24+$0xFFFFFE80] =	vst v32;
	v35 =	vor.u32 v7, v24  }
0x89: {  	[tilespmem:s24+$0xFFFFFF10] =	vst v28;
	v47 =	vld.idx.msk [tilespmem:v52+s3+$0x0], $0xffff;
	v22 =	vor.u32 v10, v24;
	v24 =	vshll.u32 v20, $0x8;
	v20 =	vshrl.u32 v20, $0x8  }
0x8a: {  	[tilespmem:s24+$0xFFFFFEE0] =	vst v31;
	v31 =	vshll.u32 v16, $0x8;
	v32 =	vld.idx.msk [tilespmem:v18+s3+$0x0], $0xffff;
	v24 =	vand.u32 $0xFFFF00, v24;
	v21 =	vand.u32 $0xFFFF00, v20  }
0x8b: {  	v63 =	vor.u32 v13, v24;
	v53 =	vor.u32 v15, v21;
	v28 =	vor.u32 v9, v21;
	v21 =	vld.idx.msk [tilespmem:v62+s3+$0x0], $0xffff  }
0x8c: {  	v25 =	vor.u32 v14, v24;
	[tilespmem:s24+$0xFFFFFF70] =	vst v23;
	v23 =	vand.u32 $0xFFFF00, v31;
	v31 =	vld.idx.msk [tilespmem:v58+s3+$0x0], $0xffff  }
0x8d: {  	[tilespmem:s24+$0xFFFFFF00] =	vst v36;
	v24 =	vshll.u32 v19, $0x8;
	v52 =	vld.idx.msk [tilespmem:v35+s3+$0x0], $0xffff  }
0x8e: {  	[tilespmem:s24+$0xFFFFFE90] =	vst v38;
	v24 =	vand.u32 $0xFFFF00, v24;
	v20 =	vld.idx.msk [tilespmem:v22+s3+$0x0], $0xffff  }
0x8f: {  	[tilespmem:s24+$0xFFFFFEA0] =	vst v37;
	v19 =	vshrl.u32 v19, $0x8;
	v54 =	vor.u32 v8, v24;
	v22 =	vld.idx.msk [tilespmem:v27+s3+$0x0], $0xffff  }
0x90: {  	[tilespmem:s24+$0xFFFFFF20] =	vst v34;
	v19 =	vand.u32 $0xFFFF00, v19;
	v55 =	vor.u32 v0, v24;
	v24 =	vld.idx.msk [tilespmem:v63+s3+$0x0], $0xffff  }
0x91: {  	[tilespmem:s24+$0xFFFFFEB0] =	vst v40;
	v57 =	vor.u32 v1, v19;
	v27 =	vld.idx.msk [tilespmem:v25+s3+$0x0], $0xffff  }
0x92: {  	[tilespmem:s24+$0xFFFFFF30] =	vst v29;
	v16 =	vshrl.u32 v16, $0x8;
	v19 =	vor.u32 v2, v19;
	v35 =	vld.idx.msk [tilespmem:v53+s3+$0x0], $0xffff  }
0x93: {  	[tilespmem:s24+$0xFFFFFEC0] =	vst v33;
	v16 =	vand.u32 $0xFFFF00, v16;
	v18 =	vor.u32 v14, v23;
	v36 =	vld.idx.msk [tilespmem:v28+s3+$0x0], $0xffff  }
0x94: {  	[tilespmem:s24+$0xFFFFFF40] =	vst v44;
	v25 =	vand.u32 $0xFFFF00, v56;
	v63 =	vor.u32 v15, v16;
	v16 =	vor.u32 v9, v16;
	v37 =	vld.idx.msk [tilespmem:v54+s3+$0x0], $0xffff  }
0x95: {  	[tilespmem:s24+$0xFFFFFED0] =	vst v39;
	v28 =	vshll.u32 v17, $0x8;
	v29 =	vor.u32 v3, v25;
	v38 =	vld.idx.msk [tilespmem:v55+s3+$0x0], $0xffff  }
0x96: {  	[tilespmem:s24+$0xFFFFFF50] =	vst v42;
	v25 =	vor.u32 v4, v25;
	v59 =	vand.u32 $0xFFFF00, v28;
	v34 =	vld.idx.msk [tilespmem:v57+s3+$0x0], $0xffff  }
0x97: {  	[tilespmem:s24+$0xFFFFFF60] =	vst v41;
	v17 =	vshrl.u32 v17, $0x8;
	v60 =	vor.u32 v7, v59;
	v28 =	vld.idx.msk [tilespmem:v19+s3+$0x0], $0xffff  }
0x98: {  	[tilespmem:s24+$0xFFFFFEF0] =	vst v30;
	v17 =	vand.u32 $0xFFFF00, v17;
	v19 =	vor.u32 v10, v59;
	v18 =	vld.idx.msk [tilespmem:v18+s3+$0x0], $0xffff  }
0x99: {  	[tilespmem:s24+$0xFFFFFF80] =	vst v47;
	v61 =	vor.u32 v11, v17;
	v16 =	vld.idx.msk [tilespmem:v16+s3+$0x0], $0xffff  }
0x9a: {  	[tilespmem:s24+$0x0] =	vst v49;
	v17 =	vor.u32 v12, v17;
	v29 =	vld.idx.msk [tilespmem:v29+s3+$0x0], $0xffff  }
0x9b: {  	v62 =	vor.u32 v13, v23;
	[tilespmem:s24+$0xFFFFFF90] =	vst v26;
	v30 =	vld.idx.msk [tilespmem:v25+s3+$0x0], $0xffff  }
0x9c: {  	[tilespmem:s24+$0x10] =	vst v45;
	v33 =	vld.idx.msk [tilespmem:v60+s3+$0x0], $0xffff  }
0x9d: {  	[tilespmem:s24+$0xFFFFFFA0] =	vst v46;
	v26 =	vld.idx.msk [tilespmem:v19+s3+$0x0], $0xffff  }
0x9e: {  	[tilespmem:s24+$0x20] =	vst v43;
	v25 =	vld.idx.msk [tilespmem:v61+s3+$0x0], $0xffff  }
0x9f: {  	[tilespmem:s24+$0xFFFFFFB0] =	vst v48;
	v23 =	vld.idx.msk [tilespmem:v17+s3+$0x0], $0xffff  }
0xa0: {  	[tilespmem:s24+$0x30] =	vst v51;
	v19 =	vld.idx.msk [tilespmem:v62+s3+$0x0], $0xffff  }
0xa1: {  	s13 =	simm.s32 $0x0;
	s10 =	simm.s32 $0x191E0;
	[tilespmem:s24+$0xFFFFFFC0] =	vst v52;
	v17 =	vld.idx.msk [tilespmem:v63+s3+$0x0], $0xffff  }
.LBB2_4:
0xa2: {  	v39 =	vld [tilespmem:s10+$0x60]  }
0xa3: {  	v41 =	vld [tilespmem:s10+$0xFFFFFFB0]  }
0xa4: {  	v42 =	vld [tilespmem:s10+$0xFFFFFFC0]  }
0xa5: {  	v62 =	vld [tilespmem:s10+$0x80]  }
0xa6: {  	v13 =	vld [tilespmem:$0x1FF10]  }
0xa7: {  	v44 =	vld [tilespmem:s10+$0x90]  }
0xa8: {  	v12 =	vld [tilespmem:$0x1FF20]  }
0xa9: {  	v63 =	vld [tilespmem:s10+$0xFFFFFFD0]  }
0xaa: {  	v11 =	vld [tilespmem:$0x1FF30]  }
0xab: {  	v10 =	vld [tilespmem:$0x1FF40]  }
0xac: {  	v9 =	vld [tilespmem:$0x1FF50]  }
0xad: {  	v7 =	vld [tilespmem:$0x1FF60]  }
0xae: {  	v5 =	vld [tilespmem:$0x1FF70]  }
0xaf: {  	v4 =	vld [tilespmem:$0x1FF80]  }
0xb0: {  	v6 =	vld [tilespmem:$0x1FFF0]  }
0xb1: {  	v14 =	vld [tilespmem:$0x1FF90]  }
0xb2: {  	v15 =	vld [tilespmem:$0x1FFA0];
	[tilespmem:s24+$0x40] =	vst v20  }
0xb3: {  	v3 =	vld [tilespmem:$0x1FFB0];
	[tilespmem:s24+$0xFFFFFFD0] =	vst v21  }
0xb4: {  	[tilespmem:s24+$0xFFFFFFE0] =	vst v24;
	v24 =	vld [tilespmem:s10+$0x70]  }
0xb5: {  	v20 =	vld [tilespmem:s10+$0xFFFFFF70];
	[tilespmem:s24+$0x50] =	vst v22;
	v40 =	vshll.u32 v39, $0x8  }
0xb6: {  	v21 =	vld [tilespmem:s10+$0xFFFFFF80];
	[tilespmem:s24+$0x60] =	vst v27;
	v40 =	vand.u32 $0xFFFF00, v40  }
0xb7: {  	v22 =	vld [tilespmem:s10+$0xFFFFFF90];
	[tilespmem:s24+$0xFFFFFFF0] =	vst v35;
	v39 =	vshrl.u32 v39, $0x8;
	v49 =	vshll.u32 v62, $0x8;
	v43 =	vor.u32 v8, v40  }
0xb8: {  	v27 =	vld [tilespmem:s10+$0xFFFFFFA0];
	[tilespmem:s24+$0x70] =	vst v36;
	v39 =	vand.u32 $0xFFFF00, v39;
	v2 =	vand.u32 $0xFFFF00, v49;
	v40 =	vor.u32 v13, v40  }
0xb9: {  	v47 =	vld [tilespmem:s10+$0xFFFFFFE0];
	v45 =	vor.u32 v12, v39;
	v39 =	vor.u32 v11, v39;
	v46 =	vshll.u32 v24, $0x8  }
0xba: {  	v51 =	vld [tilespmem:s10+$0xFFFFFFF0];
	v54 =	vor.u32 v4, v2;
	v24 =	vshrl.u32 v24, $0x8;
	v46 =	vand.u32 $0xFFFF00, v46  }
0xbb: {  	v56 =	vor.u32 v14, v2;
	v2 =	vld [tilespmem:$0x1FFC0];
	v24 =	vand.u32 $0xFFFF00, v24;
	v0 =	vor.u32 v9, v46  }
0xbc: {  	[tilespmem:s24+$0xA0] =	vst v29;
	v1 =	vor.u32 v7, v24;
	v29 =	vld.idx.msk [tilespmem:v43+s3+$0x0], $0xffff  }
0xbd: {  	v40 =	vld.idx.msk [tilespmem:v40+s3+$0x0], $0xffff  }
0xbe: {  	[tilespmem:s24+$0xB0] =	vst v31;
	v52 =	vshrl.u32 v44, $0x8;
	v31 =	vld.idx.msk [tilespmem:v45+s3+$0x0], $0xffff  }
0xbf: {  	[tilespmem:s24+$0x80] =	vst v37;
	v55 =	vshll.u32 v42, $0x8;
	v49 =	vand.u32 $0xFFFF00, v52;
	v39 =	vld.idx.msk [tilespmem:v39+s3+$0x0], $0xffff  }
0xc0: {  	[tilespmem:s24+$0x140] =	vst v26;
	v37 =	vshrl.u32 v62, $0x8;
	v26 =	vshrl.u32 v42, $0x8;
	v50 =	vor.u32 v6, v49;
	v42 =	vld.idx.msk [tilespmem:v0+s3+$0x0], $0xffff  }
0xc1: {  	v37 =	vand.u32 $0xFFFF00, v37;
	v45 =	vld.idx.msk [tilespmem:v1+s3+$0x0], $0xffff  }
0xc2: {  	[tilespmem:s24+$0x100] =	vst v38;
	v57 =	vor.u32 v15, v37;
	v1 =	vld [tilespmem:$0x1FFD0]  }
0xc3: {  	[tilespmem:s24+$0x120] =	vst v30;
	v30 =	vshll.u32 v41, $0x8;
	v58 =	vor.u32 v3, v37;
	v0 =	vld [tilespmem:$0x1FFE0]  }
0xc4: {  	[tilespmem:s24+$0x90] =	vst v34;
	v53 =	vshrl.u32 v41, $0x8;
	v44 =	vshll.u32 v44, $0x8;
	v48 =	vor.u32 v10, v46;
	v41 =	vld.idx.msk [tilespmem:v54+s3+$0x0], $0xffff  }
0xc5: {  	[tilespmem:s24+$0x110] =	vst v28;
	v59 =	vand.u32 $0xFFFF00, v44;
	v36 =	vshll.u32 v21, $0x8;
	v24 =	vor.u32 v5, v24;
	v50 =	vld.idx.msk [tilespmem:v50+s3+$0x0], $0xffff  }
0xc6: {  	[tilespmem:s24+$0xF0] =	vst v17;
	v38 =	vshll.u32 v22, $0x8;
	v17 =	vand.u32 $0xFFFF00, v36;
	v61 =	vor.u32 v2, v59;
	v36 =	vld.idx.msk [tilespmem:v56+s3+$0x0], $0xffff  }
0xc7: {  	[tilespmem:s24+$0x170] =	vst v16;
	v16 =	vand.u32 $0xFFFF00, v38;
	v38 =	vld.idx.msk [tilespmem:v57+s3+$0x0], $0xffff;
	v37 =	vor.u32 v1, v59  }
0xc8: {  	[tilespmem:s24+$0x130] =	vst v32;
	v34 =	vld.idx.msk [tilespmem:v58+s3+$0x0], $0xffff;
	v62 =	vor.u32 v0, v49  }
0xc9: {  	[tilespmem:s24+$0xD0] =	vst v25;
	v25 =	vshll.u32 v63, $0x8;
	v48 =	vld.idx.msk [tilespmem:v48+s3+$0x0], $0xffff  }
0xca: {  	[tilespmem:s24+$0x150] =	vst v23;
	v23 =	vshrl.u32 v63, $0x8;
	v30 =	vand.u32 $0xFFFF00, v30;
	v28 =	vshll.u32 v27, $0x8;
	v24 =	vld.idx.msk [tilespmem:v24+s3+$0x0], $0xffff  }
0xcb: {  	[tilespmem:s24+$0xC0] =	vst v33;
	v32 =	vand.u32 $0xFFFF00, v53;
	v35 =	vshll.u32 v20, $0x8;
	v28 =	vand.u32 $0xFFFF00, v28;
	v46 =	vld.idx.msk [tilespmem:v61+s3+$0x0], $0xffff  }
0xcc: {  	[tilespmem:s24+$0xE0] =	vst v19;
	v20 =	vshrl.u32 v20, $0x8;
	v21 =	vshrl.u32 v21, $0x8;
	v56 =	vor.u32 v8, v28;
	v37 =	vld.idx.msk [tilespmem:v37+s3+$0x0], $0xffff  }
0xcd: {  	[tilespmem:s24+$0x160] =	vst v18;
	s24 =	sadd.s32 $0x500, s24;
	v35 =	vand.u32 $0xFFFF00, v35;
	v21 =	vand.u32 $0xFFFF00, v21;
	v28 =	vor.u32 v13, v28;
	v43 =	vld.idx.msk [tilespmem:v62+s3+$0x0], $0xffff  }
0xce: {  	v44 =	vor.u32 v10, v35;
	v54 =	vor.u32 v1, v16;
	[tilespmem:s24+$0x200] =	vst v40;
	v40 =	vor.u32 v2, v16;
	v16 =	vld [tilespmem:s10+$0x10]  }
0xcf: {  	v22 =	vshrl.u32 v22, $0x8;
	v52 =	vor.u32 v15, v21;
	v53 =	vor.u32 v3, v21;
	v21 =	vld [tilespmem:s10+$0x20]  }
0xd0: {  	v19 =	vshll.u32 v47, $0x8;
	v60 =	vshrl.u32 v47, $0x8;
	v20 =	vand.u32 $0xFFFF00, v20;
	v57 =	vld [tilespmem:s10+$0x30]  }
0xd1: {  	v47 =	vor.u32 v7, v20;
	v56 =	vld.idx.msk [tilespmem:v56+s3+$0x0], $0xffff;
	v49 =	vor.u32 v5, v20;
	v20 =	vor.u32 v9, v30  }
0xd2: {  	v33 =	vand.u32 $0xFFFF00, v55;
	v22 =	vand.u32 $0xFFFF00, v22;
	v19 =	vand.u32 $0xFFFF00, v19;
	v28 =	vld.idx.msk [tilespmem:v28+s3+$0x0], $0xffff;
	[tilespmem:$0x1FE90] =	vst v20  }
0xd3: {  	v18 =	vand.u32 $0xFFFF00, v60;
	[tilespmem:s24+$0x270] =	vst v50;
	v60 =	vshll.u32 v16, $0x8;
	v61 =	vshrl.u32 v16, $0x8;
	v16 =	vld.idx.msk [tilespmem:v44+s3+$0x0], $0xffff  }
0xd4: {  	v63 =	vshrl.u32 v51, $0x8;
	v55 =	vor.u32 v0, v22;
	v59 =	vld [tilespmem:s10+$0x50];
	v20 =	vor.u32 v8, v19;
	[tilespmem:s24+$0x180] =	vst v29  }
0xd5: {  	v19 =	vor.u32 v13, v19;
	v50 =	vor.u32 v4, v17;
	v29 =	vor.u32 v14, v17;
	v17 =	vld [tilespmem:s10+$0x0];
	[tilespmem:s24+$0x190] =	vst v31  }
0xd6: {  	v31 =	vor.u32 v6, v22;
	[tilespmem:s24+$0x210] =	vst v39;
	v22 =	vor.u32 v10, v30;
	v30 =	vshll.u32 v51, $0x8;
	v51 =	vld [tilespmem:s10+$0x40]  }
0xd7: {  	v35 =	vor.u32 v9, v35;
	[tilespmem:s24+$0x1B0] =	vst v45;
	v45 =	vld [tilespmem:s10+$0xFFFFFF60]  }
0xd8: {  	[tilespmem:$0x1FEA0] =	vst v16;
	v16 =	vld.idx.msk [tilespmem:v47+s3+$0x0], $0xffff  }
0xd9: {  	v27 =	vshrl.u32 v27, $0x8;
	[tilespmem:s24+$0x1A0] =	vst v48;
	v54 =	vld.idx.msk [tilespmem:v54+s3+$0x0], $0xffff  }
0xda: {  	v27 =	vand.u32 $0xFFFF00, v27;
	[tilespmem:s24+$0x220] =	vst v42;
	v55 =	vld.idx.msk [tilespmem:v55+s3+$0x0], $0xffff  }
0xdb: {  	v39 =	vor.u32 v12, v27;
	[tilespmem:s24+$0x230] =	vst v24;
	v19 =	vld.idx.msk [tilespmem:v19+s3+$0x0], $0xffff  }
0xdc: {  	v27 =	vor.u32 v11, v27;
	[tilespmem:s24+$0x1C0] =	vst v41;
	v42 =	vshll.u32 v17, $0x8;
	v58 =	vshrl.u32 v17, $0x8;
	v17 =	vld.idx.msk [tilespmem:v35+s3+$0x0], $0xffff  }
0xdd: {  	[tilespmem:$0x1FEB0] =	vst v16;
	v16 =	vld.idx.msk [tilespmem:v49+s3+$0x0], $0xffff  }
0xde: {  	v23 =	vand.u32 $0xFFFF00, v23;
	v48 =	vand.u32 $0xFFFF00, v63;
	[tilespmem:s24+$0x250] =	vst v34;
	v40 =	vld.idx.msk [tilespmem:v40+s3+$0x0], $0xffff  }
0xdf: {  	v41 =	vshll.u32 v57, $0x8;
	v57 =	vshrl.u32 v57, $0x8;
	v63 =	vshll.u32 v45, $0x8;
	[tilespmem:s24+$0x1F0] =	vst v43;
	v43 =	vld.idx.msk [tilespmem:v31+s3+$0x0], $0xffff  }
0xe0: {  	[tilespmem:s24+$0x1E0] =	vst v46;
	v39 =	vld.idx.msk [tilespmem:v39+s3+$0x0], $0xffff;
	v34 =	vand.u32 $0xFFFF00, v63;
	v63 =	vor.u32 v0, v23;
	v23 =	vor.u32 v6, v23  }
0xe1: {  	v46 =	vand.u32 $0xFFFF00, v57;
	v45 =	vshrl.u32 v45, $0x8;
	[tilespmem:s24+$0x260] =	vst v37;
	v27 =	vld.idx.msk [tilespmem:v27+s3+$0x0], $0xffff;
	v37 =	vor.u32 v8, v34  }
0xe2: {  	v24 =	vand.u32 $0xFFFF00, v42;
	v42 =	vshll.u32 v21, $0x8;
	v45 =	vand.u32 $0xFFFF00, v45;
	[tilespmem:$0x1FEC0] =	vst v16;
	v16 =	vld.idx.msk [tilespmem:v50+s3+$0x0], $0xffff  }
0xe3: {  	v22 =	vld.idx.msk [tilespmem:v22+s3+$0x0], $0xffff;
	v42 =	vand.u32 $0xFFFF00, v42;
	v34 =	vor.u32 v13, v34;
	v8 =	vlaneseq.u32  }
0xe4: {  	[tilespmem:s24+$0x1D0] =	vst v38;
	v38 =	vor.u32 v12, v45;
	v8 =	vor.u32 v8, v42;
	v42 =	vor.u32 v13, v42;
	v13 =	vld [tilespmem:$0x1FE90]  }
0xe5: {  	[tilespmem:s24+$0x240] =	vst v36;
	v36 =	vand.u32 $0xFFFF00, v60;
	v60 =	vshll.u32 v51, $0x8;
	v45 =	vor.u32 v11, v45;
	v23 =	vld.idx.msk [tilespmem:v23+s3+$0x0], $0xffff  }
0xe6: {  	v47 =	vand.u32 $0xFFFF00, v60;
	v60 =	vor.u32 v4, v33;
	v33 =	vor.u32 v14, v33;
	v57 =	vld.idx.msk [tilespmem:v37+s3+$0x0], $0xffff  }
0xe7: {  	[tilespmem:$0x1FED0] =	vst v16;
	v16 =	vld.idx.msk [tilespmem:v29+s3+$0x0], $0xffff  }
0xe8: {  	v26 =	vand.u32 $0xFFFF00, v26;
	v35 =	vand.u32 $0xFFFF00, v58;
	v34 =	vld.idx.msk [tilespmem:v34+s3+$0x0], $0xffff  }
0xe9: {  	v58 =	vld.idx.msk [tilespmem:v38+s3+$0x0], $0xffff;
	v49 =	vand.u32 $0xFFFF00, v61;
	v61 =	vor.u32 v15, v26;
	v26 =	vor.u32 v3, v26  }
0xea: {  	v45 =	vld.idx.msk [tilespmem:v45+s3+$0x0], $0xffff;
	v50 =	vor.u32 v12, v18  }
0xeb: {  	v33 =	vld.idx.msk [tilespmem:v33+s3+$0x0], $0xffff;
	v18 =	vor.u32 v11, v18  }
0xec: {  	[tilespmem:$0x1FEE0] =	vst v16;
	v16 =	vld.idx.msk [tilespmem:v52+s3+$0x0], $0xffff  }
0xed: {  	v13 =	vld.idx.msk [tilespmem:v13+s3+$0x0], $0xffff  }
0xee: {  	v26 =	vld.idx.msk [tilespmem:v26+s3+$0x0], $0xffff  }
0xef: {  	v25 =	vand.u32 $0xFFFF00, v25;
	v62 =	vshll.u32 v59, $0x8;
	v50 =	vld.idx.msk [tilespmem:v50+s3+$0x0], $0xffff  }
0xf0: {  	v18 =	vld.idx.msk [tilespmem:v18+s3+$0x0], $0xffff;
	v52 =	vand.u32 $0xFFFF00, v62;
	v62 =	vor.u32 v2, v25  }
0xf1: {  	[tilespmem:$0x1FEF0] =	vst v16;
	v16 =	vld.idx.msk [tilespmem:v53+s3+$0x0], $0xffff  }
0xf2: {  	v25 =	vor.u32 v1, v25;
	[tilespmem:s24+$0xFFFFFE00] =	vst v34;
	v34 =	vld.idx.msk [tilespmem:v60+s3+$0x0], $0xffff  }
0xf3: {  	[tilespmem:s24+$0xFFFFFE10] =	vst v45;
	v45 =	vld.idx.msk [tilespmem:v61+s3+$0x0], $0xffff  }
0xf4: {  	[tilespmem:s24+$0xFFFFFD80] =	vst v57;
	v57 =	vld [tilespmem:$0x1FEA0]  }
0xf5: {  	v59 =	vshrl.u32 v59, $0x8;
	[tilespmem:s24+$0xFFFFFE20] =	vst v17;
	v17 =	vld.idx.msk [tilespmem:v62+s3+$0x0], $0xffff  }
0xf6: {  	v53 =	vand.u32 $0xFFFF00, v59;
	v59 =	vor.u32 v7, v32;
	[tilespmem:s24+$0xFFFFFD90] =	vst v58;
	v58 =	vld [tilespmem:$0x1FEB0]  }
0xf7: {  	v32 =	vor.u32 v5, v32;
	v25 =	vld.idx.msk [tilespmem:v25+s3+$0x0], $0xffff  }
0xf8: {  	v60 =	vld [tilespmem:$0x1FEC0];
	[tilespmem:s24+$0xFFFFFDE0] =	vst v40  }
0xf9: {  	v30 =	vand.u32 $0xFFFF00, v30;
	v44 =	vshrl.u32 v21, $0x8;
	v21 =	vor.u32 v4, v24;
	v61 =	vld [tilespmem:$0x1FED0];
	[tilespmem:s24+$0xFFFFFE60] =	vst v54  }
0xfa: {  	v24 =	vor.u32 v14, v24;
	v31 =	vor.u32 v15, v35;
	v35 =	vor.u32 v3, v35;
	v62 =	vld [tilespmem:$0x1FEE0];
	[tilespmem:s24+$0xFFFFFDF0] =	vst v55  }
0xfb: {  	v38 =	vor.u32 v0, v49;
	v29 =	vor.u32 v10, v30;
	[tilespmem:s24+$0xFFFFFE70] =	vst v43;
	v59 =	vld.idx.msk [tilespmem:v59+s3+$0x0], $0xffff  }
0xfc: {  	v30 =	vor.u32 v9, v30;
	[tilespmem:$0x1FF00] =	vst v16;
	v16 =	vor.u32 v7, v48;
	v32 =	vld.idx.msk [tilespmem:v32+s3+$0x0], $0xffff  }
0xfd: {  	v48 =	vor.u32 v5, v48;
	v7 =	vor.u32 v7, v46;
	[tilespmem:s24+$0xFFFFFDA0] =	vst v57;
	v57 =	vld.idx.msk [tilespmem:v63+s3+$0x0], $0xffff  }
0xfe: {  	v46 =	vor.u32 v5, v46;
	v5 =	vor.u32 v0, v53;
	[tilespmem:s24+$0xFFFFFDB0] =	vst v58;
	v0 =	vld.idx.msk [tilespmem:v20+s3+$0x0], $0xffff  }
0xff: {  	v37 =	vor.u32 v2, v36;
	[tilespmem:s24+$0xFFFFFE30] =	vst v60;
	v63 =	vld [tilespmem:$0x1FEF0]  }
0x100: {  	v36 =	vor.u32 v1, v36;
	[tilespmem:s24+$0xFFFFFDC0] =	vst v61;
	v58 =	vld.idx.msk [tilespmem:v29+s3+$0x0], $0xffff  }
0x101: {  	[tilespmem:s24+$0xFFFFFE40] =	vst v62;
	v60 =	vld.idx.msk [tilespmem:v30+s3+$0x0], $0xffff  }
0x102: {  	v49 =	vor.u32 v6, v49;
	[tilespmem:s24+$0xFFFFFE80] =	vst v56;
	v20 =	vld.idx.msk [tilespmem:v24+s3+$0x0], $0xffff  }
0x103: {  	[tilespmem:s24+$0xFFFFFEA0] =	vst v22;
	v22 =	vld.idx.msk [tilespmem:v35+s3+$0x0], $0xffff  }
0x104: {  	v44 =	vand.u32 $0xFFFF00, v44;
	[tilespmem:s24+$0xFFFFFF00] =	vst v28;
	v24 =	vld.idx.msk [tilespmem:v37+s3+$0x0], $0xffff  }
0x105: {  	v12 =	vor.u32 v12, v44;
	[tilespmem:s24+$0xFFFFFF10] =	vst v27;
	v27 =	vld.idx.msk [tilespmem:v36+s3+$0x0], $0xffff  }
0x106: {  	v41 =	vand.u32 $0xFFFF00, v41;
	v44 =	vor.u32 v11, v44;
	[tilespmem:s24+$0xFFFFFE90] =	vst v39;
	v35 =	vld.idx.msk [tilespmem:v38+s3+$0x0], $0xffff  }
0x107: {  	v10 =	vor.u32 v10, v41;
	[tilespmem:s24+$0xFFFFFF20] =	vst v13;
	v36 =	vld.idx.msk [tilespmem:v49+s3+$0x0], $0xffff  }
0x108: {  	v41 =	vor.u32 v9, v41;
	[tilespmem:s24+$0xFFFFFEC0] =	vst v34;
	v37 =	vld.idx.msk [tilespmem:v8+s3+$0x0], $0xffff  }
0x109: {  	v9 =	vor.u32 v4, v47;
	[tilespmem:s24+$0xFFFFFF40] =	vst v33;
	v38 =	vld.idx.msk [tilespmem:v42+s3+$0x0], $0xffff  }
0x10a: {  	v47 =	vor.u32 v14, v47;
	[tilespmem:s24+$0xFFFFFED0] =	vst v45;
	v34 =	vld.idx.msk [tilespmem:v12+s3+$0x0], $0xffff  }
0x10b: {  	[tilespmem:s24+$0xFFFFFF50] =	vst v26;
	v28 =	vld.idx.msk [tilespmem:v44+s3+$0x0], $0xffff  }
0x10c: {  	[tilespmem:s24+$0xFFFFFEE0] =	vst v17;
	v29 =	vld.idx.msk [tilespmem:v10+s3+$0x0], $0xffff  }
0x10d: {  	[tilespmem:s24+$0xFFFFFF60] =	vst v25;
	v30 =	vld.idx.msk [tilespmem:v41+s3+$0x0], $0xffff  }
0x10e: {  	v51 =	vshrl.u32 v51, $0x8;
	[tilespmem:s24+$0xFFFFFF70] =	vst v23;
	v33 =	vld.idx.msk [tilespmem:v9+s3+$0x0], $0xffff  }
0x10f: {  	v51 =	vand.u32 $0xFFFF00, v51;
	v26 =	vld.idx.msk [tilespmem:v47+s3+$0x0], $0xffff;
	[tilespmem:s24+$0xFFFFFDD0] =	vst v63  }
0x110: {  	v14 =	vor.u32 v15, v51;
	v61 =	vld.idx.msk [tilespmem:v16+s3+$0x0], $0xffff;
	[tilespmem:s24+$0xFFFFFEB0] =	vst v59  }
0x111: {  	v51 =	vor.u32 v3, v51;
	v62 =	vld.idx.msk [tilespmem:v48+s3+$0x0], $0xffff;
	[tilespmem:s24+$0xFFFFFF30] =	vst v32  }
0x112: {  	v63 =	vld.idx.msk [tilespmem:v21+s3+$0x0], $0xffff;
	[tilespmem:s24+$0xFFFFFEF0] =	vst v57  }
0x113: {  	v21 =	vld.idx.msk [tilespmem:v31+s3+$0x0], $0xffff;
	[tilespmem:s24+$0xFFFFFF80] =	vst v0  }
0x114: {  	v15 =	vor.u32 v2, v52;
	v4 =	vld [tilespmem:$0x1FF00];
	[tilespmem:s24+$0x0] =	vst v19  }
0x115: {  	v52 =	vor.u32 v1, v52;
	v25 =	vld.idx.msk [tilespmem:v14+s3+$0x0], $0xffff;
	[tilespmem:s24+$0xFFFFFF90] =	vst v50  }
0x116: {  	s13 =	sadd.s32 $0x5, s13;
	v23 =	vld.idx.msk [tilespmem:v51+s3+$0x0], $0xffff;
	[tilespmem:s24+$0x10] =	vst v18  }
0x117: {  	p1 =	slt.u32 s13, $0x14;
	v53 =	vor.u32 v6, v53;
	v31 =	vld.idx.msk [tilespmem:v7+s3+$0x0], $0xffff;
	[tilespmem:s24+$0xFFFFFFA0] =	vst v58  }
.Ltmp2:
0x118: {  	v32 =	vld.idx.msk [tilespmem:v46+s3+$0x0], $0xffff;
	[tilespmem:s24+$0x20] =	vst v60;
	(pc) =	sbr.rel @p1 .LBB2_4-.Ltmp2, $4  }
0x119: {  	v19 =	vld.idx.msk [tilespmem:v15+s3+$0x0], $0xffff;
	[tilespmem:s24+$0xFFFFFE50] =	vst v4  }
0x11a: {  	v18 =	vld.idx.msk [tilespmem:v52+s3+$0x0], $0xffff;
	[tilespmem:s24+$0xFFFFFFB0] =	vst v61  }
0x11b: {  	v17 =	vld.idx.msk [tilespmem:v5+s3+$0x0], $0xffff;
	[tilespmem:s24+$0x30] =	vst v62  }
0x11c: {  	s10 =	sadd.s32 $0x140, s10;
	v8 =	vlaneseq.u32;
	v16 =	vld.idx.msk [tilespmem:v53+s3+$0x0], $0xffff;
	[tilespmem:s24+$0xFFFFFFC0] =	vst v63  }
0x11d: {  	[tilespmem:s24+$0x40] =	vst v20  }
0x11e: {  	[tilespmem:s24+$0xFFFFFFD0] =	vst v21  }
0x11f: {  	[tilespmem:s24+$0x50] =	vst v22  }
0x120: {  	[tilespmem:s24+$0xFFFFFFE0] =	vst v24  }
0x121: {  	[tilespmem:s24+$0x60] =	vst v27  }
0x122: {  	[tilespmem:s24+$0xFFFFFFF0] =	vst v35  }
0x123: {  	[tilespmem:s24+$0x70] =	vst v36  }
0x124: {  	[tilespmem:s24+$0x80] =	vst v37  }
0x125: {  	[tilespmem:s24+$0x100] =	vst v38  }
0x126: {  	[tilespmem:s24+$0x90] =	vst v34  }
0x127: {  	[tilespmem:s24+$0x110] =	vst v28  }
0x128: {  	[tilespmem:s24+$0xA0] =	vst v29  }
0x129: {  	[tilespmem:s24+$0x120] =	vst v30  }
0x12a: {  	[tilespmem:s24+$0xB0] =	vst v31  }
0x12b: {  	[tilespmem:s24+$0x130] =	vst v32  }
0x12c: {  	[tilespmem:s24+$0xC0] =	vst v33  }
0x12d: {  	[tilespmem:s24+$0x140] =	vst v26  }
0x12e: {  	[tilespmem:s24+$0xD0] =	vst v25  }
0x12f: {  	[tilespmem:s24+$0x150] =	vst v23;
	s30 =	smul.u32 $0xC80000, s15  }
0x130: {  	[tilespmem:s24+$0xE0] =	vst v19  }
0x131: {  	[tilespmem:s24+$0x160] =	vst v18;
	s10 =	sor.u32 s30, s1  }
0x132: {  	[tilespmem:s24+$0xF0] =	vst v17;
	s10 =	sshrl.u32 s10, $0x3  }
0x133: {  	[tilespmem:s24+$0x170] =	vst v16;
	s10 =	sadd.s32 s2, s10;
	s24 =	smul.u32 $0x32000, s15  }
0x134: {  	[hbm4b:s10+s17] =	stream.strided.scatter [tilespmem:s26], [sflag:$0x5], $0x1900, s18, s17, $0x38;
	[tilespmem:$0x1CE80] =	vst v63  }
0x135: {  	s11 =	sadd.s32 s7, s24  }
0x136: {  	p1 =	seq.s32 s15, $0x3;
	s10 =	sshrl.u32 s11, $0x4  }
0x137: {  	s10 =	smov.u32 @p1 s16  }
0x138: {  	s10 =	sadd.s32 s5, s10  }
0x139: {  	[tilespmem:s22], [sflag:$0x3] =	stream.strided.gather [hbm4b:s10+s20], $0x640, s21, s20, $0x38;
	[tilespmem:$0x1CE80] =	vst v63  }
0x13a: {  	_ =	swait.ge [sflag:s28], $0x640  }
0x13b: {  	[sflag:s28] =	ssyncset.done $0x0  }
0x13c: {  	s10 =	simm.s32 @!p0 $0x6;
	[sflag:s28] =	ssyncadd.s32 $0xFFFFF9C0  }
0x13d: {  	_ =	swait.ge @!p0 [sflag:s10], $0x1900  }
0x13e: {  	v50 =	vld [tilespmem:$0x1FF10]  }
0x13f: {  	v51 =	vld [tilespmem:$0x1FF20]  }
0x140: {  	v52 =	vld [tilespmem:$0x1FF30]  }
0x141: {  	v53 =	vld [tilespmem:$0x1FF40]  }
0x142: {  	v54 =	vld [tilespmem:$0x1FF50]  }
0x143: {  	v55 =	vld [tilespmem:$0x1FF60]  }
0x144: {  	v56 =	vld [tilespmem:$0x1FF70]  }
0x145: {  	v57 =	vld [tilespmem:$0x1FF80]  }
0x146: {  	v43 =	vld [tilespmem:$0x1FFF0]  }
0x147: {  	v44 =	vld [tilespmem:$0x1FF90]  }
0x148: {  	v45 =	vld [tilespmem:$0x1FFA0]  }
0x149: {  	v46 =	vld [tilespmem:$0x1FFB0]  }
0x14a: {  	v47 =	vld [tilespmem:$0x1FFC0]  }
0x14b: {  	[sflag:s10] =	ssyncset.done @!p0 $0x0;
	v48 =	vld [tilespmem:$0x1FFD0]  }
0x14c: {  	s13 =	simm.s32 $0x196E0;
	v49 =	vld [tilespmem:$0x1FFE0];
	[sflag:s10] =	ssyncadd.s32 @!p0 $0xFFFFE700  }
0x14d: {  	v0 =	vld [tilespmem:s13+$0x60]  }
0x14e: {  	v1 =	vld [tilespmem:s13+$0xFFFFFF70]  }
0x14f: {  	v2 =	vld [tilespmem:s13+$0xFFFFFF80]  }
0x150: {  	v3 =	vld [tilespmem:s13+$0xFFFFFF90]  }
0x151: {  	v4 =	vld [tilespmem:s13+$0x70]  }
0x152: {  	v5 =	vld [tilespmem:s13+$0xFFFFFFA0]  }
0x153: {  	v7 =	vld [tilespmem:s13+$0xFFFFFFB0]  }
0x154: {  	v24 =	vld [tilespmem:s13+$0xFFFFFFC0]  }
0x155: {  	v9 =	vld [tilespmem:s13+$0x80]  }
0x156: {  	v10 =	vld [tilespmem:s13+$0x90];
	v6 =	vshll.u32 v0, $0x8  }
0x157: {  	v58 =	vlaneseq.u32;
	v23 =	vld [tilespmem:s13+$0xFFFFFFD0];
	v6 =	vand.u32 $0xFFFF00, v6  }
0x158: {  	v21 =	vld [tilespmem:s13+$0xFFFFFFE0];
	v0 =	vshrl.u32 v0, $0x8;
	v8 =	vor.u32 v58, v6  }
0x159: {  	v25 =	vld [tilespmem:s13+$0xFFFFFFF0];
	v0 =	vand.u32 $0xFFFF00, v0;
	v6 =	vor.u32 v50, v6  }
0x15a: {  	v22 =	vld [tilespmem:s13+$0x0];
	v12 =	vshll.u32 v4, $0x8;
	v11 =	vor.u32 v51, v0  }
0x15b: {  	v20 =	vld [tilespmem:s13+$0x10];
	v12 =	vand.u32 $0xFFFF00, v12;
	v0 =	vor.u32 v52, v0  }
0x15c: {  	v63 =	vld [tilespmem:s13+$0xFFFFFF60];
	v4 =	vshrl.u32 v4, $0x8;
	v13 =	vor.u32 v53, v12  }
0x15d: {  	v4 =	vand.u32 $0xFFFF00, v4;
	v12 =	vor.u32 v54, v12;
	v8 =	vld.idx.msk [tilespmem:v8+s3+$0x0], $0xffff  }
0x15e: {  	v15 =	vshll.u32 v9, $0x8;
	v14 =	vor.u32 v55, v4;
	v6 =	vld.idx.msk [tilespmem:v6+s3+$0x0], $0xffff  }
0x15f: {  	v16 =	vshrl.u32 v10, $0x8;
	v15 =	vand.u32 $0xFFFF00, v15;
	v4 =	vor.u32 v56, v4;
	v11 =	vld.idx.msk [tilespmem:v11+s3+$0x0], $0xffff  }
0x160: {  	v16 =	vand.u32 $0xFFFF00, v16;
	v17 =	vor.u32 v57, v15;
	v0 =	vld.idx.msk [tilespmem:v0+s3+$0x0], $0xffff  }
0x161: {  	v9 =	vshrl.u32 v9, $0x8;
	v18 =	vor.u32 v43, v16;
	v13 =	vld.idx.msk [tilespmem:v13+s3+$0x0], $0xffff  }
0x162: {  	v9 =	vand.u32 $0xFFFF00, v9;
	v15 =	vor.u32 v44, v15;
	v12 =	vld.idx.msk [tilespmem:v12+s3+$0x0], $0xffff  }
0x163: {  	v19 =	vor.u32 v45, v9;
	v14 =	vld.idx.msk [tilespmem:v14+s3+$0x0], $0xffff  }
0x164: {  	v9 =	vor.u32 v46, v9;
	v4 =	vld.idx.msk [tilespmem:v4+s3+$0x0], $0xffff  }
0x165: {  	v16 =	vor.u32 v49, v16;
	v26 =	vld.idx.msk [tilespmem:v17+s3+$0x0], $0xffff  }
0x166: {  	v42 =	vshll.u32 v3, $0x8;
	v27 =	vld.idx.msk [tilespmem:v18+s3+$0x0], $0xffff  }
0x167: {  	v37 =	vand.u32 $0xFFFF00, v42;
	v15 =	vld.idx.msk [tilespmem:v15+s3+$0x0], $0xffff  }
0x168: {  	v42 =	vshll.u32 v63, $0x8;
	v39 =	vor.u32 v47, v37;
	v28 =	vld.idx.msk [tilespmem:v19+s3+$0x0], $0xffff  }
0x169: {  	v37 =	vor.u32 v48, v37;
	v42 =	vand.u32 $0xFFFF00, v42;
	v9 =	vld.idx.msk [tilespmem:v9+s3+$0x0], $0xffff  }
0x16a: {  	v10 =	vshll.u32 v10, $0x8;
	v36 =	vor.u32 v58, v42;
	v30 =	vld.idx.msk [tilespmem:v16+s3+$0x0], $0xffff  }
0x16b: {  	v10 =	vand.u32 $0xFFFF00, v10;
	v19 =	vld [tilespmem:s13+$0x20]  }
0x16c: {  	v17 =	vor.u32 v47, v10;
	v18 =	vld [tilespmem:s13+$0x30]  }
0x16d: {  	v10 =	vor.u32 v48, v10;
	v16 =	vshll.u32 v1, $0x8;
	v39 =	vld.idx.msk [tilespmem:v39+s3+$0x0], $0xffff  }
0x16e: {  	v1 =	vshrl.u32 v1, $0x8;
	v37 =	vld.idx.msk [tilespmem:v37+s3+$0x0], $0xffff;
	v16 =	vand.u32 $0xFFFF00, v16  }
0x16f: {  	v36 =	vld.idx.msk [tilespmem:v36+s3+$0x0], $0xffff;
	v31 =	vor.u32 v53, v16;
	v41 =	vor.u32 v54, v16;
	v16 =	vshll.u32 v2, $0x8  }
0x170: {  	v1 =	vand.u32 $0xFFFF00, v1;
	v61 =	vand.u32 $0xFFFF00, v16;
	v16 =	vld [tilespmem:s13+$0x50]  }
0x171: {  	v60 =	vor.u32 v55, v1;
	v29 =	vld.idx.msk [tilespmem:v17+s3+$0x0], $0xffff  }
0x172: {  	v1 =	vor.u32 v56, v1;
	v10 =	vld.idx.msk [tilespmem:v10+s3+$0x0], $0xffff  }
0x173: {  	v2 =	vshrl.u32 v2, $0x8;
	v62 =	vor.u32 v57, v61;
	v17 =	vld [tilespmem:s13+$0x40]  }
0x174: {  	v2 =	vand.u32 $0xFFFF00, v2;
	v34 =	vor.u32 v44, v61;
	v31 =	vld.idx.msk [tilespmem:v31+s3+$0x0], $0xffff  }
0x175: {  	v40 =	vshll.u32 v5, $0x8;
	v59 =	vor.u32 v45, v2;
	v32 =	vld.idx.msk [tilespmem:v41+s3+$0x0], $0xffff  }
0x176: {  	v3 =	vshrl.u32 v3, $0x8;
	v40 =	vand.u32 $0xFFFF00, v40;
	v2 =	vor.u32 v46, v2;
	s13 =	simm.s32 $0x1B800;
	v33 =	vld.idx.msk [tilespmem:v60+s3+$0x0], $0xffff  }
0x177: {  	v3 =	vand.u32 $0xFFFF00, v3;
	[tilespmem:s13+$0x270] =	vst v27;
	v27 =	vor.u32 v58, v40;
	v1 =	vld.idx.msk [tilespmem:v1+s3+$0x0], $0xffff  }
0x178: {  	[tilespmem:s13+$0x1C0] =	vst v26;
	v26 =	vshll.u32 v24, $0x8;
	v41 =	vor.u32 v49, v3;
	v3 =	vor.u32 v43, v3;
	v35 =	vld.idx.msk [tilespmem:v62+s3+$0x0], $0xffff  }
0x179: {  	v60 =	vshrl.u32 v63, $0x8;
	v63 =	vshrl.u32 v5, $0x8;
	v26 =	vand.u32 $0xFFFF00, v26;
	v34 =	vld.idx.msk [tilespmem:v34+s3+$0x0], $0xffff  }
0x17a: {  	[tilespmem:s13+$0x210] =	vst v0;
	v0 =	vand.u32 $0xFFFF00, v63;
	v63 =	vor.u32 v57, v26;
	v26 =	vor.u32 v44, v26;
	v38 =	vld.idx.msk [tilespmem:v59+s3+$0x0], $0xffff  }
0x17b: {  	[tilespmem:s13+$0x190] =	vst v11;
	v61 =	vand.u32 $0xFFFF00, v60;
	v2 =	vld.idx.msk [tilespmem:v2+s3+$0x0], $0xffff;
	v62 =	vor.u32 v50, v42  }
0x17c: {  	[tilespmem:s13+$0x1A0] =	vst v13;
	v11 =	vor.u32 v51, v61;
	v13 =	vld.idx.msk [tilespmem:v27+s3+$0x0], $0xffff  }
0x17d: {  	[tilespmem:s13+$0x180] =	vst v8;
	v42 =	vor.u32 v52, v61;
	v41 =	vld.idx.msk [tilespmem:v41+s3+$0x0], $0xffff  }
0x17e: {  	[tilespmem:s13+$0x200] =	vst v6;
	v59 =	vor.u32 v50, v40;
	v3 =	vld.idx.msk [tilespmem:v3+s3+$0x0], $0xffff  }
0x17f: {  	[tilespmem:s13+$0x220] =	vst v12;
	v24 =	vshrl.u32 v24, $0x8;
	v60 =	vor.u32 v51, v0;
	v26 =	vld.idx.msk [tilespmem:v26+s3+$0x0], $0xffff  }
0x180: {  	[tilespmem:s13+$0x1B0] =	vst v14;
	v24 =	vand.u32 $0xFFFF00, v24;
	v0 =	vor.u32 v52, v0;
	v8 =	vld.idx.msk [tilespmem:v62+s3+$0x0], $0xffff  }
0x181: {  	[tilespmem:s13+$0x230] =	vst v4;
	v40 =	vor.u32 v45, v24;
	v27 =	vshll.u32 v7, $0x8;
	v11 =	vld.idx.msk [tilespmem:v11+s3+$0x0], $0xffff  }
0x182: {  	[tilespmem:s13+$0x240] =	vst v15;
	v24 =	vor.u32 v46, v24;
	v7 =	vshrl.u32 v7, $0x8;
	v61 =	vand.u32 $0xFFFF00, v27;
	v5 =	vld.idx.msk [tilespmem:v42+s3+$0x0], $0xffff  }
0x183: {  	[tilespmem:s13+$0x1D0] =	vst v28;
	v7 =	vand.u32 $0xFFFF00, v7;
	v14 =	vor.u32 v54, v61;
	v6 =	vld.idx.msk [tilespmem:v59+s3+$0x0], $0xffff  }
0x184: {  	[tilespmem:s13+$0x250] =	vst v9;
	v15 =	vor.u32 v55, v7;
	v12 =	vld.idx.msk [tilespmem:v60+s3+$0x0], $0xffff  }
0x185: {  	[tilespmem:s13+$0x1F0] =	vst v30;
	v7 =	vor.u32 v56, v7;
	v0 =	vld.idx.msk [tilespmem:v0+s3+$0x0], $0xffff  }
0x186: {  	[tilespmem:s13+$0x260] =	vst v10;
	v27 =	vshll.u32 v23, $0x8;
	v62 =	vor.u32 v53, v61;
	v10 =	vld.idx.msk [tilespmem:v40+s3+$0x0], $0xffff  }
0x187: {  	[tilespmem:s13+$0x1E0] =	vst v29;
	v27 =	vand.u32 $0xFFFF00, v27;
	v29 =	vld.idx.msk [tilespmem:v24+s3+$0x0], $0xffff  }
0x188: {  	v23 =	vshrl.u32 v23, $0x8;
	[tilespmem:s13+$0xFFFFFD80] =	vst v36;
	v28 =	vor.u32 v47, v27;
	v14 =	vld.idx.msk [tilespmem:v14+s3+$0x0], $0xffff  }
0x189: {  	v23 =	vand.u32 $0xFFFF00, v23;
	v27 =	vor.u32 v48, v27;
	[tilespmem:s13+$0xFFFFFDA0] =	vst v31;
	v15 =	vld.idx.msk [tilespmem:v15+s3+$0x0], $0xffff  }
0x18a: {  	v42 =	vshll.u32 v21, $0x8;
	v59 =	vor.u32 v49, v23;
	[tilespmem:s13+$0xFFFFFE20] =	vst v32;
	v7 =	vld.idx.msk [tilespmem:v7+s3+$0x0], $0xffff  }
0x18b: {  	v61 =	vor.u32 v43, v23;
	v21 =	vshrl.u32 v21, $0x8;
	[tilespmem:s13+$0xFFFFFDB0] =	vst v33;
	v60 =	vand.u32 $0xFFFF00, v42;
	v4 =	vld.idx.msk [tilespmem:v62+s3+$0x0], $0xffff  }
0x18c: {  	v21 =	vand.u32 $0xFFFF00, v21;
	v23 =	vor.u32 v58, v60;
	[tilespmem:s13+$0xFFFFFE00] =	vst v8;
	v8 =	vld.idx.msk [tilespmem:v63+s3+$0x0], $0xffff  }
0x18d: {  	[tilespmem:s13+$0xFFFFFE30] =	vst v1;
	v30 =	vor.u32 v51, v21;
	v28 =	vld.idx.msk [tilespmem:v28+s3+$0x0], $0xffff  }
0x18e: {  	v24 =	vshll.u32 v25, $0x8;
	v21 =	vor.u32 v52, v21;
	[tilespmem:s13+$0xFFFFFD90] =	vst v11;
	v31 =	vld.idx.msk [tilespmem:v27+s3+$0x0], $0xffff  }
0x18f: {  	[tilespmem:s13+$0xFFFFFE10] =	vst v5;
	v5 =	vor.u32 v50, v60;
	v62 =	vand.u32 $0xFFFF00, v24;
	v11 =	vld.idx.msk [tilespmem:v59+s3+$0x0], $0xffff  }
0x190: {  	[tilespmem:s13+$0xFFFFFDC0] =	vst v35;
	v24 =	vshrl.u32 v25, $0x8;
	v9 =	vld.idx.msk [tilespmem:v61+s3+$0x0], $0xffff;
	v25 =	vor.u32 v53, v62  }
0x191: {  	[tilespmem:s13+$0xFFFFFE40] =	vst v34;
	v24 =	vand.u32 $0xFFFF00, v24;
	v1 =	vor.u32 v54, v62;
	v23 =	vld.idx.msk [tilespmem:v23+s3+$0x0], $0xffff  }
0x192: {  	[tilespmem:s13+$0xFFFFFDD0] =	vst v38;
	v27 =	vshll.u32 v22, $0x8;
	v63 =	vor.u32 v55, v24;
	v40 =	vld.idx.msk [tilespmem:v30+s3+$0x0], $0xffff  }
0x193: {  	[tilespmem:s13+$0xFFFFFDE0] =	vst v39;
	v33 =	vand.u32 $0xFFFF00, v27;
	v24 =	vor.u32 v56, v24;
	v39 =	vld.idx.msk [tilespmem:v21+s3+$0x0], $0xffff  }
0x194: {  	[tilespmem:s13+$0xFFFFFE50] =	vst v2;
	v22 =	vshrl.u32 v22, $0x8;
	v27 =	vor.u32 v57, v33;
	v5 =	vld.idx.msk [tilespmem:v5+s3+$0x0], $0xffff  }
0x195: {  	[tilespmem:s13+$0xFFFFFE60] =	vst v37;
	v21 =	vand.u32 $0xFFFF00, v22;
	v2 =	vor.u32 v44, v33;
	v22 =	vld.idx.msk [tilespmem:v25+s3+$0x0], $0xffff  }
0x196: {  	[tilespmem:s13+$0xFFFFFDF0] =	vst v41;
	v30 =	vor.u32 v45, v21;
	v25 =	vshll.u32 v20, $0x8;
	v1 =	vld.idx.msk [tilespmem:v1+s3+$0x0], $0xffff  }
0x197: {  	[tilespmem:s13+$0xFFFFFE70] =	vst v3;
	v34 =	vand.u32 $0xFFFF00, v25;
	v25 =	vor.u32 v46, v21;
	v41 =	vld.idx.msk [tilespmem:v63+s3+$0x0], $0xffff  }
0x198: {  	[tilespmem:s13+$0xFFFFFE80] =	vst v13;
	v20 =	vshrl.u32 v20, $0x8;
	v42 =	vld.idx.msk [tilespmem:v24+s3+$0x0], $0xffff;
	v35 =	vor.u32 v47, v34  }
0x199: {  	[tilespmem:s13+$0xFFFFFF00] =	vst v6;
	v21 =	vand.u32 $0xFFFF00, v20;
	v6 =	vld.idx.msk [tilespmem:v27+s3+$0x0], $0xffff;
	v3 =	vor.u32 v48, v34  }
0x19a: {  	[tilespmem:s13+$0xFFFFFE90] =	vst v12;
	v24 =	vshll.u32 v19, $0x8;
	v20 =	vld.idx.msk [tilespmem:v2+s3+$0x0], $0xffff;
	v36 =	vor.u32 v49, v21  }
0x19b: {  	[tilespmem:s13+$0xFFFFFF10] =	vst v0;
	v62 =	vshrl.u32 v18, $0x8;
	v37 =	vand.u32 $0xFFFF00, v24;
	v38 =	vor.u32 v43, v21;
	v21 =	vld.idx.msk [tilespmem:v30+s3+$0x0], $0xffff  }
0x19c: {  	[tilespmem:s13+$0xFFFFFEA0] =	vst v4;
	v24 =	vshrl.u32 v19, $0x8;
	v4 =	vor.u32 v58, v37;
	v0 =	vor.u32 v50, v37;
	v19 =	vld.idx.msk [tilespmem:v25+s3+$0x0], $0xffff  }
0x19d: {  	[tilespmem:s13+$0xFFFFFF40] =	vst v26;
	v58 =	vshll.u32 v18, $0x8;
	v50 =	vand.u32 $0xFFFF00, v62;
	v25 =	vand.u32 $0xFFFF00, v24;
	v24 =	vld.idx.msk [tilespmem:v35+s3+$0x0], $0xffff  }
0x19e: {  	[tilespmem:s13+$0xFFFFFED0] =	vst v10;
	v60 =	vand.u32 $0xFFFF00, v58;
	v2 =	vor.u32 v56, v50;
	v27 =	vld.idx.msk [tilespmem:v3+s3+$0x0], $0xffff  }
0x19f: {  	[tilespmem:s13+$0xFFFFFF50] =	vst v29;
	v63 =	vor.u32 v53, v60;
	v35 =	vld.idx.msk [tilespmem:v36+s3+$0x0], $0xffff  }
0x1a0: {  	[tilespmem:s13+$0xFFFFFF20] =	vst v14;
	v59 =	vor.u32 v51, v25;
	v36 =	vld.idx.msk [tilespmem:v38+s3+$0x0], $0xffff  }
0x1a1: {  	[tilespmem:s13+$0xFFFFFEB0] =	vst v15;
	v61 =	vor.u32 v52, v25;
	v37 =	vld.idx.msk [tilespmem:v4+s3+$0x0], $0xffff  }
0x1a2: {  	[tilespmem:s13+$0xFFFFFF30] =	vst v7;
	v56 =	vshll.u32 v16, $0x8;
	v3 =	vor.u32 v54, v60;
	v38 =	vld.idx.msk [tilespmem:v0+s3+$0x0], $0xffff  }
0x1a3: {  	[tilespmem:s13+$0xFFFFFEC0] =	vst v8;
	v58 =	vand.u32 $0xFFFF00, v56;
	v51 =	vshll.u32 v17, $0x8;
	v52 =	vor.u32 v55, v50;
	v32 =	vld.idx.msk [tilespmem:v2+s3+$0x0], $0xffff  }
0x1a4: {  	[tilespmem:s13+$0xFFFFFEE0] =	vst v28;
	v60 =	vor.u32 v47, v58;
	v53 =	vand.u32 $0xFFFF00, v51;
	v29 =	vld.idx.msk [tilespmem:v63+s3+$0x0], $0xffff  }
0x1a5: {  	[tilespmem:s13+$0xFFFFFF60] =	vst v31;
	v54 =	vshrl.u32 v17, $0x8;
	v55 =	vor.u32 v57, v53;
	v34 =	vld.idx.msk [tilespmem:v59+s3+$0x0], $0xffff  }
0x1a6: {  	[tilespmem:s13+$0xFFFFFEF0] =	vst v11;
	v4 =	vand.u32 $0xFFFF00, v54;
	v0 =	vor.u32 v44, v53;
	v28 =	vld.idx.msk [tilespmem:v61+s3+$0x0], $0xffff  }
0x1a7: {  	[tilespmem:s13+$0xFFFFFF70] =	vst v9;
	v57 =	vor.u32 v45, v4;
	v30 =	vld.idx.msk [tilespmem:v3+s3+$0x0], $0xffff  }
0x1a8: {  	[tilespmem:s13+$0xFFFFFF80] =	vst v23;
	v4 =	vor.u32 v46, v4;
	v31 =	vld.idx.msk [tilespmem:v52+s3+$0x0], $0xffff;
	v59 =	vshrl.u32 v16, $0x8  }
0x1a9: {  	[tilespmem:s13+$0xFFFFFFA0] =	vst v22;
	v3 =	vor.u32 v48, v58;
	v22 =	vld.idx.msk [tilespmem:v60+s3+$0x0], $0xffff;
	v61 =	vand.u32 $0xFFFF00, v59  }
0x1aa: {  	[tilespmem:s13+$0x0] =	vst v5;
	v33 =	vld.idx.msk [tilespmem:v55+s3+$0x0], $0xffff;
	v62 =	vor.u32 v49, v61  }
0x1ab: {  	[tilespmem:s13+$0xFFFFFF90] =	vst v40;
	v26 =	vld.idx.msk [tilespmem:v0+s3+$0x0], $0xffff;
	v63 =	vor.u32 v43, v61  }
0x1ac: {  	[tilespmem:s13+$0x10] =	vst v39;
	v25 =	vld.idx.msk [tilespmem:v57+s3+$0x0], $0xffff  }
0x1ad: {  	[tilespmem:s13+$0x20] =	vst v1;
	v23 =	vld.idx.msk [tilespmem:v4+s3+$0x0], $0xffff  }
0x1ae: {  	[tilespmem:s13+$0xFFFFFFB0] =	vst v41;
	v41 =	vld.idx.msk [tilespmem:v3+s3+$0x0], $0xffff  }
0x1af: {  	[tilespmem:s13+$0x30] =	vst v42;
	v17 =	vld.idx.msk [tilespmem:v62+s3+$0x0], $0xffff  }
0x1b0: {  	s11 =	simm.s32 $0x19820;
	s10 =	simm.s32 $0x0;
	[tilespmem:s13+$0xFFFFFFC0] =	vst v6;
	v16 =	vld.idx.msk [tilespmem:v63+s3+$0x0], $0xffff  }
.LBB2_6:
0x1b1: {  	v0 =	vld [tilespmem:s11+$0x60]  }
0x1b2: {  	v1 =	vld [tilespmem:s11+$0xFFFFFF70];
	[tilespmem:s13+$0x130] =	vst v32  }
0x1b3: {  	v2 =	vld [tilespmem:s11+$0xFFFFFF80];
	[tilespmem:s13+$0xC0] =	vst v33  }
0x1b4: {  	v3 =	vld [tilespmem:s11+$0xFFFFFF90];
	[tilespmem:s13+$0x140] =	vst v26  }
0x1b5: {  	v4 =	vld [tilespmem:s11+$0x70];
	[tilespmem:s13+$0x40] =	vst v20  }
0x1b6: {  	v5 =	vld [tilespmem:s11+$0xFFFFFFA0];
	[tilespmem:s13+$0xFFFFFFD0] =	vst v21  }
0x1b7: {  	v8 =	vld [tilespmem:s11+$0xFFFFFFB0];
	[tilespmem:s13+$0x50] =	vst v19  }
0x1b8: {  	v10 =	vld [tilespmem:s11+$0xFFFFFFC0];
	[tilespmem:s13+$0xFFFFFFE0] =	vst v24  }
0x1b9: {  	v12 =	vld [tilespmem:s11+$0x80];
	[tilespmem:s13+$0x60] =	vst v27  }
0x1ba: {  	v57 =	vld [tilespmem:$0x1FF10];
	[tilespmem:s13+$0xFFFFFFF0] =	vst v35  }
0x1bb: {  	v14 =	vld [tilespmem:s11+$0x90];
	[tilespmem:s13+$0x70] =	vst v36  }
0x1bc: {  	v58 =	vld [tilespmem:$0x1FF20];
	[tilespmem:s13+$0x80] =	vst v37  }
0x1bd: {  	v59 =	vld [tilespmem:$0x1FF30];
	[tilespmem:s13+$0x100] =	vst v38  }
0x1be: {  	v60 =	vld [tilespmem:$0x1FF40];
	[tilespmem:s13+$0x90] =	vst v34  }
0x1bf: {  	v61 =	vld [tilespmem:$0x1FF50];
	[tilespmem:s13+$0x110] =	vst v28  }
0x1c0: {  	v40 =	vld [tilespmem:$0x1FF60];
	[tilespmem:s13+$0xA0] =	vst v29  }
0x1c1: {  	v18 =	vld [tilespmem:$0x1FF80];
	[tilespmem:s13+$0x120] =	vst v30  }
0x1c2: {  	v63 =	vld [tilespmem:$0x1FF90];
	[tilespmem:s13+$0xB0] =	vst v31  }
0x1c3: {  	v20 =	vld [tilespmem:s11+$0xFFFFFFD0];
	[tilespmem:s13+$0xD0] =	vst v25;
	v6 =	vshll.u32 v0, $0x8  }
0x1c4: {  	v11 =	vlaneseq.u32;
	v28 =	vld [tilespmem:$0x1FF70];
	[tilespmem:s13+$0x150] =	vst v23;
	v6 =	vand.u32 $0xFFFF00, v6  }
0x1c5: {  	v38 =	vld [tilespmem:$0x1FFF0];
	[tilespmem:s13+$0xE0] =	vst v22;
	v0 =	vshrl.u32 v0, $0x8;
	v11 =	vor.u32 v11, v6  }
0x1c6: {  	[tilespmem:s13+$0x160] =	vst v41;
	v19 =	vshll.u32 v4, $0x8;
	v24 =	vld [tilespmem:s11+$0xFFFFFFE0];
	v0 =	vand.u32 $0xFFFF00, v0;
	v6 =	vor.u32 v57, v6  }
0x1c7: {  	[tilespmem:s13+$0xF0] =	vst v17;
	v39 =	vshll.u32 v8, $0x8;
	v52 =	vshrl.u32 v8, $0x8;
	v8 =	vld [tilespmem:$0x1FFC0];
	v15 =	vor.u32 v58, v0  }
0x1c8: {  	[tilespmem:s13+$0x170] =	vst v16;
	v62 =	vld [tilespmem:s11+$0x10];
	v19 =	vand.u32 $0xFFFF00, v19;
	v0 =	vor.u32 v59, v0  }
0x1c9: {  	v4 =	vshrl.u32 v4, $0x8;
	v41 =	vld [tilespmem:s11+$0x20];
	v27 =	vor.u32 v60, v19  }
0x1ca: {  	v4 =	vand.u32 $0xFFFF00, v4;
	v19 =	vor.u32 v61, v19;
	v37 =	vld.idx.msk [tilespmem:v11+s3+$0x0], $0xffff  }
0x1cb: {  	v29 =	vor.u32 v40, v4;
	v43 =	vld.idx.msk [tilespmem:v6+s3+$0x0], $0xffff  }
0x1cc: {  	v30 =	vshll.u32 v12, $0x8;
	v44 =	vld.idx.msk [tilespmem:v15+s3+$0x0], $0xffff  }
0x1cd: {  	v30 =	vand.u32 $0xFFFF00, v30;
	v42 =	vld.idx.msk [tilespmem:v0+s3+$0x0], $0xffff  }
0x1ce: {  	v53 =	vor.u32 v18, v30;
	v27 =	vld.idx.msk [tilespmem:v27+s3+$0x0], $0xffff  }
0x1cf: {  	v26 =	vld.idx.msk [tilespmem:v19+s3+$0x0], $0xffff  }
0x1d0: {  	v9 =	vshll.u32 v2, $0x8;
	v29 =	vld.idx.msk [tilespmem:v29+s3+$0x0], $0xffff  }
0x1d1: {  	v45 =	vlaneseq.u32;
	v31 =	vshrl.u32 v14, $0x8;
	v9 =	vand.u32 $0xFFFF00, v9;
	v15 =	vld [tilespmem:$0x1FFA0]  }
0x1d2: {  	v7 =	vshll.u32 v1, $0x8;
	v31 =	vand.u32 $0xFFFF00, v31;
	v36 =	vor.u32 v18, v9;
	v11 =	vld [tilespmem:$0x1FFB0]  }
0x1d3: {  	v4 =	vor.u32 v28, v4;
	v22 =	vshll.u32 v24, $0x8;
	v23 =	vshrl.u32 v24, $0x8;
	v24 =	vld.idx.msk [tilespmem:v53+s3+$0x0], $0xffff  }
0x1d4: {  	v21 =	vshll.u32 v5, $0x8;
	v7 =	vand.u32 $0xFFFF00, v7;
	v55 =	vor.u32 v38, v31;
	v6 =	vld [tilespmem:$0x1FFD0]  }
0x1d5: {  	v12 =	vshrl.u32 v12, $0x8;
	v50 =	vand.u32 $0xFFFF00, v23;
	v23 =	vor.u32 v60, v7;
	v0 =	vld [tilespmem:$0x1FFE0]  }
0x1d6: {  	v14 =	vshll.u32 v14, $0x8;
	v16 =	vand.u32 $0xFFFF00, v21;
	v7 =	vor.u32 v61, v7;
	v53 =	vld [tilespmem:s11+$0x30]  }
0x1d7: {  	v14 =	vand.u32 $0xFFFF00, v14;
	v49 =	vor.u32 v45, v16;
	v19 =	vor.u32 v63, v30;
	v45 =	vld.idx.msk [tilespmem:v36+s3+$0x0], $0xffff  }
0x1d8: {  	v54 =	vshll.u32 v10, $0x8;
	v12 =	vand.u32 $0xFFFF00, v12;
	v56 =	vor.u32 v8, v14;
	v4 =	vld.idx.msk [tilespmem:v4+s3+$0x0], $0xffff  }
0x1d9: {  	v21 =	vand.u32 $0xFFFF00, v39;
	v51 =	vand.u32 $0xFFFF00, v54;
	v34 =	vld.idx.msk [tilespmem:v55+s3+$0x0], $0xffff;
	v30 =	vor.u32 v15, v12  }
0x1da: {  	v54 =	vshll.u32 v62, $0x8;
	v39 =	vshrl.u32 v62, $0x8;
	v62 =	vld.idx.msk [tilespmem:v23+s3+$0x0], $0xffff;
	v12 =	vor.u32 v11, v12  }
0x1db: {  	v7 =	vld.idx.msk [tilespmem:v7+s3+$0x0], $0xffff;
	v14 =	vor.u32 v6, v14  }
0x1dc: {  	v55 =	vor.u32 v57, v16;
	v16 =	vor.u32 v61, v21;
	v35 =	vld.idx.msk [tilespmem:v19+s3+$0x0], $0xffff;
	v17 =	vor.u32 v0, v31  }
0x1dd: {  	v1 =	vshrl.u32 v1, $0x8;
	v2 =	vshrl.u32 v2, $0x8;
	v13 =	vshll.u32 v3, $0x8;
	[tilespmem:$0x1FDC0] =	vst v16;
	v31 =	vld.idx.msk [tilespmem:v56+s3+$0x0], $0xffff  }
0x1de: {  	v3 =	vshrl.u32 v3, $0x8;
	v5 =	vshrl.u32 v5, $0x8;
	v10 =	vshrl.u32 v10, $0x8;
	[tilespmem:$0x1FE10] =	vst v45;
	v30 =	vld.idx.msk [tilespmem:v30+s3+$0x0], $0xffff  }
0x1df: {  	v1 =	vand.u32 $0xFFFF00, v1;
	v2 =	vand.u32 $0xFFFF00, v2;
	v13 =	vand.u32 $0xFFFF00, v13;
	[tilespmem:$0x1FDD0] =	vst v62;
	v12 =	vld.idx.msk [tilespmem:v12+s3+$0x0], $0xffff  }
0x1e0: {  	s13 =	sadd.s32 $0x500, s13;
	v3 =	vand.u32 $0xFFFF00, v3;
	v5 =	vand.u32 $0xFFFF00, v5;
	v48 =	vand.u32 $0xFFFF00, v52;
	[tilespmem:$0x1FDE0] =	vst v7;
	v14 =	vld.idx.msk [tilespmem:v14+s3+$0x0], $0xffff  }
0x1e1: {  	v10 =	vand.u32 $0xFFFF00, v10;
	v25 =	vshll.u32 v20, $0x8;
	v47 =	vor.u32 v15, v2;
	v33 =	vld.idx.msk [tilespmem:v17+s3+$0x0], $0xffff;
	[tilespmem:s13+$0x270] =	vst v34  }
0x1e2: {  	v20 =	vshrl.u32 v20, $0x8;
	v46 =	vor.u32 v8, v13;
	v13 =	vor.u32 v6, v13;
	v17 =	vld [tilespmem:s11+$0xFFFFFFF0];
	[tilespmem:s13+$0x180] =	vst v37  }
0x1e3: {  	v9 =	vor.u32 v63, v9;
	v25 =	vand.u32 $0xFFFF00, v25;
	v32 =	vand.u32 $0xFFFF00, v20;
	v37 =	vld [tilespmem:s11+$0x0];
	[tilespmem:s13+$0x200] =	vst v43  }
0x1e4: {  	v23 =	vshll.u32 v41, $0x8;
	v41 =	vshrl.u32 v41, $0x8;
	v2 =	vor.u32 v11, v2;
	[tilespmem:s13+$0x1A0] =	vst v27;
	v27 =	vld [tilespmem:s11+$0x40]  }
0x1e5: {  	v20 =	vor.u32 v0, v3;
	v3 =	vor.u32 v38, v3;
	v56 =	vor.u32 v58, v5;
	[tilespmem:s13+$0x190] =	vst v44;
	v43 =	vld [tilespmem:s11+$0x50]  }
0x1e6: {  	v19 =	vand.u32 $0xFFFF00, v22;
	v34 =	vor.u32 v40, v1;
	v1 =	vor.u32 v28, v1;
	[tilespmem:s13+$0x210] =	vst v42;
	v47 =	vld.idx.msk [tilespmem:v47+s3+$0x0], $0xffff  }
0x1e7: {  	v5 =	vor.u32 v59, v5;
	v22 =	vor.u32 v60, v21;
	v52 =	vshrl.u32 v53, $0x8;
	[tilespmem:s13+$0x1B0] =	vst v29;
	v36 =	vld.idx.msk [tilespmem:v13+s3+$0x0], $0xffff  }
0x1e8: {  	v23 =	vand.u32 $0xFFFF00, v23;
	v45 =	vor.u32 v15, v10;
	v10 =	vor.u32 v11, v10;
	[tilespmem:s13+$0x1C0] =	vst v24  }
0x1e9: {  	v9 =	vld.idx.msk [tilespmem:v9+s3+$0x0], $0xffff;
	v24 =	vshll.u32 v53, $0x8;
	[tilespmem:s13+$0x1E0] =	vst v31;
	v31 =	vand.u32 $0xFFFF00, v41;
	v42 =	vor.u32 v40, v48  }
0x1ea: {  	v29 =	vld [tilespmem:s11+$0xFFFFFF60];
	v13 =	vor.u32 v59, v50;
	v16 =	vshll.u32 v17, $0x8;
	v17 =	vshrl.u32 v17, $0x8;
	[tilespmem:s13+$0x260] =	vst v14  }
0x1eb: {  	v21 =	vshll.u32 v37, $0x8;
	v37 =	vshrl.u32 v37, $0x8;
	v53 =	vshll.u32 v27, $0x8;
	v1 =	vld.idx.msk [tilespmem:v1+s3+$0x0], $0xffff;
	[tilespmem:$0x1FE20] =	vst v47  }
0x1ec: {  	v62 =	vshrl.u32 v43, $0x8;
	v14 =	vand.u32 $0xFFFF00, v24;
	v24 =	vand.u32 $0xFFFF00, v52;
	v52 =	vld.idx.msk [tilespmem:v2+s3+$0x0], $0xffff;
	[tilespmem:$0x1FE40] =	vst v36  }
0x1ed: {  	v36 =	vld.idx.msk [tilespmem:v20+s3+$0x0], $0xffff;
	v2 =	vor.u32 v63, v51;
	v47 =	vor.u32 v0, v32;
	v32 =	vor.u32 v38, v32  }
0x1ee: {  	[tilespmem:s13+$0x220] =	vst v26;
	v20 =	vld.idx.msk [tilespmem:v49+s3+$0x0], $0xffff;
	v49 =	vor.u32 v58, v50;
	v26 =	vand.u32 $0xFFFF00, v16;
	v44 =	vand.u32 $0xFFFF00, v17  }
0x1ef: {  	[tilespmem:s13+$0x230] =	vst v4;
	v4 =	vand.u32 $0xFFFF00, v21;
	v7 =	vand.u32 $0xFFFF00, v37;
	v16 =	vld.idx.msk [tilespmem:v34+s3+$0x0], $0xffff;
	v34 =	vand.u32 $0xFFFF00, v54  }
0x1f0: {  	[tilespmem:s13+$0x240] =	vst v35;
	v5 =	vld.idx.msk [tilespmem:v5+s3+$0x0], $0xffff;
	v54 =	vshll.u32 v43, $0x8;
	v43 =	vshll.u32 v29, $0x8;
	v29 =	vshrl.u32 v29, $0x8  }
0x1f1: {  	[tilespmem:s13+$0x250] =	vst v12;
	v35 =	vand.u32 $0xFFFF00, v53;
	v37 =	vand.u32 $0xFFFF00, v62;
	v62 =	vld.idx.msk [tilespmem:v46+s3+$0x0], $0xffff;
	v46 =	vor.u32 v8, v25  }
0x1f2: {  	[tilespmem:s13+$0x1F0] =	vst v33;
	v21 =	vld.idx.msk [tilespmem:v3+s3+$0x0], $0xffff;
	v25 =	vor.u32 v6, v25;
	v3 =	vlaneseq.u32;
	v12 =	vand.u32 $0xFFFF00, v43  }
0x1f3: {  	v22 =	vld.idx.msk [tilespmem:v22+s3+$0x0], $0xffff;
	v29 =	vand.u32 $0xFFFF00, v29;
	v33 =	vand.u32 $0xFFFF00, v54;
	v43 =	vor.u32 v18, v51;
	[tilespmem:$0x1FE00] =	vst v1  }
0x1f4: {  	v50 =	vor.u32 v60, v26;
	v26 =	vor.u32 v61, v26;
	v51 =	vor.u32 v40, v44;
	[tilespmem:$0x1FE30] =	vst v52  }
0x1f5: {  	v10 =	vld.idx.msk [tilespmem:v10+s3+$0x0], $0xffff;
	v54 =	vor.u32 v58, v29;
	v29 =	vor.u32 v59, v29;
	[tilespmem:$0x1FDF0] =	vst v16;
	v16 =	vlaneseq.u32  }
0x1f6: {  	v1 =	vor.u32 v28, v48;
	v52 =	vor.u32 v18, v4;
	v32 =	vld.idx.msk [tilespmem:v32+s3+$0x0], $0xffff;
	v53 =	vor.u32 v16, v12  }
0x1f7: {  	v25 =	vld.idx.msk [tilespmem:v25+s3+$0x0], $0xffff;
	v12 =	vor.u32 v57, v12;
	v48 =	vor.u32 v16, v19;
	v19 =	vor.u32 v57, v19  }
0x1f8: {  	v16 =	vor.u32 v63, v4;
	v4 =	vld.idx.msk [tilespmem:v56+s3+$0x0], $0xffff;
	v56 =	vor.u32 v3, v23;
	v23 =	vor.u32 v57, v23  }
0x1f9: {  	v57 =	vor.u32 v58, v31;
	v31 =	vor.u32 v59, v31;
	v59 =	vor.u32 v40, v24;
	v40 =	vld [tilespmem:$0x1FDC0]  }
0x1fa: {  	v44 =	vor.u32 v28, v44;
	v58 =	vor.u32 v60, v14;
	v60 =	vor.u32 v28, v24;
	v28 =	vld.idx.msk [tilespmem:v2+s3+$0x0], $0xffff  }
0x1fb: {  	v50 =	vld.idx.msk [tilespmem:v50+s3+$0x0], $0xffff  }
0x1fc: {  	v14 =	vor.u32 v61, v14;
	v61 =	vor.u32 v18, v35;
	v18 =	vld.idx.msk [tilespmem:v26+s3+$0x0], $0xffff  }
0x1fd: {  	v27 =	vshrl.u32 v27, $0x8;
	v51 =	vld.idx.msk [tilespmem:v51+s3+$0x0], $0xffff  }
0x1fe: {  	v27 =	vand.u32 $0xFFFF00, v27;
	v41 =	vld.idx.msk [tilespmem:v54+s3+$0x0], $0xffff  }
0x1ff: {  	v63 =	vor.u32 v63, v35;
	v35 =	vor.u32 v15, v27;
	v29 =	vld.idx.msk [tilespmem:v29+s3+$0x0], $0xffff  }
0x200: {  	[tilespmem:$0x1FE50] =	vst v35;
	v35 =	vld [tilespmem:$0x1FDE0]  }
0x201: {  	v52 =	vld.idx.msk [tilespmem:v52+s3+$0x0], $0xffff  }
0x202: {  	[tilespmem:s13+$0x1D0] =	vst v30;
	v30 =	vand.u32 $0xFFFF00, v39;
	v39 =	vld.idx.msk [tilespmem:v53+s3+$0x0], $0xffff  }
0x203: {  	v12 =	vld.idx.msk [tilespmem:v12+s3+$0x0], $0xffff  }
0x204: {  	v17 =	vor.u32 v11, v7;
	v53 =	vor.u32 v15, v7;
	v7 =	vld.idx.msk [tilespmem:v55+s3+$0x0], $0xffff  }
0x205: {  	[tilespmem:s13+$0xFFFFFE40] =	vst v9;
	v9 =	vld.idx.msk [tilespmem:v48+s3+$0x0], $0xffff  }
0x206: {  	v48 =	vld.idx.msk [tilespmem:v13+s3+$0x0], $0xffff  }
0x207: {  	v15 =	vld.idx.msk [tilespmem:v44+s3+$0x0], $0xffff  }
0x208: {  	[tilespmem:s13+$0xFFFFFDE0] =	vst v62;
	v26 =	vld.idx.msk [tilespmem:v63+s3+$0x0], $0xffff  }
0x209: {  	[tilespmem:s13+$0xFFFFFE10] =	vst v29;
	v29 =	vld.idx.msk [tilespmem:v45+s3+$0x0], $0xffff  }
0x20a: {  	[tilespmem:s13+$0xFFFFFD90] =	vst v41;
	v41 =	vld.idx.msk [tilespmem:v47+s3+$0x0], $0xffff  }
0x20b: {  	[tilespmem:s13+$0xFFFFFDF0] =	vst v36;
	v47 =	vld.idx.msk [tilespmem:v49+s3+$0x0], $0xffff  }
0x20c: {  	v55 =	vor.u32 v0, v30;
	v0 =	vor.u32 v0, v37;
	[tilespmem:s13+$0xFFFFFE70] =	vst v21;
	v49 =	vld [tilespmem:$0x1FE40]  }
0x20d: {  	[tilespmem:$0x1FE80] =	vst v0;
	v24 =	vld.idx.msk [tilespmem:v40+s3+$0x0], $0xffff  }
0x20e: {  	[tilespmem:s13+$0xFFFFFE20] =	vst v35;
	v40 =	vor.u32 v11, v27;
	v27 =	vld.idx.msk [tilespmem:v42+s3+$0x0], $0xffff  }
0x20f: {  	v42 =	vor.u32 v8, v33;
	v11 =	vor.u32 v6, v33;
	v33 =	vld [tilespmem:$0x1FDD0];
	[tilespmem:$0x1FE60] =	vst v40  }
0x210: {  	v45 =	vld.idx.msk [tilespmem:v19+s3+$0x0], $0xffff;
	[tilespmem:$0x1FE70] =	vst v11  }
0x211: {  	v19 =	vld.idx.msk [tilespmem:v17+s3+$0x0], $0xffff;
	[tilespmem:s13+$0xFFFFFD80] =	vst v39  }
0x212: {  	v63 =	vld [tilespmem:$0x1FE80];
	[tilespmem:s13+$0xFFFFFE00] =	vst v12  }
0x213: {  	v54 =	vor.u32 v8, v34;
	v8 =	vld.idx.msk [tilespmem:v1+s3+$0x0], $0xffff;
	[tilespmem:s13+$0xFFFFFE60] =	vst v49  }
0x214: {  	v12 =	vld.idx.msk [tilespmem:v43+s3+$0x0], $0xffff;
	[tilespmem:s13+$0xFFFFFDA0] =	vst v33  }
0x215: {  	v33 =	vld.idx.msk [tilespmem:v46+s3+$0x0], $0xffff;
	[tilespmem:s13+$0xFFFFFE80] =	vst v20  }
0x216: {  	v40 =	vld [tilespmem:$0x1FE10];
	[tilespmem:s13+$0xFFFFFF00] =	vst v7  }
0x217: {  	v30 =	vor.u32 v38, v30;
	v39 =	vor.u32 v38, v37;
	v37 =	vld [tilespmem:$0x1FDF0];
	[tilespmem:s13+$0xFFFFFE90] =	vst v4  }
0x218: {  	v38 =	vld [tilespmem:$0x1FE00];
	[tilespmem:s13+$0xFFFFFF10] =	vst v5  }
0x219: {  	v43 =	vld [tilespmem:$0x1FE20];
	[tilespmem:s13+$0xFFFFFEA0] =	vst v22  }
0x21a: {  	v21 =	vld.idx.msk [tilespmem:v53+s3+$0x0], $0xffff;
	[tilespmem:s13+$0xFFFFFF20] =	vst v24  }
0x21b: {  	v35 =	vld.idx.msk [tilespmem:v55+s3+$0x0], $0xffff;
	[tilespmem:s13+$0xFFFFFEB0] =	vst v27  }
0x21c: {  	v36 =	vld.idx.msk [tilespmem:v30+s3+$0x0], $0xffff;
	[tilespmem:s13+$0xFFFFFF30] =	vst v8  }
0x21d: {  	v34 =	vor.u32 v6, v34;
	v30 =	vld.idx.msk [tilespmem:v14+s3+$0x0], $0xffff;
	[tilespmem:s13+$0xFFFFFF40] =	vst v28  }
0x21e: {  	v62 =	vld [tilespmem:$0x1FE70];
	[tilespmem:s13+$0xFFFFFED0] =	vst v29  }
0x21f: {  	v46 =	vld [tilespmem:$0x1FE30];
	[tilespmem:s13+$0xFFFFFF50] =	vst v10  }
0x220: {  	v20 =	vld.idx.msk [tilespmem:v16+s3+$0x0], $0xffff;
	[tilespmem:s13+$0xFFFFFF60] =	vst v25  }
0x221: {  	v24 =	vld.idx.msk [tilespmem:v54+s3+$0x0], $0xffff;
	[tilespmem:s13+$0xFFFFFEF0] =	vst v41  }
0x222: {  	v27 =	vld.idx.msk [tilespmem:v34+s3+$0x0], $0xffff;
	[tilespmem:s13+$0xFFFFFF70] =	vst v32  }
0x223: {  	v34 =	vld.idx.msk [tilespmem:v57+s3+$0x0], $0xffff;
	[tilespmem:s13+$0xFFFFFF80] =	vst v9  }
0x224: {  	v28 =	vld.idx.msk [tilespmem:v31+s3+$0x0], $0xffff;
	[tilespmem:s13+$0x0] =	vst v45  }
0x225: {  	v29 =	vld.idx.msk [tilespmem:v58+s3+$0x0], $0xffff;
	[tilespmem:s13+$0xFFFFFF90] =	vst v47  }
0x226: {  	v31 =	vld.idx.msk [tilespmem:v59+s3+$0x0], $0xffff;
	[tilespmem:s13+$0x10] =	vst v48  }
0x227: {  	v32 =	vld.idx.msk [tilespmem:v60+s3+$0x0], $0xffff;
	[tilespmem:s13+$0xFFFFFFA0] =	vst v50  }
0x228: {  	v60 =	vld [tilespmem:$0x1FE50];
	[tilespmem:s13+$0x20] =	vst v18  }
0x229: {  	[tilespmem:s13+$0xFFFFFEE0] =	vst v33;
	v33 =	vld.idx.msk [tilespmem:v61+s3+$0x0], $0xffff  }
0x22a: {  	[tilespmem:s13+$0xFFFFFFB0] =	vst v51;
	v61 =	vld [tilespmem:$0x1FE60]  }
0x22b: {  	v22 =	vld.idx.msk [tilespmem:v42+s3+$0x0], $0xffff;
	[tilespmem:s13+$0x30] =	vst v15  }
0x22c: {  	s10 =	sadd.s32 $0x5, s10;
	[tilespmem:s13+$0xFFFFFDB0] =	vst v37;
	v37 =	vld.idx.msk [tilespmem:v56+s3+$0x0], $0xffff  }
0x22d: {  	p0 =	slt.u32 s10, $0x14;
	[tilespmem:s13+$0xFFFFFE30] =	vst v38;
	v38 =	vld.idx.msk [tilespmem:v23+s3+$0x0], $0xffff  }
.Ltmp3:
0x22e: {  	[tilespmem:s13+$0xFFFFFFC0] =	vst v52;
	v17 =	vld.idx.msk [tilespmem:v63+s3+$0x0], $0xffff;
	(pc) =	sbr.rel @p0 .LBB2_6-.Ltmp3, $4  }
0x22f: {  	[tilespmem:s13+$0xFFFFFDC0] =	vst v40;
	v16 =	vld.idx.msk [tilespmem:v39+s3+$0x0], $0xffff  }
0x230: {  	[tilespmem:s13+$0xFFFFFDD0] =	vst v43;
	v41 =	vld.idx.msk [tilespmem:v62+s3+$0x0], $0xffff  }
0x231: {  	[tilespmem:s13+$0xFFFFFEC0] =	vst v12;
	v25 =	vld.idx.msk [tilespmem:v60+s3+$0x0], $0xffff  }
0x232: {  	s11 =	sadd.s32 $0x140, s11;
	[tilespmem:s13+$0xFFFFFE50] =	vst v46;
	v23 =	vld.idx.msk [tilespmem:v61+s3+$0x0], $0xffff  }
0x233: {  	[tilespmem:s13+$0x40] =	vst v20  }
0x234: {  	[tilespmem:s13+$0xFFFFFFD0] =	vst v21  }
0x235: {  	[tilespmem:s13+$0x50] =	vst v19  }
0x236: {  	[tilespmem:s13+$0xFFFFFFE0] =	vst v24  }
0x237: {  	[tilespmem:s13+$0x60] =	vst v27  }
0x238: {  	[tilespmem:s13+$0xFFFFFFF0] =	vst v35  }
0x239: {  	[tilespmem:s13+$0x70] =	vst v36  }
0x23a: {  	[tilespmem:s13+$0x80] =	vst v37  }
0x23b: {  	[tilespmem:s13+$0x100] =	vst v38  }
0x23c: {  	[tilespmem:s13+$0x90] =	vst v34  }
0x23d: {  	[tilespmem:s13+$0x110] =	vst v28  }
0x23e: {  	[tilespmem:s13+$0xA0] =	vst v29  }
0x23f: {  	[tilespmem:s13+$0x120] =	vst v30  }
0x240: {  	[tilespmem:s13+$0xB0] =	vst v31  }
0x241: {  	[tilespmem:s13+$0x130] =	vst v32  }
0x242: {  	[tilespmem:s13+$0xC0] =	vst v33  }
0x243: {  	[tilespmem:s13+$0x140] =	vst v26  }
0x244: {  	[tilespmem:s13+$0xE0] =	vst v22  }
0x245: {  	[tilespmem:s13+$0xF0] =	vst v17  }
.Ltmp4:
0x246: {  	[tilespmem:s13+$0x170] =	vst v16;
	(pc) =	sbr.rel @p1 .LBB2_9-.Ltmp4, $4  }
0x247: {  	s10 =	sadd.s32 s14, s30;
	[tilespmem:s13+$0x160] =	vst v41  }
0x248: {  	s10 =	sshrl.u32 s10, $0x3;
	[tilespmem:s13+$0xD0] =	vst v25  }
0x249: {  	s10 =	sadd.s32 s2, s10;
	[tilespmem:s13+$0x150] =	vst v23  }
0x24a: {  	[hbm4b:s10+s17] =	stream.strided.scatter [tilespmem:s29], [sflag:$0x6], $0x1900, s18, s17, $0x38;
	[tilespmem:$0x1CE80] =	vst v63  }
0x24b: {  	v0 =	vld [tilespmem:$0x1FF10]  }
0x24c: {  	v1 =	vld [tilespmem:$0x1FF20]  }
0x24d: {  	v2 =	vld [tilespmem:$0x1FF30]  }
.Ltmp5:
0x24e: {  	v3 =	vld [tilespmem:$0x1FF40];
	(pc) =	sbr.rel .LBB2_3-.Ltmp5, $4  }
0x24f: {  	s10 =	sadd.s32 s8, s24;
	v4 =	vld [tilespmem:$0x1FF50]  }
0x250: {  	v5 =	vld [tilespmem:$0x1FF60];
	s10 =	sshrl.u32 s10, $0x4  }
0x251: {  	s15 =	sadd.s32 $0x1, s15;
	v6 =	vld [tilespmem:$0x1FF70];
	s10 =	sadd.s32 s5, s10  }
0x252: {  	v8 =	vlaneseq.u32;
	v7 =	vld [tilespmem:$0x1FF80];
	[tilespmem:s23], [sflag:$0x4] =	stream.strided.gather [hbm4b:s10+s20], $0x640, s21, s20, $0x38  }
.LBB2_9:
0x253: {  	[tilespmem:s23], [sflag:$0x4] =	stream.strided.gather [hbm4b:s9+s20], $0x640, s21, s20, $0x38;
	[tilespmem:$0x1CE80] =	vst v63  }
0x254: {  	s9 =	sadd.s32 $0x1, s4;
	p0 =	seq.s32 s4, $0xF  }
0x255: {  	s1 =	sadd.s32 @!p0 s6, s9  }
0x256: {  	s4 =	rddreg [dreg:$0x8];
	s1 =	sshll.u32 @!p0 s1, $0xA  }
0x257: {  	s14 =	simm.s32 $0x2;
	s1 =	sadd.s32 @!p0 s4, s1  }
0x258: {  	s10 =	simm.s32 @!p0 $0x40000;
	s4 =	rddreg [dreg:$0x0];
	s1 =	sshrl.u32 @!p0 s1, $0x3  }
0x259: {  	s11 =	simm.s32 @!p0 $0x0;
	s1 =	sadd.s32 @!p0 s4, s1;
	s4 =	simm.s32 @!p0 $0x100  }
0x25a: {  	[tilespmem:s11], [sflag:$0x1] =	stream.strided.gather @!p0 [hbm4b:s1+s4], $0xC800, s10, s4, $0x38;
	[tilespmem:$0x1CE80] =	vst v63  }
0x25b: {  	_ =	swait.ge [sflag:s14], $0xC800  }
0x25c: {  	s15 =	rddreg [dreg:$0xa]  }
0x25d: {  	s16 =	sadd.s32 $0x8, s16;
	[sflag:s14] =	ssyncset.done $0x0;
	s24 =	rddreg [dreg:$0xc]  }
0x25e: {  	s30 =	rddreg [dreg:$0x7];
	[sflag:s14] =	ssyncadd.s32 $0xFFFF3800;
	s4 =	sor.u32 s12, s15  }
0x25f: {  	s12 =	sadd.s32 s24, s12;
	s1 =	sadd.s32 s16, s30;
	s14 =	simm.s32 $0x0  }
.LBB2_10:
0x260: {  	_ =	swait.ge [sflag:s25], $0x640  }
0x261: {  	[sflag:s25] =	ssyncset.done $0x0  }
0x262: {  	[sflag:s25] =	ssyncadd.s32 $0xFFFFF9C0  }
0x263: {  	_ =	swait.ge [sflag:s31], $0x1900  }
0x264: {  	v45 =	vld [tilespmem:$0x1FF10]  }
0x265: {  	v46 =	vld [tilespmem:$0x1FF20]  }
0x266: {  	v47 =	vld [tilespmem:$0x1FF30]  }
0x267: {  	v48 =	vld [tilespmem:$0x1FF40]  }
0x268: {  	v49 =	vld [tilespmem:$0x1FF50]  }
0x269: {  	v50 =	vld [tilespmem:$0x1FF60]  }
0x26a: {  	v51 =	vld [tilespmem:$0x1FF70]  }
0x26b: {  	v52 =	vld [tilespmem:$0x1FF80]  }
0x26c: {  	v53 =	vld [tilespmem:$0x1FFF0]  }
0x26d: {  	v54 =	vld [tilespmem:$0x1FF90]  }
0x26e: {  	v55 =	vld [tilespmem:$0x1FFA0]  }
0x26f: {  	v56 =	vld [tilespmem:$0x1FFB0]  }
0x270: {  	v57 =	vld [tilespmem:$0x1FFC0]  }
0x271: {  	[sflag:s31] =	ssyncset.done $0x0;
	v58 =	vld [tilespmem:$0x1FFD0]  }
0x272: {  	s10 =	simm.s32 $0x190A0;
	v59 =	vld [tilespmem:$0x1FFE0];
	[sflag:s31] =	ssyncadd.s32 $0xFFFFE700  }
0x273: {  	v0 =	vld [tilespmem:s10+$0x60]  }
0x274: {  	v1 =	vld [tilespmem:s10+$0xFFFFFF70]  }
0x275: {  	v2 =	vld [tilespmem:s10+$0xFFFFFF80]  }
0x276: {  	v3 =	vld [tilespmem:s10+$0xFFFFFF90]  }
0x277: {  	v4 =	vld [tilespmem:s10+$0x70]  }
0x278: {  	v5 =	vld [tilespmem:s10+$0xFFFFFFA0]  }
0x279: {  	v7 =	vld [tilespmem:s10+$0xFFFFFFB0]  }
0x27a: {  	v24 =	vld [tilespmem:s10+$0xFFFFFFC0]  }
0x27b: {  	v9 =	vld [tilespmem:s10+$0x80]  }
0x27c: {  	v10 =	vld [tilespmem:s10+$0x90];
	v6 =	vshll.u32 v0, $0x8  }
0x27d: {  	v44 =	vlaneseq.u32;
	v23 =	vld [tilespmem:s10+$0xFFFFFFD0];
	v6 =	vand.u32 $0xFFFF00, v6  }
0x27e: {  	v21 =	vld [tilespmem:s10+$0xFFFFFFE0];
	v0 =	vshrl.u32 v0, $0x8;
	v8 =	vor.u32 v44, v6  }
0x27f: {  	v25 =	vld [tilespmem:s10+$0xFFFFFFF0];
	v0 =	vand.u32 $0xFFFF00, v0;
	v6 =	vor.u32 v45, v6  }
0x280: {  	v22 =	vld [tilespmem:s10+$0x0];
	v12 =	vshll.u32 v4, $0x8;
	v11 =	vor.u32 v46, v0  }
0x281: {  	v20 =	vld [tilespmem:s10+$0x10];
	v12 =	vand.u32 $0xFFFF00, v12;
	v0 =	vor.u32 v47, v0  }
0x282: {  	v36 =	vld [tilespmem:s10+$0xFFFFFF60];
	v4 =	vshrl.u32 v4, $0x8;
	v13 =	vor.u32 v48, v12  }
0x283: {  	v4 =	vand.u32 $0xFFFF00, v4;
	v12 =	vor.u32 v49, v12;
	v8 =	vld.idx.msk [tilespmem:v8+s19+$0x0], $0xffff  }
0x284: {  	v15 =	vshll.u32 v9, $0x8;
	v14 =	vor.u32 v50, v4;
	v6 =	vld.idx.msk [tilespmem:v6+s19+$0x0], $0xffff  }
0x285: {  	v16 =	vshrl.u32 v10, $0x8;
	v15 =	vand.u32 $0xFFFF00, v15;
	v4 =	vor.u32 v51, v4;
	v11 =	vld.idx.msk [tilespmem:v11+s19+$0x0], $0xffff  }
0x286: {  	v16 =	vand.u32 $0xFFFF00, v16;
	v17 =	vor.u32 v52, v15;
	v0 =	vld.idx.msk [tilespmem:v0+s19+$0x0], $0xffff  }
0x287: {  	v9 =	vshrl.u32 v9, $0x8;
	v18 =	vor.u32 v53, v16;
	v13 =	vld.idx.msk [tilespmem:v13+s19+$0x0], $0xffff  }
0x288: {  	v9 =	vand.u32 $0xFFFF00, v9;
	v15 =	vor.u32 v54, v15;
	v12 =	vld.idx.msk [tilespmem:v12+s19+$0x0], $0xffff  }
0x289: {  	v19 =	vor.u32 v55, v9;
	v14 =	vld.idx.msk [tilespmem:v14+s19+$0x0], $0xffff  }
0x28a: {  	v9 =	vor.u32 v56, v9;
	v4 =	vld.idx.msk [tilespmem:v4+s19+$0x0], $0xffff  }
0x28b: {  	v16 =	vor.u32 v59, v16;
	v26 =	vld.idx.msk [tilespmem:v17+s19+$0x0], $0xffff  }
0x28c: {  	v37 =	vshll.u32 v3, $0x8;
	v27 =	vld.idx.msk [tilespmem:v18+s19+$0x0], $0xffff  }
0x28d: {  	v37 =	vand.u32 $0xFFFF00, v37;
	v15 =	vld.idx.msk [tilespmem:v15+s19+$0x0], $0xffff  }
0x28e: {  	v3 =	vshrl.u32 v3, $0x8;
	v39 =	vor.u32 v57, v37;
	v28 =	vld.idx.msk [tilespmem:v19+s19+$0x0], $0xffff  }
0x28f: {  	v3 =	vand.u32 $0xFFFF00, v3;
	v37 =	vor.u32 v58, v37;
	v9 =	vld.idx.msk [tilespmem:v9+s19+$0x0], $0xffff  }
0x290: {  	v42 =	vshll.u32 v36, $0x8;
	v41 =	vor.u32 v59, v3;
	v30 =	vld.idx.msk [tilespmem:v16+s19+$0x0], $0xffff  }
0x291: {  	v60 =	vshrl.u32 v36, $0x8;
	v42 =	vand.u32 $0xFFFF00, v42;
	v3 =	vor.u32 v53, v3;
	v19 =	vld [tilespmem:s10+$0x20]  }
0x292: {  	v61 =	vand.u32 $0xFFFF00, v60;
	v36 =	vor.u32 v44, v42;
	v18 =	vld [tilespmem:s10+$0x30]  }
0x293: {  	v10 =	vshll.u32 v10, $0x8;
	v62 =	vor.u32 v45, v42;
	v42 =	vor.u32 v47, v61;
	v39 =	vld.idx.msk [tilespmem:v39+s19+$0x0], $0xffff  }
0x294: {  	v10 =	vand.u32 $0xFFFF00, v10;
	v37 =	vld.idx.msk [tilespmem:v37+s19+$0x0], $0xffff  }
0x295: {  	v17 =	vor.u32 v57, v10;
	v41 =	vld.idx.msk [tilespmem:v41+s19+$0x0], $0xffff  }
0x296: {  	v40 =	vshll.u32 v5, $0x8;
	v10 =	vor.u32 v58, v10;
	v16 =	vshll.u32 v1, $0x8;
	v3 =	vld.idx.msk [tilespmem:v3+s19+$0x0], $0xffff  }
0x297: {  	v63 =	vshrl.u32 v5, $0x8;
	v40 =	vand.u32 $0xFFFF00, v40;
	v36 =	vld.idx.msk [tilespmem:v36+s19+$0x0], $0xffff;
	v16 =	vand.u32 $0xFFFF00, v16  }
0x298: {  	v5 =	vld.idx.msk [tilespmem:v42+s19+$0x0], $0xffff;
	v31 =	vor.u32 v48, v16;
	v32 =	vor.u32 v49, v16;
	v16 =	vshll.u32 v2, $0x8  }
0x299: {  	v43 =	vor.u32 v45, v40;
	v34 =	vand.u32 $0xFFFF00, v16;
	v16 =	vld [tilespmem:s10+$0x50]  }
0x29a: {  	v1 =	vshrl.u32 v1, $0x8;
	v29 =	vld.idx.msk [tilespmem:v17+s19+$0x0], $0xffff  }
0x29b: {  	v1 =	vand.u32 $0xFFFF00, v1;
	v10 =	vld.idx.msk [tilespmem:v10+s19+$0x0], $0xffff  }
0x29c: {  	s24 =	simm.s32 $0x19F00;
	v33 =	vor.u32 v50, v1;
	v17 =	vld [tilespmem:s10+$0x40]  }
0x29d: {  	v1 =	vor.u32 v51, v1;
	[tilespmem:s24+$0x180] =	vst v8;
	v8 =	vld.idx.msk [tilespmem:v62+s19+$0x0], $0xffff  }
0x29e: {  	v2 =	vshrl.u32 v2, $0x8;
	v35 =	vor.u32 v52, v34;
	[tilespmem:s24+$0x200] =	vst v6;
	v6 =	vld.idx.msk [tilespmem:v43+s19+$0x0], $0xffff  }
0x29f: {  	v2 =	vand.u32 $0xFFFF00, v2;
	v34 =	vor.u32 v54, v34;
	v31 =	vld.idx.msk [tilespmem:v31+s19+$0x0], $0xffff  }
0x2a0: {  	v38 =	vor.u32 v55, v2;
	[tilespmem:s24+$0x270] =	vst v27;
	v32 =	vld.idx.msk [tilespmem:v32+s19+$0x0], $0xffff  }
0x2a1: {  	v2 =	vor.u32 v56, v2;
	[tilespmem:s24+$0x190] =	vst v11;
	v33 =	vld.idx.msk [tilespmem:v33+s19+$0x0], $0xffff  }
0x2a2: {  	v42 =	vshll.u32 v21, $0x8;
	v21 =	vshrl.u32 v21, $0x8;
	v27 =	vor.u32 v44, v40;
	[tilespmem:s24+$0x210] =	vst v0;
	v1 =	vld.idx.msk [tilespmem:v1+s19+$0x0], $0xffff  }
0x2a3: {  	v21 =	vand.u32 $0xFFFF00, v21;
	v11 =	vor.u32 v46, v61;
	[tilespmem:s24+$0x1A0] =	vst v13;
	v35 =	vld.idx.msk [tilespmem:v35+s19+$0x0], $0xffff  }
0x2a4: {  	v0 =	vand.u32 $0xFFFF00, v63;
	[tilespmem:s24+$0x1F0] =	vst v30;
	v30 =	vor.u32 v46, v21;
	v21 =	vor.u32 v47, v21;
	v34 =	vld.idx.msk [tilespmem:v34+s19+$0x0], $0xffff  }
0x2a5: {  	[tilespmem:s24+$0x1C0] =	vst v26;
	v26 =	vshll.u32 v24, $0x8;
	v60 =	vor.u32 v46, v0;
	v38 =	vld.idx.msk [tilespmem:v38+s19+$0x0], $0xffff  }
0x2a6: {  	[tilespmem:s24+$0x220] =	vst v12;
	v0 =	vor.u32 v47, v0;
	v26 =	vand.u32 $0xFFFF00, v26;
	v2 =	vld.idx.msk [tilespmem:v2+s19+$0x0], $0xffff  }
0x2a7: {  	[tilespmem:s24+$0x1B0] =	vst v14;
	v24 =	vshrl.u32 v24, $0x8;
	v63 =	vor.u32 v52, v26;
	v13 =	vld.idx.msk [tilespmem:v27+s19+$0x0], $0xffff  }
0x2a8: {  	[tilespmem:s24+$0x230] =	vst v4;
	v24 =	vand.u32 $0xFFFF00, v24;
	v26 =	vor.u32 v54, v26;
	v11 =	vld.idx.msk [tilespmem:v11+s19+$0x0], $0xffff  }
0x2a9: {  	v40 =	vor.u32 v55, v24;
	[tilespmem:s24+$0xFFFFFDE0] =	vst v39;
	v39 =	vld.idx.msk [tilespmem:v21+s19+$0x0], $0xffff  }
0x2aa: {  	[tilespmem:s24+$0x240] =	vst v15;
	v24 =	vor.u32 v56, v24;
	v27 =	vshll.u32 v7, $0x8;
	v12 =	vld.idx.msk [tilespmem:v60+s19+$0x0], $0xffff  }
0x2ab: {  	[tilespmem:s24+$0x1D0] =	vst v28;
	v61 =	vand.u32 $0xFFFF00, v27;
	v0 =	vld.idx.msk [tilespmem:v0+s19+$0x0], $0xffff  }
0x2ac: {  	v7 =	vshrl.u32 v7, $0x8;
	[tilespmem:s24+$0xFFFFFE00] =	vst v8;
	v62 =	vor.u32 v48, v61;
	v8 =	vld.idx.msk [tilespmem:v63+s19+$0x0], $0xffff  }
0x2ad: {  	[tilespmem:s24+$0x250] =	vst v9;
	v7 =	vand.u32 $0xFFFF00, v7;
	v14 =	vor.u32 v49, v61;
	v26 =	vld.idx.msk [tilespmem:v26+s19+$0x0], $0xffff  }
0x2ae: {  	[tilespmem:s24+$0x260] =	vst v10;
	v15 =	vor.u32 v50, v7;
	v10 =	vld.idx.msk [tilespmem:v40+s19+$0x0], $0xffff  }
0x2af: {  	[tilespmem:s24+$0x1E0] =	vst v29;
	v27 =	vshll.u32 v23, $0x8;
	v60 =	vand.u32 $0xFFFF00, v42;
	v7 =	vor.u32 v51, v7;
	v29 =	vld.idx.msk [tilespmem:v24+s19+$0x0], $0xffff  }
0x2b0: {  	[tilespmem:s24+$0xFFFFFE10] =	vst v5;
	v27 =	vand.u32 $0xFFFF00, v27;
	v5 =	vor.u32 v45, v60;
	v40 =	vld.idx.msk [tilespmem:v30+s19+$0x0], $0xffff  }
0x2b1: {  	[tilespmem:s24+$0xFFFFFD80] =	vst v36;
	v23 =	vshrl.u32 v23, $0x8;
	v28 =	vor.u32 v57, v27;
	v4 =	vld.idx.msk [tilespmem:v62+s19+$0x0], $0xffff  }
0x2b2: {  	[tilespmem:s24+$0xFFFFFE60] =	vst v37;
	v23 =	vand.u32 $0xFFFF00, v23;
	v27 =	vor.u32 v58, v27;
	v14 =	vld.idx.msk [tilespmem:v14+s19+$0x0], $0xffff  }
0x2b3: {  	[tilespmem:s24+$0xFFFFFDF0] =	vst v41;
	v43 =	vor.u32 v59, v23;
	v15 =	vld.idx.msk [tilespmem:v15+s19+$0x0], $0xffff  }
0x2b4: {  	[tilespmem:s24+$0xFFFFFE70] =	vst v3;
	v24 =	vshll.u32 v25, $0x8;
	v61 =	vor.u32 v53, v23;
	v7 =	vld.idx.msk [tilespmem:v7+s19+$0x0], $0xffff  }
0x2b5: {  	[tilespmem:s24+$0xFFFFFDA0] =	vst v31;
	v23 =	vor.u32 v44, v60;
	v62 =	vand.u32 $0xFFFF00, v24;
	v5 =	vld.idx.msk [tilespmem:v5+s19+$0x0], $0xffff  }
0x2b6: {  	[tilespmem:s24+$0xFFFFFE20] =	vst v32;
	v24 =	vshrl.u32 v25, $0x8;
	v28 =	vld.idx.msk [tilespmem:v28+s19+$0x0], $0xffff;
	v25 =	vor.u32 v48, v62  }
0x2b7: {  	[tilespmem:s24+$0xFFFFFE30] =	vst v1;
	v31 =	vld.idx.msk [tilespmem:v27+s19+$0x0], $0xffff;
	v24 =	vand.u32 $0xFFFF00, v24;
	v1 =	vor.u32 v49, v62  }
0x2b8: {  	[tilespmem:s24+$0xFFFFFD90] =	vst v11;
	v11 =	vld.idx.msk [tilespmem:v43+s19+$0x0], $0xffff;
	v27 =	vshll.u32 v22, $0x8;
	v63 =	vor.u32 v50, v24  }
0x2b9: {  	[tilespmem:s24+$0xFFFFFDB0] =	vst v33;
	v9 =	vld.idx.msk [tilespmem:v61+s19+$0x0], $0xffff;
	v33 =	vand.u32 $0xFFFF00, v27;
	v24 =	vor.u32 v51, v24  }
0x2ba: {  	[tilespmem:s24+$0xFFFFFDC0] =	vst v35;
	v23 =	vld.idx.msk [tilespmem:v23+s19+$0x0], $0xffff;
	v22 =	vshrl.u32 v22, $0x8;
	v27 =	vor.u32 v52, v33  }
0x2bb: {  	[tilespmem:s24+$0xFFFFFE50] =	vst v2;
	v21 =	vand.u32 $0xFFFF00, v22;
	v22 =	vshll.u32 v20, $0x8;
	v2 =	vor.u32 v54, v33;
	v42 =	vld.idx.msk [tilespmem:v25+s19+$0x0], $0xffff  }
0x2bc: {  	[tilespmem:s24+$0xFFFFFE40] =	vst v34;
	v34 =	vand.u32 $0xFFFF00, v22;
	v22 =	vor.u32 v56, v21;
	v1 =	vld.idx.msk [tilespmem:v1+s19+$0x0], $0xffff  }
0x2bd: {  	[tilespmem:s24+$0xFFFFFDD0] =	vst v38;
	v35 =	vor.u32 v57, v34;
	v41 =	vld.idx.msk [tilespmem:v63+s19+$0x0], $0xffff  }
0x2be: {  	[tilespmem:s24+$0xFFFFFE80] =	vst v13;
	v20 =	vshrl.u32 v20, $0x8;
	v3 =	vor.u32 v58, v34;
	v43 =	vld.idx.msk [tilespmem:v24+s19+$0x0], $0xffff  }
0x2bf: {  	[tilespmem:s24+$0xFFFFFF00] =	vst v6;
	v25 =	vor.u32 v55, v21;
	v21 =	vand.u32 $0xFFFF00, v20;
	v6 =	vld.idx.msk [tilespmem:v27+s19+$0x0], $0xffff  }
0x2c0: {  	[tilespmem:s24+$0xFFFFFE90] =	vst v12;
	v24 =	vshll.u32 v19, $0x8;
	v36 =	vor.u32 v59, v21;
	v20 =	vld.idx.msk [tilespmem:v2+s19+$0x0], $0xffff  }
0x2c1: {  	[tilespmem:s24+$0xFFFFFF10] =	vst v0;
	v38 =	vor.u32 v53, v21;
	v37 =	vand.u32 $0xFFFF00, v24;
	v22 =	vld.idx.msk [tilespmem:v22+s19+$0x0], $0xffff  }
0x2c2: {  	[tilespmem:s24+$0xFFFFFEA0] =	vst v4;
	v19 =	vshrl.u32 v19, $0x8;
	v4 =	vor.u32 v44, v37;
	v24 =	vld.idx.msk [tilespmem:v35+s19+$0x0], $0xffff  }
0x2c3: {  	[tilespmem:s24+$0xFFFFFEC0] =	vst v8;
	v19 =	vand.u32 $0xFFFF00, v19;
	v0 =	vor.u32 v45, v37;
	v27 =	vld.idx.msk [tilespmem:v3+s19+$0x0], $0xffff  }
0x2c4: {  	v60 =	vshll.u32 v18, $0x8;
	[tilespmem:s24+$0xFFFFFF40] =	vst v26;
	v61 =	vor.u32 v46, v19;
	v21 =	vld.idx.msk [tilespmem:v25+s19+$0x0], $0xffff  }
0x2c5: {  	v62 =	vand.u32 $0xFFFF00, v60;
	[tilespmem:s24+$0xFFFFFED0] =	vst v10;
	v63 =	vor.u32 v47, v19;
	v35 =	vld.idx.msk [tilespmem:v36+s19+$0x0], $0xffff  }
0x2c6: {  	[tilespmem:s24+$0xFFFFFF50] =	vst v29;
	v44 =	vshrl.u32 v18, $0x8;
	v45 =	vor.u32 v48, v62;
	v36 =	vld.idx.msk [tilespmem:v38+s19+$0x0], $0xffff  }
0x2c7: {  	[tilespmem:s24+$0xFFFFFF20] =	vst v14;
	v3 =	vor.u32 v49, v62;
	v46 =	vand.u32 $0xFFFF00, v44;
	v37 =	vld.idx.msk [tilespmem:v4+s19+$0x0], $0xffff  }
0x2c8: {  	[tilespmem:s24+$0xFFFFFEB0] =	vst v15;
	v47 =	vshll.u32 v17, $0x8;
	v48 =	vor.u32 v50, v46;
	v38 =	vld.idx.msk [tilespmem:v0+s19+$0x0], $0xffff  }
0x2c9: {  	[tilespmem:s24+$0xFFFFFF30] =	vst v7;
	v49 =	vand.u32 $0xFFFF00, v47;
	v2 =	vor.u32 v51, v46;
	v34 =	vld.idx.msk [tilespmem:v61+s19+$0x0], $0xffff  }
0x2ca: {  	[tilespmem:s24+$0xFFFFFEE0] =	vst v28;
	v50 =	vshrl.u32 v17, $0x8;
	v51 =	vor.u32 v52, v49;
	v28 =	vld.idx.msk [tilespmem:v63+s19+$0x0], $0xffff  }
0x2cb: {  	[tilespmem:s24+$0xFFFFFF60] =	vst v31;
	v4 =	vand.u32 $0xFFFF00, v50;
	v0 =	vor.u32 v54, v49;
	v29 =	vld.idx.msk [tilespmem:v45+s19+$0x0], $0xffff  }
0x2cc: {  	[tilespmem:s24+$0xFFFFFEF0] =	vst v11;
	v52 =	vshll.u32 v16, $0x8;
	v30 =	vld.idx.msk [tilespmem:v3+s19+$0x0], $0xffff;
	v54 =	vor.u32 v55, v4  }
0x2cd: {  	[tilespmem:s24+$0xFFFFFF70] =	vst v9;
	v55 =	vand.u32 $0xFFFF00, v52;
	v4 =	vor.u32 v56, v4;
	v31 =	vld.idx.msk [tilespmem:v48+s19+$0x0], $0xffff  }
0x2ce: {  	[tilespmem:s24+$0xFFFFFF80] =	vst v23;
	v56 =	vshrl.u32 v16, $0x8;
	v60 =	vor.u32 v57, v55;
	v32 =	vld.idx.msk [tilespmem:v2+s19+$0x0], $0xffff  }
0x2cf: {  	[tilespmem:s24+$0x0] =	vst v5;
	v61 =	vand.u32 $0xFFFF00, v56;
	v3 =	vor.u32 v58, v55;
	v33 =	vld.idx.msk [tilespmem:v51+s19+$0x0], $0xffff  }
0x2d0: {  	[tilespmem:s24+$0xFFFFFF90] =	vst v40;
	v62 =	vor.u32 v59, v61;
	v26 =	vld.idx.msk [tilespmem:v0+s19+$0x0], $0xffff  }
0x2d1: {  	[tilespmem:s24+$0x10] =	vst v39;
	v63 =	vor.u32 v53, v61;
	v25 =	vld.idx.msk [tilespmem:v54+s19+$0x0], $0xffff  }
0x2d2: {  	[tilespmem:s24+$0xFFFFFFA0] =	vst v42;
	v23 =	vld.idx.msk [tilespmem:v4+s19+$0x0], $0xffff  }
0x2d3: {  	[tilespmem:s24+$0x20] =	vst v1;
	v19 =	vld.idx.msk [tilespmem:v60+s19+$0x0], $0xffff  }
0x2d4: {  	[tilespmem:s24+$0xFFFFFFB0] =	vst v41;
	v40 =	vld.idx.msk [tilespmem:v3+s19+$0x0], $0xffff  }
0x2d5: {  	[tilespmem:s24+$0x30] =	vst v43;
	v17 =	vld.idx.msk [tilespmem:v62+s19+$0x0], $0xffff  }
0x2d6: {  	s11 =	simm.s32 $0x191E0;
	s10 =	simm.s32 $0x0;
	[tilespmem:s24+$0xFFFFFFC0] =	vst v6;
	v16 =	vld.idx.msk [tilespmem:v63+s19+$0x0], $0xffff  }
.LBB2_11:
0x2d7: {  	v0 =	vld [tilespmem:s11+$0x60]  }
0x2d8: {  	v1 =	vld [tilespmem:s11+$0xFFFFFF70];
	[tilespmem:s24+$0x60] =	vst v27  }
0x2d9: {  	v2 =	vld [tilespmem:s11+$0xFFFFFF80];
	[tilespmem:s24+$0xC0] =	vst v33  }
0x2da: {  	v3 =	vld [tilespmem:s11+$0xFFFFFF90];
	[tilespmem:s24+$0x140] =	vst v26  }
0x2db: {  	v4 =	vld [tilespmem:s11+$0x70];
	[tilespmem:s24+$0x40] =	vst v20  }
0x2dc: {  	v5 =	vld [tilespmem:s11+$0xFFFFFFA0];
	[tilespmem:s24+$0xFFFFFFD0] =	vst v21  }
0x2dd: {  	v8 =	vld [tilespmem:s11+$0xFFFFFFB0];
	[tilespmem:s24+$0x50] =	vst v22  }
0x2de: {  	v10 =	vld [tilespmem:s11+$0xFFFFFFC0];
	[tilespmem:s24+$0xFFFFFFE0] =	vst v24  }
0x2df: {  	v12 =	vld [tilespmem:s11+$0x80];
	[tilespmem:s24+$0xFFFFFFF0] =	vst v35  }
0x2e0: {  	v57 =	vld [tilespmem:$0x1FF10];
	[tilespmem:s24+$0x70] =	vst v36  }
0x2e1: {  	v14 =	vld [tilespmem:s11+$0x90];
	[tilespmem:s24+$0x80] =	vst v37  }
0x2e2: {  	v58 =	vld [tilespmem:$0x1FF20];
	[tilespmem:s24+$0x100] =	vst v38  }
0x2e3: {  	v59 =	vld [tilespmem:$0x1FF30];
	[tilespmem:s24+$0x90] =	vst v34  }
0x2e4: {  	v60 =	vld [tilespmem:$0x1FF40];
	[tilespmem:s24+$0x110] =	vst v28  }
0x2e5: {  	v61 =	vld [tilespmem:$0x1FF50];
	[tilespmem:s24+$0xA0] =	vst v29  }
0x2e6: {  	v63 =	vld [tilespmem:$0x1FF60];
	[tilespmem:s24+$0x120] =	vst v30  }
0x2e7: {  	v18 =	vld [tilespmem:$0x1FF90];
	[tilespmem:s24+$0xB0] =	vst v31  }
0x2e8: {  	v21 =	vld [tilespmem:s11+$0xFFFFFFD0];
	[tilespmem:s24+$0x130] =	vst v32  }
0x2e9: {  	v28 =	vld [tilespmem:$0x1FF70];
	[tilespmem:s24+$0xD0] =	vst v25;
	v6 =	vshll.u32 v0, $0x8  }
0x2ea: {  	v11 =	vlaneseq.u32;
	v22 =	vld [tilespmem:$0x1FF80];
	[tilespmem:s24+$0x150] =	vst v23;
	v6 =	vand.u32 $0xFFFF00, v6  }
0x2eb: {  	v37 =	vld [tilespmem:$0x1FFF0];
	[tilespmem:s24+$0xE0] =	vst v19;
	v0 =	vshrl.u32 v0, $0x8;
	v11 =	vor.u32 v11, v6  }
0x2ec: {  	[tilespmem:s24+$0x160] =	vst v40;
	v20 =	vshll.u32 v4, $0x8;
	v24 =	vld [tilespmem:s11+$0xFFFFFFE0];
	v0 =	vand.u32 $0xFFFF00, v0;
	v6 =	vor.u32 v57, v6  }
0x2ed: {  	[tilespmem:s24+$0xF0] =	vst v17;
	v43 =	vshll.u32 v8, $0x8;
	v42 =	vshrl.u32 v8, $0x8;
	v8 =	vld [tilespmem:$0x1FFC0];
	v15 =	vor.u32 v58, v0  }
0x2ee: {  	[tilespmem:s24+$0x170] =	vst v16;
	v62 =	vld [tilespmem:s11+$0x10];
	v20 =	vand.u32 $0xFFFF00, v20;
	v0 =	vor.u32 v59, v0  }
0x2ef: {  	v4 =	vshrl.u32 v4, $0x8;
	v40 =	vld [tilespmem:s11+$0x20];
	v27 =	vor.u32 v60, v20  }
0x2f0: {  	v4 =	vand.u32 $0xFFFF00, v4;
	v20 =	vor.u32 v61, v20;
	v36 =	vld.idx.msk [tilespmem:v11+s19+$0x0], $0xffff  }
0x2f1: {  	v29 =	vor.u32 v63, v4;
	v44 =	vld.idx.msk [tilespmem:v6+s19+$0x0], $0xffff  }
0x2f2: {  	v39 =	vld.idx.msk [tilespmem:v15+s19+$0x0], $0xffff  }
0x2f3: {  	v41 =	vld.idx.msk [tilespmem:v0+s19+$0x0], $0xffff  }
0x2f4: {  	v27 =	vld.idx.msk [tilespmem:v27+s19+$0x0], $0xffff  }
0x2f5: {  	v7 =	vshll.u32 v1, $0x8;
	v1 =	vshrl.u32 v1, $0x8;
	v30 =	vshll.u32 v12, $0x8;
	v26 =	vld.idx.msk [tilespmem:v20+s19+$0x0], $0xffff  }
0x2f6: {  	v31 =	vshrl.u32 v14, $0x8;
	v30 =	vand.u32 $0xFFFF00, v30;
	v4 =	vor.u32 v28, v4;
	v29 =	vld.idx.msk [tilespmem:v29+s19+$0x0], $0xffff  }
0x2f7: {  	v31 =	vand.u32 $0xFFFF00, v31;
	v1 =	vand.u32 $0xFFFF00, v1;
	v53 =	vor.u32 v22, v30;
	v15 =	vld [tilespmem:$0x1FFA0]  }
0x2f8: {  	v7 =	vand.u32 $0xFFFF00, v7;
	v33 =	vor.u32 v63, v1;
	v55 =	vor.u32 v37, v31;
	v11 =	vld [tilespmem:$0x1FFB0]  }
0x2f9: {  	v25 =	vshll.u32 v21, $0x8;
	v21 =	vshrl.u32 v21, $0x8;
	v1 =	vor.u32 v28, v1;
	v6 =	vld [tilespmem:$0x1FFD0]  }
0x2fa: {  	v14 =	vshll.u32 v14, $0x8;
	v32 =	vand.u32 $0xFFFF00, v21;
	v21 =	vor.u32 v60, v7;
	v0 =	vld [tilespmem:$0x1FFE0]  }
0x2fb: {  	v12 =	vshrl.u32 v12, $0x8;
	v14 =	vand.u32 $0xFFFF00, v14;
	v7 =	vor.u32 v61, v7;
	v4 =	vld.idx.msk [tilespmem:v4+s19+$0x0], $0xffff  }
0x2fc: {  	v19 =	vshll.u32 v24, $0x8;
	v23 =	vshrl.u32 v24, $0x8;
	v20 =	vor.u32 v18, v30;
	v24 =	vld.idx.msk [tilespmem:v53+s19+$0x0], $0xffff  }
0x2fd: {  	v12 =	vand.u32 $0xFFFF00, v12;
	v56 =	vor.u32 v8, v14;
	v34 =	vld.idx.msk [tilespmem:v55+s19+$0x0], $0xffff  }
0x2fe: {  	v1 =	vld.idx.msk [tilespmem:v1+s19+$0x0], $0xffff;
	v30 =	vor.u32 v15, v12  }
0x2ff: {  	v38 =	vshrl.u32 v62, $0x8;
	v55 =	vshll.u32 v62, $0x8;
	v62 =	vld.idx.msk [tilespmem:v21+s19+$0x0], $0xffff;
	v12 =	vor.u32 v11, v12  }
0x300: {  	v7 =	vld.idx.msk [tilespmem:v7+s19+$0x0], $0xffff;
	v14 =	vor.u32 v6, v14  }
0x301: {  	v45 =	vlaneseq.u32;
	v35 =	vld.idx.msk [tilespmem:v20+s19+$0x0], $0xffff;
	v17 =	vor.u32 v0, v31  }
0x302: {  	v9 =	vshll.u32 v2, $0x8;
	v2 =	vshrl.u32 v2, $0x8;
	v13 =	vshll.u32 v3, $0x8;
	v31 =	vld.idx.msk [tilespmem:v56+s19+$0x0], $0xffff  }
0x303: {  	v3 =	vshrl.u32 v3, $0x8;
	v52 =	vshll.u32 v5, $0x8;
	v5 =	vshrl.u32 v5, $0x8;
	[tilespmem:$0x1FD40] =	vst v1;
	v30 =	vld.idx.msk [tilespmem:v30+s19+$0x0], $0xffff  }
0x304: {  	v54 =	vshll.u32 v10, $0x8;
	v10 =	vshrl.u32 v10, $0x8;
	v9 =	vand.u32 $0xFFFF00, v9;
	[tilespmem:$0x1FD10] =	vst v62;
	v12 =	vld.idx.msk [tilespmem:v12+s19+$0x0], $0xffff  }
0x305: {  	s24 =	sadd.s32 $0x500, s24;
	v2 =	vand.u32 $0xFFFF00, v2;
	v13 =	vand.u32 $0xFFFF00, v13;
	v3 =	vand.u32 $0xFFFF00, v3;
	[tilespmem:$0x1FD20] =	vst v7;
	v14 =	vld.idx.msk [tilespmem:v14+s19+$0x0], $0xffff  }
0x306: {  	v16 =	vand.u32 $0xFFFF00, v52;
	v5 =	vand.u32 $0xFFFF00, v5;
	v50 =	vand.u32 $0xFFFF00, v23;
	v23 =	vld.idx.msk [tilespmem:v17+s19+$0x0], $0xffff;
	[tilespmem:s24+$0x270] =	vst v34  }
0x307: {  	v49 =	vand.u32 $0xFFFF00, v42;
	v51 =	vand.u32 $0xFFFF00, v54;
	v10 =	vand.u32 $0xFFFF00, v10;
	v53 =	vld [tilespmem:s11+$0x30];
	[tilespmem:s24+$0x180] =	vst v36  }
0x308: {  	v48 =	vor.u32 v45, v16;
	v20 =	vand.u32 $0xFFFF00, v43;
	v47 =	vor.u32 v15, v2;
	v43 =	vld [tilespmem:s11+$0x50];
	[tilespmem:s24+$0x200] =	vst v44  }
0x309: {  	v25 =	vand.u32 $0xFFFF00, v25;
	v46 =	vor.u32 v8, v13;
	v2 =	vor.u32 v11, v2;
	v17 =	vld [tilespmem:s11+$0xFFFFFFF0];
	[tilespmem:s24+$0x190] =	vst v39  }
0x30a: {  	v42 =	vshll.u32 v40, $0x8;
	v52 =	vor.u32 v0, v3;
	v3 =	vor.u32 v37, v3;
	v36 =	vld [tilespmem:s11+$0x0];
	[tilespmem:s24+$0x210] =	vst v41  }
0x30b: {  	v40 =	vshrl.u32 v40, $0x8;
	v56 =	vor.u32 v58, v5;
	v5 =	vor.u32 v59, v5;
	[tilespmem:s24+$0x1A0] =	vst v27;
	v27 =	vld [tilespmem:s11+$0x40]  }
0x30c: {  	v19 =	vand.u32 $0xFFFF00, v19;
	v13 =	vor.u32 v6, v13;
	v1 =	vor.u32 v28, v49;
	[tilespmem:s24+$0x1B0] =	vst v29;
	v29 =	vld [tilespmem:s11+$0xFFFFFF60]  }
0x30d: {  	v42 =	vand.u32 $0xFFFF00, v42;
	v34 =	vor.u32 v22, v9;
	v9 =	vor.u32 v18, v9;
	[tilespmem:s24+$0x1C0] =	vst v24;
	v45 =	vld.idx.msk [tilespmem:v47+s19+$0x0], $0xffff  }
0x30e: {  	v39 =	vor.u32 v57, v16;
	v16 =	vor.u32 v60, v20;
	v24 =	vshll.u32 v53, $0x8;
	[tilespmem:s24+$0x1E0] =	vst v31;
	v47 =	vld.idx.msk [tilespmem:v2+s19+$0x0], $0xffff  }
0x30f: {  	v31 =	vand.u32 $0xFFFF00, v40;
	v41 =	vor.u32 v63, v49;
	v21 =	vld.idx.msk [tilespmem:v3+s19+$0x0], $0xffff;
	[tilespmem:$0x1FCF0] =	vst v16;
	v16 =	vor.u32 v61, v20  }
0x310: {  	v2 =	vor.u32 v18, v51;
	v3 =	vlaneseq.u32;
	v5 =	vld.idx.msk [tilespmem:v5+s19+$0x0], $0xffff;
	[tilespmem:$0x1FD00] =	vst v16;
	v16 =	vshll.u32 v17, $0x8  }
0x311: {  	v20 =	vld.idx.msk [tilespmem:v48+s19+$0x0], $0xffff;
	v17 =	vshrl.u32 v17, $0x8;
	v54 =	vshll.u32 v36, $0x8;
	v36 =	vshrl.u32 v36, $0x8;
	[tilespmem:s24+$0x260] =	vst v14  }
0x312: {  	v62 =	vshll.u32 v29, $0x8;
	v29 =	vshrl.u32 v29, $0x8;
	v9 =	vld.idx.msk [tilespmem:v9+s19+$0x0], $0xffff;
	[tilespmem:$0x1FD60] =	vst v45;
	v14 =	vand.u32 $0xFFFF00, v24  }
0x313: {  	[tilespmem:$0x1FD70] =	vst v47;
	v45 =	vor.u32 v15, v10;
	v10 =	vor.u32 v11, v10;
	v47 =	vor.u32 v0, v32  }
0x314: {  	[tilespmem:s24+$0x220] =	vst v26;
	v32 =	vor.u32 v37, v32;
	v39 =	vld.idx.msk [tilespmem:v39+s19+$0x0], $0xffff;
	v26 =	vand.u32 $0xFFFF00, v16;
	v44 =	vand.u32 $0xFFFF00, v17  }
0x315: {  	[tilespmem:s24+$0x230] =	vst v4;
	v4 =	vand.u32 $0xFFFF00, v54;
	v7 =	vand.u32 $0xFFFF00, v36;
	v36 =	vshrl.u32 v53, $0x8;
	v16 =	vld.idx.msk [tilespmem:v33+s19+$0x0], $0xffff  }
0x316: {  	v33 =	vand.u32 $0xFFFF00, v55;
	v54 =	vshll.u32 v43, $0x8;
	v55 =	vshrl.u32 v43, $0x8;
	v43 =	vld.idx.msk [tilespmem:v34+s19+$0x0], $0xffff  }
0x317: {  	[tilespmem:s24+$0x250] =	vst v12;
	v53 =	vshll.u32 v27, $0x8;
	v27 =	vshrl.u32 v27, $0x8;
	v12 =	vand.u32 $0xFFFF00, v62;
	v62 =	vld.idx.msk [tilespmem:v46+s19+$0x0], $0xffff  }
0x318: {  	v29 =	vand.u32 $0xFFFF00, v29;
	v34 =	vld.idx.msk [tilespmem:v52+s19+$0x0], $0xffff;
	v46 =	vor.u32 v8, v25;
	v25 =	vor.u32 v6, v25  }
0x319: {  	[tilespmem:s24+$0x1F0] =	vst v23;
	v17 =	vld.idx.msk [tilespmem:v56+s19+$0x0], $0xffff;
	v23 =	vand.u32 $0xFFFF00, v27;
	v27 =	vand.u32 $0xFFFF00, v54;
	v54 =	vor.u32 v58, v29  }
0x31a: {  	[tilespmem:s24+$0x240] =	vst v35;
	v24 =	vand.u32 $0xFFFF00, v36;
	v36 =	vand.u32 $0xFFFF00, v55;
	v29 =	vor.u32 v59, v29;
	v55 =	vld.idx.msk [tilespmem:v13+s19+$0x0], $0xffff  }
0x31b: {  	v49 =	vor.u32 v58, v50;
	v56 =	vor.u32 v3, v42;
	v42 =	vor.u32 v57, v42;
	v10 =	vld.idx.msk [tilespmem:v10+s19+$0x0], $0xffff  }
0x31c: {  	v35 =	vand.u32 $0xFFFF00, v53;
	v13 =	vor.u32 v59, v50;
	v50 =	vor.u32 v60, v26;
	v32 =	vld.idx.msk [tilespmem:v32+s19+$0x0], $0xffff;
	[tilespmem:$0x1FD30] =	vst v16  }
0x31d: {  	v26 =	vor.u32 v61, v26;
	v52 =	vor.u32 v22, v4;
	[tilespmem:$0x1FD50] =	vst v43;
	v16 =	vlaneseq.u32;
	v25 =	vld.idx.msk [tilespmem:v25+s19+$0x0], $0xffff  }
0x31e: {  	v43 =	vor.u32 v22, v51;
	v51 =	vor.u32 v63, v44;
	v53 =	vor.u32 v16, v12;
	v40 =	vld.idx.msk [tilespmem:v54+s19+$0x0], $0xffff  }
0x31f: {  	v12 =	vor.u32 v57, v12;
	v48 =	vor.u32 v16, v19;
	v19 =	vor.u32 v57, v19;
	v29 =	vld.idx.msk [tilespmem:v29+s19+$0x0], $0xffff  }
0x320: {  	v57 =	vor.u32 v58, v31;
	v58 =	vor.u32 v60, v14;
	v14 =	vor.u32 v61, v14;
	v61 =	vld [tilespmem:$0x1FCF0]  }
0x321: {  	v31 =	vor.u32 v59, v31;
	v59 =	vor.u32 v63, v24;
	v63 =	vld [tilespmem:$0x1FD00]  }
0x322: {  	v44 =	vor.u32 v28, v44;
	v60 =	vor.u32 v28, v24;
	v28 =	vld.idx.msk [tilespmem:v2+s19+$0x0], $0xffff  }
0x323: {  	v50 =	vld.idx.msk [tilespmem:v50+s19+$0x0], $0xffff  }
0x324: {  	v52 =	vld.idx.msk [tilespmem:v52+s19+$0x0], $0xffff  }
0x325: {  	v51 =	vld.idx.msk [tilespmem:v51+s19+$0x0], $0xffff  }
0x326: {  	[tilespmem:s24+$0x1D0] =	vst v30;
	v30 =	vand.u32 $0xFFFF00, v38;
	v38 =	vld.idx.msk [tilespmem:v53+s19+$0x0], $0xffff  }
0x327: {  	v12 =	vld.idx.msk [tilespmem:v12+s19+$0x0], $0xffff  }
0x328: {  	[tilespmem:s24+$0xFFFFFE10] =	vst v29;
	v29 =	vld.idx.msk [tilespmem:v45+s19+$0x0], $0xffff  }
0x329: {  	v45 =	vld [tilespmem:$0x1FD10]  }
0x32a: {  	[tilespmem:s24+$0xFFFFFD90] =	vst v40;
	v40 =	vld.idx.msk [tilespmem:v46+s19+$0x0], $0xffff  }
0x32b: {  	[tilespmem:s24+$0xFFFFFE40] =	vst v9;
	v9 =	vld.idx.msk [tilespmem:v48+s19+$0x0], $0xffff  }
0x32c: {  	v46 =	vld [tilespmem:$0x1FD70]  }
0x32d: {  	[tilespmem:$0x1FD80] =	vst v55;
	v16 =	vor.u32 v18, v4;
	v54 =	vor.u32 v8, v33;
	v48 =	vld.idx.msk [tilespmem:v13+s19+$0x0], $0xffff  }
0x32e: {  	v55 =	vor.u32 v0, v30;
	v0 =	vor.u32 v0, v36;
	[tilespmem:s24+$0xFFFFFDF0] =	vst v34;
	v34 =	vld.idx.msk [tilespmem:v57+s19+$0x0], $0xffff  }
0x32f: {  	v33 =	vor.u32 v6, v33;
	[tilespmem:$0x1FDB0] =	vst v0;
	v53 =	vor.u32 v15, v7;
	v4 =	vld.idx.msk [tilespmem:v61+s19+$0x0], $0xffff  }
0x330: {  	v7 =	vor.u32 v11, v7;
	v61 =	vor.u32 v22, v35;
	v24 =	vld.idx.msk [tilespmem:v63+s19+$0x0], $0xffff;
	v63 =	vor.u32 v18, v35  }
0x331: {  	[tilespmem:s24+$0xFFFFFDE0] =	vst v62;
	v35 =	vor.u32 v15, v23;
	v23 =	vor.u32 v11, v23;
	v11 =	vor.u32 v6, v27;
	v6 =	vld [tilespmem:$0x1FD20]  }
0x332: {  	[tilespmem:s24+$0xFFFFFE70] =	vst v21;
	v18 =	vld.idx.msk [tilespmem:v26+s19+$0x0], $0xffff  }
0x333: {  	v15 =	vld.idx.msk [tilespmem:v44+s19+$0x0], $0xffff;
	[tilespmem:$0x1FD90] =	vst v35  }
0x334: {  	v35 =	vld.idx.msk [tilespmem:v41+s19+$0x0], $0xffff;
	[tilespmem:$0x1FDA0] =	vst v11  }
0x335: {  	v41 =	vor.u32 v8, v27;
	v8 =	vld.idx.msk [tilespmem:v1+s19+$0x0], $0xffff;
	[tilespmem:s24+$0xFFFFFD80] =	vst v38  }
0x336: {  	v11 =	vld [tilespmem:$0x1FD30];
	[tilespmem:s24+$0xFFFFFE00] =	vst v12  }
0x337: {  	v1 =	vor.u32 v37, v36;
	v36 =	vld [tilespmem:$0x1FD40];
	[tilespmem:s24+$0xFFFFFDA0] =	vst v45  }
0x338: {  	v12 =	vld.idx.msk [tilespmem:v43+s19+$0x0], $0xffff;
	[tilespmem:s24+$0xFFFFFE50] =	vst v46  }
0x339: {  	v43 =	vld.idx.msk [tilespmem:v47+s19+$0x0], $0xffff;
	[tilespmem:s24+$0xFFFFFE80] =	vst v20  }
0x33a: {  	v30 =	vor.u32 v37, v30;
	v37 =	vld [tilespmem:$0x1FD50];
	[tilespmem:s24+$0xFFFFFF00] =	vst v39  }
0x33b: {  	v27 =	vld.idx.msk [tilespmem:v33+s19+$0x0], $0xffff;
	[tilespmem:s24+$0xFFFFFE90] =	vst v17  }
0x33c: {  	v38 =	vld [tilespmem:$0x1FD60];
	[tilespmem:s24+$0xFFFFFF10] =	vst v5  }
0x33d: {  	v45 =	vld.idx.msk [tilespmem:v19+s19+$0x0], $0xffff;
	[tilespmem:s24+$0xFFFFFF40] =	vst v28  }
0x33e: {  	v47 =	vld.idx.msk [tilespmem:v49+s19+$0x0], $0xffff;
	[tilespmem:s24+$0xFFFFFED0] =	vst v29  }
0x33f: {  	v49 =	vld [tilespmem:$0x1FD80];
	[tilespmem:s24+$0xFFFFFF50] =	vst v10  }
0x340: {  	v20 =	vld.idx.msk [tilespmem:v16+s19+$0x0], $0xffff;
	[tilespmem:s24+$0xFFFFFEE0] =	vst v40  }
0x341: {  	v21 =	vld.idx.msk [tilespmem:v53+s19+$0x0], $0xffff;
	[tilespmem:s24+$0xFFFFFF60] =	vst v25  }
0x342: {  	v22 =	vld.idx.msk [tilespmem:v7+s19+$0x0], $0xffff;
	[tilespmem:s24+$0xFFFFFF70] =	vst v32  }
0x343: {  	v28 =	vld.idx.msk [tilespmem:v31+s19+$0x0], $0xffff;
	[tilespmem:s24+$0xFFFFFE20] =	vst v6  }
0x344: {  	v29 =	vld.idx.msk [tilespmem:v58+s19+$0x0], $0xffff;
	[tilespmem:s24+$0xFFFFFEA0] =	vst v4  }
0x345: {  	v31 =	vld.idx.msk [tilespmem:v59+s19+$0x0], $0xffff;
	[tilespmem:s24+$0xFFFFFF20] =	vst v24  }
0x346: {  	v32 =	vld.idx.msk [tilespmem:v60+s19+$0x0], $0xffff;
	[tilespmem:s24+$0xFFFFFDB0] =	vst v11  }
0x347: {  	v62 =	vld [tilespmem:$0x1FDA0];
	[tilespmem:s24+$0xFFFFFE30] =	vst v36  }
0x348: {  	v24 =	vld.idx.msk [tilespmem:v54+s19+$0x0], $0xffff;
	[tilespmem:s24+$0xFFFFFDC0] =	vst v37  }
0x349: {  	v33 =	vld.idx.msk [tilespmem:v61+s19+$0x0], $0xffff;
	[tilespmem:s24+$0xFFFFFEB0] =	vst v35  }
0x34a: {  	[tilespmem:s24+$0xFFFFFF30] =	vst v8;
	v35 =	vld.idx.msk [tilespmem:v55+s19+$0x0], $0xffff  }
0x34b: {  	v36 =	vld.idx.msk [tilespmem:v30+s19+$0x0], $0xffff;
	[tilespmem:s24+$0xFFFFFF80] =	vst v9  }
0x34c: {  	v26 =	vld.idx.msk [tilespmem:v63+s19+$0x0], $0xffff;
	[tilespmem:s24+$0x10] =	vst v48  }
0x34d: {  	v61 =	vld [tilespmem:$0x1FD90];
	[tilespmem:s24+$0xFFFFFFA0] =	vst v50  }
0x34e: {  	v23 =	vld.idx.msk [tilespmem:v23+s19+$0x0], $0xffff;
	[tilespmem:s24+$0x20] =	vst v18  }
0x34f: {  	v63 =	vld [tilespmem:$0x1FDB0];
	[tilespmem:s24+$0xFFFFFFB0] =	vst v51  }
0x350: {  	v37 =	vld.idx.msk [tilespmem:v56+s19+$0x0], $0xffff;
	[tilespmem:s24+$0x30] =	vst v15  }
0x351: {  	s10 =	sadd.s32 $0x5, s10;
	v30 =	vld.idx.msk [tilespmem:v14+s19+$0x0], $0xffff;
	[tilespmem:s24+$0xFFFFFFC0] =	vst v52  }
0x352: {  	p1 =	slt.u32 s10, $0x14;
	v19 =	vld.idx.msk [tilespmem:v41+s19+$0x0], $0xffff;
	[tilespmem:s24+$0xFFFFFDD0] =	vst v38  }
.Ltmp6:
0x353: {  	v16 =	vld.idx.msk [tilespmem:v1+s19+$0x0], $0xffff;
	[tilespmem:s24+$0xFFFFFE60] =	vst v49;
	(pc) =	sbr.rel @p1 .LBB2_11-.Ltmp6, $4  }
0x354: {  	[tilespmem:s24+$0xFFFFFEC0] =	vst v12;
	v38 =	vld.idx.msk [tilespmem:v42+s19+$0x0], $0xffff  }
0x355: {  	[tilespmem:s24+$0xFFFFFEF0] =	vst v43;
	v40 =	vld.idx.msk [tilespmem:v62+s19+$0x0], $0xffff  }
0x356: {  	[tilespmem:s24+$0x0] =	vst v45;
	v25 =	vld.idx.msk [tilespmem:v61+s19+$0x0], $0xffff  }
0x357: {  	s11 =	sadd.s32 $0x140, s11;
	[tilespmem:s24+$0xFFFFFF90] =	vst v47;
	v17 =	vld.idx.msk [tilespmem:v63+s19+$0x0], $0xffff  }
0x358: {  	[tilespmem:s24+$0x40] =	vst v20  }
0x359: {  	[tilespmem:s24+$0xFFFFFFD0] =	vst v21  }
0x35a: {  	[tilespmem:s24+$0x50] =	vst v22  }
0x35b: {  	[tilespmem:s24+$0xFFFFFFE0] =	vst v24  }
0x35c: {  	[tilespmem:s24+$0x60] =	vst v27  }
0x35d: {  	[tilespmem:s24+$0xFFFFFFF0] =	vst v35  }
0x35e: {  	[tilespmem:s24+$0x70] =	vst v36  }
0x35f: {  	[tilespmem:s24+$0x80] =	vst v37  }
0x360: {  	[tilespmem:s24+$0x90] =	vst v34  }
0x361: {  	[tilespmem:s24+$0x110] =	vst v28  }
0x362: {  	[tilespmem:s24+$0xA0] =	vst v29  }
0x363: {  	[tilespmem:s24+$0x120] =	vst v30  }
0x364: {  	[tilespmem:s24+$0xB0] =	vst v31  }
0x365: {  	[tilespmem:s24+$0x130] =	vst v32  }
0x366: {  	[tilespmem:s24+$0xC0] =	vst v33  }
0x367: {  	[tilespmem:s24+$0x140] =	vst v26  }
0x368: {  	[tilespmem:s24+$0x150] =	vst v23  }
0x369: {  	[tilespmem:s24+$0xE0] =	vst v19  }
0x36a: {  	s15 =	smul.u32 $0xC80000, s14;
	[tilespmem:s24+$0x170] =	vst v16;
	p2 =	seq.s32 s14, $0x3  }
.Ltmp7:
0x36b: {  	[tilespmem:s24+$0x100] =	vst v38;
	(pc) =	sbr.rel @!p2 .LBB2_13-.Ltmp7, $4  }
0x36c: {  	[tilespmem:s24+$0x160] =	vst v40;
	s10 =	sor.u32 s15, s4  }
0x36d: {  	[tilespmem:s24+$0xD0] =	vst v25;
	s10 =	sshrl.u32 s10, $0x3  }
0x36e: {  	[tilespmem:s24+$0xF0] =	vst v17;
	s10 =	sadd.s32 s2, s10  }
0x36f: {  	[hbm4b:s10+s17] =	stream.strided.scatter [tilespmem:s26], [sflag:$0x5], $0x1900, s18, s17, $0x38;
	[tilespmem:$0x1CE80] =	vst v63  }
.Ltmp8:
0x370: {  	(pc) =	sbr.rel @p0 .LBB2_16-.Ltmp8, $4  }
.Ltmp9:
0x371: {  	(pc) =	sbr.rel @!p0 .LBB2_15-.Ltmp9, $4  }
0x372: {  	_ = 	snop  }
0x373: {  	v19 =	vld [tilespmem:$0x1FF90]  }
0x374: {  	p1 =	por $0x0, $0x0;
	s10 =	smov.u32 s16;
	v20 =	vld [tilespmem:$0x1FFB0]  }
0x375: {  	_ = 	snop  }
.LBB2_13:
0x376: {  	s10 =	smul.u32 $0x32000, s14;
	_ =	sdelay $0x1  }
0x377: {  	v19 =	vld [tilespmem:$0x1FF90];
	s10 =	sadd.s32 s7, s10  }
0x378: {  	v20 =	vld [tilespmem:$0x1FFB0];
	s10 =	sshrl.u32 s10, $0x4  }
.LBB2_15:
0x379: {  	s10 =	sadd.s32 s5, s10;
	p1 =	por p2, p2  }
0x37a: {  	[tilespmem:s22], [sflag:$0x3] =	stream.strided.gather [hbm4b:s10+s20], $0x640, s21, s20, $0x38;
	[tilespmem:$0x1CE80] =	vst v63  }
.LBB2_16:
0x37b: {  	_ =	swait.ge [sflag:s28], $0x640  }
0x37c: {  	[sflag:s28] =	ssyncset.done $0x0  }
0x37d: {  	[sflag:s28] =	ssyncadd.s32 $0xFFFFF9C0  }
0x37e: {  	_ =	swait.ge [sflag:s0], $0x1900  }
0x37f: {  	v44 =	vld [tilespmem:$0x1FF10]  }
0x380: {  	v45 =	vld [tilespmem:$0x1FF20]  }
0x381: {  	v46 =	vld [tilespmem:$0x1FF30]  }
0x382: {  	v47 =	vld [tilespmem:$0x1FF40]  }
0x383: {  	v48 =	vld [tilespmem:$0x1FF50]  }
0x384: {  	v49 =	vld [tilespmem:$0x1FF60]  }
0x385: {  	v50 =	vld [tilespmem:$0x1FF70]  }
0x386: {  	v51 =	vld [tilespmem:$0x1FF80]  }
0x387: {  	v52 =	vld [tilespmem:$0x1FFF0]  }
0x388: {  	v54 =	vld [tilespmem:$0x1FFA0]  }
0x389: {  	v55 =	vld [tilespmem:$0x1FFC0]  }
0x38a: {  	[sflag:s0] =	ssyncset.done $0x0;
	v56 =	vld [tilespmem:$0x1FFD0]  }
0x38b: {  	s10 =	simm.s32 $0x196E0;
	v57 =	vld [tilespmem:$0x1FFE0];
	[sflag:s0] =	ssyncadd.s32 $0xFFFFE700  }
0x38c: {  	v0 =	vld [tilespmem:s10+$0x60]  }
0x38d: {  	v1 =	vld [tilespmem:s10+$0xFFFFFF70]  }
0x38e: {  	v2 =	vld [tilespmem:s10+$0xFFFFFF80]  }
0x38f: {  	v3 =	vld [tilespmem:s10+$0xFFFFFF90]  }
0x390: {  	v4 =	vld [tilespmem:s10+$0x70]  }
0x391: {  	v5 =	vld [tilespmem:s10+$0xFFFFFFA0]  }
0x392: {  	v9 =	vld [tilespmem:s10+$0x80]  }
0x393: {  	v7 =	vld [tilespmem:s10+$0xFFFFFFB0]  }
0x394: {  	v24 =	vld [tilespmem:s10+$0xFFFFFFC0]  }
0x395: {  	v43 =	vlaneseq.u32;
	v10 =	vld [tilespmem:s10+$0x90];
	v6 =	vshll.u32 v0, $0x8;
	v0 =	vshrl.u32 v0, $0x8  }
0x396: {  	v23 =	vld [tilespmem:s10+$0xFFFFFFD0];
	v12 =	vshll.u32 v4, $0x8;
	v4 =	vshrl.u32 v4, $0x8;
	v6 =	vand.u32 $0xFFFF00, v6  }
0x397: {  	v21 =	vld [tilespmem:s10+$0xFFFFFFE0];
	v15 =	vshll.u32 v9, $0x8;
	v9 =	vshrl.u32 v9, $0x8;
	v8 =	vor.u32 v43, v6  }
0x398: {  	v25 =	vld [tilespmem:s10+$0xFFFFFFF0];
	v0 =	vand.u32 $0xFFFF00, v0;
	v12 =	vand.u32 $0xFFFF00, v12;
	v6 =	vor.u32 v44, v6  }
0x399: {  	v22 =	vld [tilespmem:s10+$0x0];
	v15 =	vand.u32 $0xFFFF00, v15;
	v9 =	vand.u32 $0xFFFF00, v9;
	v11 =	vor.u32 v45, v0  }
0x39a: {  	v53 =	vmovc v19;
	v36 =	vld [tilespmem:s10+$0xFFFFFF60];
	v0 =	vor.u32 v46, v0;
	v13 =	vor.u32 v47, v12;
	v17 =	vor.u32 v51, v15  }
0x39b: {  	v58 =	vmovc v20;
	v15 =	vor.u32 v19, v15;
	v19 =	vor.u32 v54, v9;
	v9 =	vor.u32 v20, v9;
	v20 =	vld [tilespmem:s10+$0x10]  }
0x39c: {  	v4 =	vand.u32 $0xFFFF00, v4;
	v12 =	vor.u32 v48, v12;
	v8 =	vld.idx.msk [tilespmem:v8+s19+$0x0], $0xffff  }
0x39d: {  	v14 =	vor.u32 v49, v4;
	v6 =	vld.idx.msk [tilespmem:v6+s19+$0x0], $0xffff  }
0x39e: {  	v16 =	vshrl.u32 v10, $0x8;
	v4 =	vor.u32 v50, v4;
	v11 =	vld.idx.msk [tilespmem:v11+s19+$0x0], $0xffff  }
0x39f: {  	v16 =	vand.u32 $0xFFFF00, v16;
	v0 =	vld.idx.msk [tilespmem:v0+s19+$0x0], $0xffff  }
0x3a0: {  	v18 =	vor.u32 v52, v16;
	v13 =	vld.idx.msk [tilespmem:v13+s19+$0x0], $0xffff  }
0x3a1: {  	v12 =	vld.idx.msk [tilespmem:v12+s19+$0x0], $0xffff  }
0x3a2: {  	v14 =	vld.idx.msk [tilespmem:v14+s19+$0x0], $0xffff  }
0x3a3: {  	v4 =	vld.idx.msk [tilespmem:v4+s19+$0x0], $0xffff  }
0x3a4: {  	v16 =	vor.u32 v57, v16;
	v26 =	vld.idx.msk [tilespmem:v17+s19+$0x0], $0xffff  }
0x3a5: {  	v37 =	vshll.u32 v3, $0x8;
	v27 =	vld.idx.msk [tilespmem:v18+s19+$0x0], $0xffff  }
0x3a6: {  	v37 =	vand.u32 $0xFFFF00, v37;
	v15 =	vld.idx.msk [tilespmem:v15+s19+$0x0], $0xffff  }
0x3a7: {  	v3 =	vshrl.u32 v3, $0x8;
	v39 =	vor.u32 v55, v37;
	v28 =	vld.idx.msk [tilespmem:v19+s19+$0x0], $0xffff  }
0x3a8: {  	v3 =	vand.u32 $0xFFFF00, v3;
	v37 =	vor.u32 v56, v37;
	v9 =	vld.idx.msk [tilespmem:v9+s19+$0x0], $0xffff  }
0x3a9: {  	v42 =	vshll.u32 v36, $0x8;
	v41 =	vor.u32 v57, v3;
	v30 =	vld.idx.msk [tilespmem:v16+s19+$0x0], $0xffff  }
0x3aa: {  	v60 =	vshrl.u32 v36, $0x8;
	v42 =	vand.u32 $0xFFFF00, v42;
	v3 =	vor.u32 v52, v3;
	v19 =	vld [tilespmem:s10+$0x20]  }
0x3ab: {  	v61 =	vand.u32 $0xFFFF00, v60;
	v36 =	vor.u32 v43, v42;
	v18 =	vld [tilespmem:s10+$0x30]  }
0x3ac: {  	v10 =	vshll.u32 v10, $0x8;
	v62 =	vor.u32 v44, v42;
	v42 =	vor.u32 v46, v61;
	v39 =	vld.idx.msk [tilespmem:v39+s19+$0x0], $0xffff  }
0x3ad: {  	v10 =	vand.u32 $0xFFFF00, v10;
	v37 =	vld.idx.msk [tilespmem:v37+s19+$0x0], $0xffff  }
0x3ae: {  	v17 =	vor.u32 v55, v10;
	v41 =	vld.idx.msk [tilespmem:v41+s19+$0x0], $0xffff  }
0x3af: {  	v40 =	vshll.u32 v5, $0x8;
	v10 =	vor.u32 v56, v10;
	v16 =	vshll.u32 v1, $0x8;
	v3 =	vld.idx.msk [tilespmem:v3+s19+$0x0], $0xffff  }
0x3b0: {  	v63 =	vshrl.u32 v5, $0x8;
	v40 =	vand.u32 $0xFFFF00, v40;
	v36 =	vld.idx.msk [tilespmem:v36+s19+$0x0], $0xffff;
	v16 =	vand.u32 $0xFFFF00, v16  }
0x3b1: {  	v5 =	vld.idx.msk [tilespmem:v42+s19+$0x0], $0xffff;
	v31 =	vor.u32 v47, v16;
	v32 =	vor.u32 v48, v16;
	v16 =	vshll.u32 v2, $0x8  }
0x3b2: {  	v59 =	vor.u32 v44, v40;
	v34 =	vand.u32 $0xFFFF00, v16;
	v16 =	vld [tilespmem:s10+$0x50]  }
0x3b3: {  	v1 =	vshrl.u32 v1, $0x8;
	v29 =	vld.idx.msk [tilespmem:v17+s19+$0x0], $0xffff  }
0x3b4: {  	v1 =	vand.u32 $0xFFFF00, v1;
	v10 =	vld.idx.msk [tilespmem:v10+s19+$0x0], $0xffff  }
0x3b5: {  	s24 =	simm.s32 $0x1B800;
	v33 =	vor.u32 v49, v1;
	v17 =	vld [tilespmem:s10+$0x40]  }
0x3b6: {  	v1 =	vor.u32 v50, v1;
	[tilespmem:s24+$0x180] =	vst v8;
	v8 =	vld.idx.msk [tilespmem:v62+s19+$0x0], $0xffff  }
0x3b7: {  	v2 =	vshrl.u32 v2, $0x8;
	v35 =	vor.u32 v51, v34;
	[tilespmem:s24+$0x200] =	vst v6;
	v6 =	vld.idx.msk [tilespmem:v59+s19+$0x0], $0xffff  }
0x3b8: {  	v2 =	vand.u32 $0xFFFF00, v2;
	v34 =	vor.u32 v53, v34;
	v31 =	vld.idx.msk [tilespmem:v31+s19+$0x0], $0xffff  }
0x3b9: {  	v38 =	vor.u32 v54, v2;
	[tilespmem:s24+$0x270] =	vst v27;
	v32 =	vld.idx.msk [tilespmem:v32+s19+$0x0], $0xffff  }
0x3ba: {  	v2 =	vor.u32 v58, v2;
	[tilespmem:s24+$0x190] =	vst v11;
	v33 =	vld.idx.msk [tilespmem:v33+s19+$0x0], $0xffff  }
0x3bb: {  	v42 =	vshll.u32 v21, $0x8;
	v21 =	vshrl.u32 v21, $0x8;
	v27 =	vor.u32 v43, v40;
	[tilespmem:s24+$0x210] =	vst v0;
	v1 =	vld.idx.msk [tilespmem:v1+s19+$0x0], $0xffff  }
0x3bc: {  	v21 =	vand.u32 $0xFFFF00, v21;
	v11 =	vor.u32 v45, v61;
	[tilespmem:s24+$0x1A0] =	vst v13;
	v35 =	vld.idx.msk [tilespmem:v35+s19+$0x0], $0xffff  }
0x3bd: {  	v0 =	vand.u32 $0xFFFF00, v63;
	[tilespmem:s24+$0x1F0] =	vst v30;
	v30 =	vor.u32 v45, v21;
	v21 =	vor.u32 v46, v21;
	v34 =	vld.idx.msk [tilespmem:v34+s19+$0x0], $0xffff  }
0x3be: {  	[tilespmem:s24+$0x1C0] =	vst v26;
	v26 =	vshll.u32 v24, $0x8;
	v60 =	vor.u32 v45, v0;
	v38 =	vld.idx.msk [tilespmem:v38+s19+$0x0], $0xffff  }
0x3bf: {  	[tilespmem:s24+$0x220] =	vst v12;
	v0 =	vor.u32 v46, v0;
	v26 =	vand.u32 $0xFFFF00, v26;
	v2 =	vld.idx.msk [tilespmem:v2+s19+$0x0], $0xffff  }
0x3c0: {  	[tilespmem:s24+$0x1B0] =	vst v14;
	v24 =	vshrl.u32 v24, $0x8;
	v63 =	vor.u32 v51, v26;
	v13 =	vld.idx.msk [tilespmem:v27+s19+$0x0], $0xffff  }
0x3c1: {  	[tilespmem:s24+$0x230] =	vst v4;
	v24 =	vand.u32 $0xFFFF00, v24;
	v26 =	vor.u32 v53, v26;
	v11 =	vld.idx.msk [tilespmem:v11+s19+$0x0], $0xffff  }
0x3c2: {  	v40 =	vor.u32 v54, v24;
	[tilespmem:s24+$0xFFFFFDE0] =	vst v39;
	v39 =	vld.idx.msk [tilespmem:v21+s19+$0x0], $0xffff  }
0x3c3: {  	[tilespmem:s24+$0x240] =	vst v15;
	v24 =	vor.u32 v58, v24;
	v27 =	vshll.u32 v7, $0x8;
	v12 =	vld.idx.msk [tilespmem:v60+s19+$0x0], $0xffff  }
0x3c4: {  	[tilespmem:s24+$0x1D0] =	vst v28;
	v61 =	vand.u32 $0xFFFF00, v27;
	v0 =	vld.idx.msk [tilespmem:v0+s19+$0x0], $0xffff  }
0x3c5: {  	v7 =	vshrl.u32 v7, $0x8;
	[tilespmem:s24+$0xFFFFFE00] =	vst v8;
	v62 =	vor.u32 v47, v61;
	v8 =	vld.idx.msk [tilespmem:v63+s19+$0x0], $0xffff  }
0x3c6: {  	[tilespmem:s24+$0x250] =	vst v9;
	v7 =	vand.u32 $0xFFFF00, v7;
	v14 =	vor.u32 v48, v61;
	v26 =	vld.idx.msk [tilespmem:v26+s19+$0x0], $0xffff  }
0x3c7: {  	[tilespmem:s24+$0x260] =	vst v10;
	v15 =	vor.u32 v49, v7;
	v10 =	vld.idx.msk [tilespmem:v40+s19+$0x0], $0xffff  }
0x3c8: {  	[tilespmem:s24+$0x1E0] =	vst v29;
	v27 =	vshll.u32 v23, $0x8;
	v60 =	vand.u32 $0xFFFF00, v42;
	v7 =	vor.u32 v50, v7;
	v29 =	vld.idx.msk [tilespmem:v24+s19+$0x0], $0xffff  }
0x3c9: {  	[tilespmem:s24+$0xFFFFFE10] =	vst v5;
	v27 =	vand.u32 $0xFFFF00, v27;
	v5 =	vor.u32 v44, v60;
	v40 =	vld.idx.msk [tilespmem:v30+s19+$0x0], $0xffff  }
0x3ca: {  	[tilespmem:s24+$0xFFFFFD80] =	vst v36;
	v23 =	vshrl.u32 v23, $0x8;
	v28 =	vor.u32 v55, v27;
	v4 =	vld.idx.msk [tilespmem:v62+s19+$0x0], $0xffff  }
0x3cb: {  	[tilespmem:s24+$0xFFFFFE60] =	vst v37;
	v23 =	vand.u32 $0xFFFF00, v23;
	v27 =	vor.u32 v56, v27;
	v14 =	vld.idx.msk [tilespmem:v14+s19+$0x0], $0xffff  }
0x3cc: {  	[tilespmem:s24+$0xFFFFFDF0] =	vst v41;
	v59 =	vor.u32 v57, v23;
	v15 =	vld.idx.msk [tilespmem:v15+s19+$0x0], $0xffff  }
0x3cd: {  	[tilespmem:s24+$0xFFFFFE70] =	vst v3;
	v24 =	vshll.u32 v25, $0x8;
	v61 =	vor.u32 v52, v23;
	v7 =	vld.idx.msk [tilespmem:v7+s19+$0x0], $0xffff  }
0x3ce: {  	[tilespmem:s24+$0xFFFFFDA0] =	vst v31;
	v23 =	vor.u32 v43, v60;
	v62 =	vand.u32 $0xFFFF00, v24;
	v5 =	vld.idx.msk [tilespmem:v5+s19+$0x0], $0xffff  }
0x3cf: {  	[tilespmem:s24+$0xFFFFFE20] =	vst v32;
	v24 =	vshrl.u32 v25, $0x8;
	v28 =	vld.idx.msk [tilespmem:v28+s19+$0x0], $0xffff;
	v25 =	vor.u32 v47, v62  }
0x3d0: {  	[tilespmem:s24+$0xFFFFFE30] =	vst v1;
	v31 =	vld.idx.msk [tilespmem:v27+s19+$0x0], $0xffff;
	v24 =	vand.u32 $0xFFFF00, v24;
	v1 =	vor.u32 v48, v62  }
0x3d1: {  	[tilespmem:s24+$0xFFFFFD90] =	vst v11;
	v11 =	vld.idx.msk [tilespmem:v59+s19+$0x0], $0xffff;
	v27 =	vshll.u32 v22, $0x8;
	v63 =	vor.u32 v49, v24  }
0x3d2: {  	[tilespmem:s24+$0xFFFFFDB0] =	vst v33;
	v9 =	vld.idx.msk [tilespmem:v61+s19+$0x0], $0xffff;
	v33 =	vand.u32 $0xFFFF00, v27;
	v24 =	vor.u32 v50, v24  }
0x3d3: {  	[tilespmem:s24+$0xFFFFFDC0] =	vst v35;
	v23 =	vld.idx.msk [tilespmem:v23+s19+$0x0], $0xffff;
	v22 =	vshrl.u32 v22, $0x8;
	v27 =	vor.u32 v51, v33  }
0x3d4: {  	[tilespmem:s24+$0xFFFFFE50] =	vst v2;
	v21 =	vand.u32 $0xFFFF00, v22;
	v2 =	vor.u32 v53, v33;
	v22 =	vld.idx.msk [tilespmem:v25+s19+$0x0], $0xffff  }
0x3d5: {  	[tilespmem:s24+$0xFFFFFE40] =	vst v34;
	v30 =	vor.u32 v54, v21;
	v25 =	vshll.u32 v20, $0x8;
	v1 =	vld.idx.msk [tilespmem:v1+s19+$0x0], $0xffff  }
0x3d6: {  	[tilespmem:s24+$0xFFFFFDD0] =	vst v38;
	v34 =	vand.u32 $0xFFFF00, v25;
	v25 =	vor.u32 v58, v21;
	v41 =	vld.idx.msk [tilespmem:v63+s19+$0x0], $0xffff  }
0x3d7: {  	[tilespmem:s24+$0xFFFFFE80] =	vst v13;
	v20 =	vshrl.u32 v20, $0x8;
	v42 =	vld.idx.msk [tilespmem:v24+s19+$0x0], $0xffff;
	v35 =	vor.u32 v55, v34  }
0x3d8: {  	[tilespmem:s24+$0xFFFFFF00] =	vst v6;
	v21 =	vand.u32 $0xFFFF00, v20;
	v3 =	vor.u32 v56, v34;
	v6 =	vld.idx.msk [tilespmem:v27+s19+$0x0], $0xffff  }
0x3d9: {  	[tilespmem:s24+$0xFFFFFE90] =	vst v12;
	v24 =	vshll.u32 v19, $0x8;
	v36 =	vor.u32 v57, v21;
	v20 =	vld.idx.msk [tilespmem:v2+s19+$0x0], $0xffff  }
0x3da: {  	[tilespmem:s24+$0xFFFFFF10] =	vst v0;
	v37 =	vand.u32 $0xFFFF00, v24;
	v38 =	vor.u32 v52, v21;
	v21 =	vld.idx.msk [tilespmem:v30+s19+$0x0], $0xffff  }
0x3db: {  	v60 =	vshll.u32 v18, $0x8;
	[tilespmem:s24+$0xFFFFFEC0] =	vst v8;
	v24 =	vshrl.u32 v19, $0x8;
	v59 =	vor.u32 v43, v37;
	v19 =	vld.idx.msk [tilespmem:v25+s19+$0x0], $0xffff  }
0x3dc: {  	v62 =	vand.u32 $0xFFFF00, v60;
	[tilespmem:s24+$0xFFFFFF40] =	vst v26;
	v0 =	vor.u32 v44, v37;
	v25 =	vand.u32 $0xFFFF00, v24;
	v24 =	vld.idx.msk [tilespmem:v35+s19+$0x0], $0xffff  }
0x3dd: {  	[tilespmem:s24+$0xFFFFFED0] =	vst v10;
	v44 =	vor.u32 v47, v62;
	v27 =	vld.idx.msk [tilespmem:v3+s19+$0x0], $0xffff  }
0x3de: {  	[tilespmem:s24+$0xFFFFFF50] =	vst v29;
	v61 =	vor.u32 v45, v25;
	v35 =	vld.idx.msk [tilespmem:v36+s19+$0x0], $0xffff  }
0x3df: {  	[tilespmem:s24+$0xFFFFFEA0] =	vst v4;
	v43 =	vshrl.u32 v18, $0x8;
	v63 =	vor.u32 v46, v25;
	v36 =	vld.idx.msk [tilespmem:v38+s19+$0x0], $0xffff  }
0x3e0: {  	[tilespmem:s24+$0xFFFFFF20] =	vst v14;
	v45 =	vand.u32 $0xFFFF00, v43;
	v3 =	vor.u32 v48, v62;
	v37 =	vld.idx.msk [tilespmem:v59+s19+$0x0], $0xffff  }
0x3e1: {  	[tilespmem:s24+$0xFFFFFEB0] =	vst v15;
	v46 =	vshll.u32 v17, $0x8;
	v47 =	vor.u32 v49, v45;
	v38 =	vld.idx.msk [tilespmem:v0+s19+$0x0], $0xffff  }
0x3e2: {  	[tilespmem:s24+$0xFFFFFF30] =	vst v7;
	v48 =	vand.u32 $0xFFFF00, v46;
	v2 =	vor.u32 v50, v45;
	v29 =	vld.idx.msk [tilespmem:v44+s19+$0x0], $0xffff  }
0x3e3: {  	[tilespmem:s24+$0xFFFFFEE0] =	vst v28;
	v49 =	vshrl.u32 v17, $0x8;
	v50 =	vor.u32 v51, v48;
	v34 =	vld.idx.msk [tilespmem:v61+s19+$0x0], $0xffff  }
0x3e4: {  	[tilespmem:s24+$0xFFFFFF60] =	vst v31;
	v4 =	vand.u32 $0xFFFF00, v49;
	v0 =	vor.u32 v53, v48;
	v28 =	vld.idx.msk [tilespmem:v63+s19+$0x0], $0xffff  }
0x3e5: {  	[tilespmem:s24+$0xFFFFFEF0] =	vst v11;
	v51 =	vshll.u32 v16, $0x8;
	v53 =	vor.u32 v54, v4;
	v30 =	vld.idx.msk [tilespmem:v3+s19+$0x0], $0xffff  }
0x3e6: {  	[tilespmem:s24+$0xFFFFFF70] =	vst v9;
	v54 =	vand.u32 $0xFFFF00, v51;
	v4 =	vor.u32 v58, v4;
	v31 =	vld.idx.msk [tilespmem:v47+s19+$0x0], $0xffff  }
0x3e7: {  	[tilespmem:s24+$0xFFFFFF80] =	vst v23;
	v59 =	vshrl.u32 v16, $0x8;
	v60 =	vor.u32 v55, v54;
	v32 =	vld.idx.msk [tilespmem:v2+s19+$0x0], $0xffff  }
0x3e8: {  	[tilespmem:s24+$0x0] =	vst v5;
	v61 =	vand.u32 $0xFFFF00, v59;
	v3 =	vor.u32 v56, v54;
	v33 =	vld.idx.msk [tilespmem:v50+s19+$0x0], $0xffff  }
0x3e9: {  	[tilespmem:s24+$0xFFFFFF90] =	vst v40;
	v62 =	vor.u32 v57, v61;
	v26 =	vld.idx.msk [tilespmem:v0+s19+$0x0], $0xffff  }
0x3ea: {  	[tilespmem:s24+$0x10] =	vst v39;
	v63 =	vor.u32 v52, v61;
	v25 =	vld.idx.msk [tilespmem:v53+s19+$0x0], $0xffff  }
0x3eb: {  	[tilespmem:s24+$0xFFFFFFA0] =	vst v22;
	v23 =	vld.idx.msk [tilespmem:v4+s19+$0x0], $0xffff  }
0x3ec: {  	[tilespmem:s24+$0x20] =	vst v1;
	v22 =	vld.idx.msk [tilespmem:v60+s19+$0x0], $0xffff  }
0x3ed: {  	[tilespmem:s24+$0xFFFFFFB0] =	vst v41;
	v41 =	vld.idx.msk [tilespmem:v3+s19+$0x0], $0xffff  }
0x3ee: {  	[tilespmem:s24+$0x30] =	vst v42;
	v17 =	vld.idx.msk [tilespmem:v62+s19+$0x0], $0xffff  }
0x3ef: {  	s11 =	simm.s32 $0x19820;
	s10 =	simm.s32 $0x0;
	[tilespmem:s24+$0xFFFFFFC0] =	vst v6;
	v16 =	vld.idx.msk [tilespmem:v63+s19+$0x0], $0xffff  }
.LBB2_17:
0x3f0: {  	v0 =	vld [tilespmem:s11+$0x60]  }
0x3f1: {  	v1 =	vld [tilespmem:s11+$0xFFFFFF70];
	[tilespmem:s24+$0x130] =	vst v32  }
0x3f2: {  	v2 =	vld [tilespmem:s11+$0xFFFFFF80];
	[tilespmem:s24+$0xC0] =	vst v33  }
0x3f3: {  	v3 =	vld [tilespmem:s11+$0xFFFFFF90];
	[tilespmem:s24+$0x140] =	vst v26  }
0x3f4: {  	v4 =	vld [tilespmem:s11+$0x70];
	[tilespmem:s24+$0x40] =	vst v20  }
0x3f5: {  	v5 =	vld [tilespmem:s11+$0xFFFFFFA0];
	[tilespmem:s24+$0xFFFFFFD0] =	vst v21  }
0x3f6: {  	v8 =	vld [tilespmem:s11+$0xFFFFFFB0];
	[tilespmem:s24+$0x50] =	vst v19  }
0x3f7: {  	v10 =	vld [tilespmem:s11+$0xFFFFFFC0];
	[tilespmem:s24+$0xFFFFFFE0] =	vst v24  }
0x3f8: {  	v12 =	vld [tilespmem:s11+$0x80];
	[tilespmem:s24+$0x60] =	vst v27  }
0x3f9: {  	v57 =	vld [tilespmem:$0x1FF10];
	[tilespmem:s24+$0xFFFFFFF0] =	vst v35  }
0x3fa: {  	v14 =	vld [tilespmem:s11+$0x90];
	[tilespmem:s24+$0x70] =	vst v36  }
0x3fb: {  	v58 =	vld [tilespmem:$0x1FF20];
	[tilespmem:s24+$0x80] =	vst v37  }
0x3fc: {  	v59 =	vld [tilespmem:$0x1FF30];
	[tilespmem:s24+$0x100] =	vst v38  }
0x3fd: {  	v60 =	vld [tilespmem:$0x1FF40];
	[tilespmem:s24+$0x90] =	vst v34  }
0x3fe: {  	v61 =	vld [tilespmem:$0x1FF50];
	[tilespmem:s24+$0x110] =	vst v28  }
0x3ff: {  	v63 =	vld [tilespmem:$0x1FF60];
	[tilespmem:s24+$0xA0] =	vst v29  }
0x400: {  	v18 =	vld [tilespmem:$0x1FF90];
	[tilespmem:s24+$0x120] =	vst v30  }
0x401: {  	v20 =	vld [tilespmem:s11+$0xFFFFFFD0];
	[tilespmem:s24+$0xB0] =	vst v31  }
0x402: {  	v36 =	vld [tilespmem:$0x1FF70];
	[tilespmem:s24+$0xD0] =	vst v25;
	v6 =	vshll.u32 v0, $0x8  }
0x403: {  	v56 =	vlaneseq.u32;
	v28 =	vld [tilespmem:$0x1FF80];
	[tilespmem:s24+$0x150] =	vst v23;
	v6 =	vand.u32 $0xFFFF00, v6  }
0x404: {  	v38 =	vld [tilespmem:$0x1FFF0];
	[tilespmem:s24+$0xE0] =	vst v22;
	v0 =	vshrl.u32 v0, $0x8;
	v11 =	vor.u32 v56, v6  }
0x405: {  	[tilespmem:s24+$0x160] =	vst v41;
	v19 =	vshll.u32 v4, $0x8;
	v24 =	vld [tilespmem:s11+$0xFFFFFFE0];
	v0 =	vand.u32 $0xFFFF00, v0;
	v6 =	vor.u32 v57, v6  }
0x406: {  	[tilespmem:s24+$0xF0] =	vst v17;
	v43 =	vshll.u32 v8, $0x8;
	v39 =	vshrl.u32 v8, $0x8;
	v8 =	vld [tilespmem:$0x1FFC0];
	v15 =	vor.u32 v58, v0  }
0x407: {  	[tilespmem:s24+$0x170] =	vst v16;
	v62 =	vld [tilespmem:s11+$0x0];
	v19 =	vand.u32 $0xFFFF00, v19;
	v0 =	vor.u32 v59, v0  }
0x408: {  	v4 =	vshrl.u32 v4, $0x8;
	v41 =	vld [tilespmem:s11+$0x20];
	v27 =	vor.u32 v60, v19  }
0x409: {  	v4 =	vand.u32 $0xFFFF00, v4;
	v19 =	vor.u32 v61, v19;
	v37 =	vld.idx.msk [tilespmem:v11+s19+$0x0], $0xffff  }
0x40a: {  	v29 =	vor.u32 v63, v4;
	v44 =	vld.idx.msk [tilespmem:v6+s19+$0x0], $0xffff  }
0x40b: {  	v40 =	vld.idx.msk [tilespmem:v15+s19+$0x0], $0xffff  }
0x40c: {  	v42 =	vld.idx.msk [tilespmem:v0+s19+$0x0], $0xffff  }
0x40d: {  	v27 =	vld.idx.msk [tilespmem:v27+s19+$0x0], $0xffff  }
0x40e: {  	v30 =	vshll.u32 v12, $0x8;
	v26 =	vld.idx.msk [tilespmem:v19+s19+$0x0], $0xffff  }
0x40f: {  	v31 =	vshrl.u32 v14, $0x8;
	v30 =	vand.u32 $0xFFFF00, v30;
	v4 =	vor.u32 v36, v4;
	v29 =	vld.idx.msk [tilespmem:v29+s19+$0x0], $0xffff  }
0x410: {  	v31 =	vand.u32 $0xFFFF00, v31;
	v46 =	vor.u32 v28, v30;
	v15 =	vld [tilespmem:$0x1FFA0]  }
0x411: {  	v7 =	vshll.u32 v1, $0x8;
	v1 =	vshrl.u32 v1, $0x8;
	v54 =	vor.u32 v38, v31;
	v11 =	vld [tilespmem:$0x1FFB0]  }
0x412: {  	v14 =	vshll.u32 v14, $0x8;
	v7 =	vand.u32 $0xFFFF00, v7;
	v23 =	vshrl.u32 v24, $0x8;
	v6 =	vld [tilespmem:$0x1FFD0]  }
0x413: {  	v50 =	vand.u32 $0xFFFF00, v23;
	v23 =	vor.u32 v60, v7;
	v7 =	vor.u32 v61, v7;
	v0 =	vld [tilespmem:$0x1FFE0]  }
0x414: {  	v12 =	vshrl.u32 v12, $0x8;
	v14 =	vand.u32 $0xFFFF00, v14;
	v19 =	vor.u32 v18, v30;
	v4 =	vld.idx.msk [tilespmem:v4+s19+$0x0], $0xffff  }
0x415: {  	v12 =	vand.u32 $0xFFFF00, v12;
	v22 =	vshll.u32 v24, $0x8;
	v55 =	vor.u32 v8, v14;
	v24 =	vld.idx.msk [tilespmem:v46+s19+$0x0], $0xffff  }
0x416: {  	v9 =	vshll.u32 v2, $0x8;
	v2 =	vshrl.u32 v2, $0x8;
	v34 =	vld.idx.msk [tilespmem:v54+s19+$0x0], $0xffff;
	v30 =	vor.u32 v15, v12  }
0x417: {  	v13 =	vshll.u32 v3, $0x8;
	v21 =	vshll.u32 v5, $0x8;
	v54 =	vld [tilespmem:s11+$0x10];
	v12 =	vor.u32 v11, v12  }
0x418: {  	v5 =	vshrl.u32 v5, $0x8;
	v9 =	vand.u32 $0xFFFF00, v9;
	v7 =	vld.idx.msk [tilespmem:v7+s19+$0x0], $0xffff;
	v14 =	vor.u32 v6, v14  }
0x419: {  	v5 =	vand.u32 $0xFFFF00, v5;
	v25 =	vshll.u32 v20, $0x8;
	v35 =	vld.idx.msk [tilespmem:v19+s19+$0x0], $0xffff;
	v17 =	vor.u32 v0, v31  }
0x41a: {  	v20 =	vshrl.u32 v20, $0x8;
	v52 =	vor.u32 v28, v9;
	v9 =	vor.u32 v18, v9;
	v31 =	vld.idx.msk [tilespmem:v55+s19+$0x0], $0xffff  }
0x41b: {  	v3 =	vshrl.u32 v3, $0x8;
	v32 =	vand.u32 $0xFFFF00, v20;
	v20 =	vor.u32 v58, v5;
	v30 =	vld.idx.msk [tilespmem:v30+s19+$0x0], $0xffff  }
0x41c: {  	v47 =	vshll.u32 v10, $0x8;
	v10 =	vshrl.u32 v10, $0x8;
	v1 =	vand.u32 $0xFFFF00, v1;
	v12 =	vld.idx.msk [tilespmem:v12+s19+$0x0], $0xffff  }
0x41d: {  	s24 =	sadd.s32 $0x500, s24;
	v2 =	vand.u32 $0xFFFF00, v2;
	v13 =	vand.u32 $0xFFFF00, v13;
	v3 =	vand.u32 $0xFFFF00, v3;
	[tilespmem:$0x1FC50] =	vst v7;
	v14 =	vld.idx.msk [tilespmem:v14+s19+$0x0], $0xffff  }
0x41e: {  	v16 =	vand.u32 $0xFFFF00, v21;
	v21 =	vand.u32 $0xFFFF00, v43;
	v51 =	vand.u32 $0xFFFF00, v39;
	v33 =	vld.idx.msk [tilespmem:v17+s19+$0x0], $0xffff;
	[tilespmem:s24+$0x270] =	vst v34  }
0x41f: {  	v49 =	vand.u32 $0xFFFF00, v47;
	v10 =	vand.u32 $0xFFFF00, v10;
	v48 =	vor.u32 v56, v16;
	v9 =	vld.idx.msk [tilespmem:v9+s19+$0x0], $0xffff;
	[tilespmem:s24+$0x180] =	vst v37  }
0x420: {  	v25 =	vand.u32 $0xFFFF00, v25;
	v5 =	vor.u32 v59, v5;
	v46 =	vor.u32 v8, v13;
	v20 =	vld.idx.msk [tilespmem:v20+s19+$0x0], $0xffff;
	[tilespmem:s24+$0x200] =	vst v44  }
0x421: {  	v19 =	vand.u32 $0xFFFF00, v22;
	v47 =	vor.u32 v15, v2;
	v2 =	vor.u32 v11, v2;
	v55 =	vld [tilespmem:s11+$0x30];
	[tilespmem:s24+$0x190] =	vst v40  }
0x422: {  	v43 =	vld [tilespmem:s11+$0x50];
	v13 =	vor.u32 v6, v13;
	v53 =	vor.u32 v0, v3;
	v3 =	vor.u32 v38, v3;
	[tilespmem:s24+$0x210] =	vst v42  }
0x423: {  	v22 =	vor.u32 v60, v21;
	v45 =	vshll.u32 v54, $0x8;
	v39 =	vshrl.u32 v54, $0x8;
	v17 =	vld [tilespmem:s11+$0xFFFFFFF0];
	[tilespmem:s24+$0x1A0] =	vst v27  }
0x424: {  	v34 =	vor.u32 v63, v1;
	v1 =	vor.u32 v36, v1;
	v40 =	vor.u32 v57, v16;
	v27 =	vld [tilespmem:s11+$0x40];
	[tilespmem:s24+$0x220] =	vst v26  }
0x425: {  	v16 =	vor.u32 v61, v21;
	v21 =	vshll.u32 v62, $0x8;
	v37 =	vshrl.u32 v62, $0x8;
	[tilespmem:s24+$0x1B0] =	vst v29;
	v62 =	vld.idx.msk [tilespmem:v23+s19+$0x0], $0xffff  }
0x426: {  	v29 =	vld [tilespmem:s11+$0xFFFFFF60];
	v23 =	vshll.u32 v41, $0x8;
	v41 =	vshrl.u32 v41, $0x8;
	[tilespmem:s24+$0x1C0] =	vst v24;
	v24 =	vshll.u32 v55, $0x8  }
0x427: {  	[tilespmem:s24+$0x230] =	vst v4;
	v47 =	vld.idx.msk [tilespmem:v47+s19+$0x0], $0xffff;
	v42 =	vor.u32 v63, v51;
	v4 =	vand.u32 $0xFFFF00, v21;
	v7 =	vand.u32 $0xFFFF00, v37  }
0x428: {  	v5 =	vld.idx.msk [tilespmem:v5+s19+$0x0], $0xffff;
	[tilespmem:s24+$0x1E0] =	vst v31;
	v37 =	vshrl.u32 v55, $0x8;
	v55 =	vshll.u32 v43, $0x8;
	v23 =	vand.u32 $0xFFFF00, v23  }
0x429: {  	[tilespmem:$0x1FC30] =	vst v16;
	v31 =	vand.u32 $0xFFFF00, v41;
	v21 =	vld.idx.msk [tilespmem:v53+s19+$0x0], $0xffff;
	v53 =	vor.u32 v15, v7;
	v7 =	vor.u32 v11, v7  }
0x42a: {  	v13 =	vld.idx.msk [tilespmem:v13+s19+$0x0], $0xffff;
	v16 =	vshll.u32 v17, $0x8;
	v17 =	vshrl.u32 v17, $0x8;
	[tilespmem:$0x1FC40] =	vst v62;
	v54 =	vshll.u32 v27, $0x8  }
0x42b: {  	v22 =	vld.idx.msk [tilespmem:v22+s19+$0x0], $0xffff;
	v27 =	vshrl.u32 v27, $0x8;
	v62 =	vshrl.u32 v43, $0x8;
	v43 =	vshll.u32 v29, $0x8;
	[tilespmem:s24+$0x260] =	vst v14  }
0x42c: {  	v1 =	vld.idx.msk [tilespmem:v1+s19+$0x0], $0xffff;
	v29 =	vshrl.u32 v29, $0x8;
	[tilespmem:$0x1FC90] =	vst v47;
	v14 =	vand.u32 $0xFFFF00, v24;
	v24 =	vand.u32 $0xFFFF00, v37  }
0x42d: {  	[tilespmem:s24+$0x1F0] =	vst v33;
	v33 =	vand.u32 $0xFFFF00, v55;
	v47 =	vor.u32 v0, v32;
	v32 =	vor.u32 v38, v32;
	v40 =	vld.idx.msk [tilespmem:v40+s19+$0x0], $0xffff  }
0x42e: {  	[tilespmem:s24+$0x240] =	vst v35;
	v26 =	vand.u32 $0xFFFF00, v16;
	v44 =	vand.u32 $0xFFFF00, v17;
	v16 =	vld.idx.msk [tilespmem:v34+s19+$0x0], $0xffff;
	v34 =	vand.u32 $0xFFFF00, v45  }
0x42f: {  	[tilespmem:s24+$0x250] =	vst v12;
	v45 =	vld.idx.msk [tilespmem:v52+s19+$0x0], $0xffff;
	v12 =	vand.u32 $0xFFFF00, v43;
	v29 =	vand.u32 $0xFFFF00, v29;
	v35 =	vand.u32 $0xFFFF00, v54  }
0x430: {  	v52 =	vld.idx.msk [tilespmem:v2+s19+$0x0], $0xffff;
	v27 =	vand.u32 $0xFFFF00, v27;
	v37 =	vand.u32 $0xFFFF00, v62;
	v43 =	vor.u32 v28, v49  }
0x431: {  	v62 =	vld.idx.msk [tilespmem:v46+s19+$0x0], $0xffff;
	v2 =	vor.u32 v18, v49;
	v46 =	vor.u32 v8, v25;
	v25 =	vor.u32 v6, v25  }
0x432: {  	v17 =	vld.idx.msk [tilespmem:v3+s19+$0x0], $0xffff;
	v49 =	vor.u32 v58, v50;
	v3 =	vor.u32 v59, v50;
	v54 =	vor.u32 v56, v12  }
0x433: {  	v12 =	vor.u32 v57, v12;
	v55 =	vor.u32 v58, v29;
	v29 =	vor.u32 v59, v29;
	[tilespmem:$0x1FC60] =	vst v16  }
0x434: {  	v50 =	vor.u32 v60, v26;
	v26 =	vor.u32 v61, v26;
	[tilespmem:$0x1FC80] =	vst v45;
	v45 =	vor.u32 v15, v10  }
0x435: {  	v16 =	vld.idx.msk [tilespmem:v48+s19+$0x0], $0xffff;
	v48 =	vor.u32 v56, v19;
	v19 =	vor.u32 v57, v19;
	v56 =	vor.u32 v56, v23  }
0x436: {  	v32 =	vld.idx.msk [tilespmem:v32+s19+$0x0], $0xffff;
	v23 =	vor.u32 v57, v23;
	v57 =	vor.u32 v58, v31;
	v31 =	vor.u32 v59, v31  }
0x437: {  	[tilespmem:$0x1FCA0] =	vst v52;
	v58 =	vor.u32 v60, v14;
	v59 =	vor.u32 v63, v24;
	v60 =	vor.u32 v36, v24;
	v24 =	vld [tilespmem:$0x1FC30]  }
0x438: {  	v10 =	vor.u32 v11, v10;
	v15 =	vor.u32 v15, v27;
	v11 =	vor.u32 v11, v27;
	v27 =	vld.idx.msk [tilespmem:v42+s19+$0x0], $0xffff  }
0x439: {  	v52 =	vor.u32 v28, v4;
	v14 =	vor.u32 v61, v14;
	v61 =	vor.u32 v28, v35;
	v28 =	vld.idx.msk [tilespmem:v2+s19+$0x0], $0xffff  }
0x43a: {  	[tilespmem:$0x1FC70] =	vst v1;
	v1 =	vor.u32 v36, v51;
	v51 =	vor.u32 v63, v44;
	v44 =	vor.u32 v36, v44;
	v36 =	vld [tilespmem:$0x1FC40]  }
0x43b: {  	v25 =	vld.idx.msk [tilespmem:v25+s19+$0x0], $0xffff  }
0x43c: {  	[tilespmem:s24+$0x1D0] =	vst v30;
	v30 =	vand.u32 $0xFFFF00, v39;
	v39 =	vld.idx.msk [tilespmem:v54+s19+$0x0], $0xffff  }
0x43d: {  	v12 =	vld.idx.msk [tilespmem:v12+s19+$0x0], $0xffff  }
0x43e: {  	v41 =	vld.idx.msk [tilespmem:v55+s19+$0x0], $0xffff  }
0x43f: {  	v42 =	vor.u32 v8, v33;
	v29 =	vld.idx.msk [tilespmem:v29+s19+$0x0], $0xffff  }
0x440: {  	v54 =	vor.u32 v8, v34;
	v34 =	vor.u32 v6, v34;
	v6 =	vor.u32 v6, v33;
	v33 =	vld.idx.msk [tilespmem:v46+s19+$0x0], $0xffff  }
0x441: {  	v50 =	vld.idx.msk [tilespmem:v50+s19+$0x0], $0xffff  }
0x442: {  	v4 =	vor.u32 v18, v4;
	v63 =	vor.u32 v18, v35;
	[tilespmem:s24+$0xFFFFFDF0] =	vst v21;
	v18 =	vld.idx.msk [tilespmem:v26+s19+$0x0], $0xffff  }
0x443: {  	v21 =	vld.idx.msk [tilespmem:v53+s19+$0x0], $0xffff;
	[tilespmem:$0x1FCD0] =	vst v6  }
0x444: {  	[tilespmem:s24+$0xFFFFFDE0] =	vst v62;
	v62 =	vld [tilespmem:$0x1FCD0]  }
0x445: {  	v8 =	vld.idx.msk [tilespmem:v1+s19+$0x0], $0xffff  }
0x446: {  	v51 =	vld.idx.msk [tilespmem:v51+s19+$0x0], $0xffff  }
0x447: {  	[tilespmem:$0x1FCB0] =	vst v15;
	v15 =	vld.idx.msk [tilespmem:v44+s19+$0x0], $0xffff  }
0x448: {  	[tilespmem:$0x1FCC0] =	vst v11;
	v10 =	vld.idx.msk [tilespmem:v10+s19+$0x0], $0xffff  }
0x449: {  	[tilespmem:s24+$0xFFFFFE40] =	vst v9;
	v9 =	vld.idx.msk [tilespmem:v48+s19+$0x0], $0xffff  }
0x44a: {  	[tilespmem:s24+$0xFFFFFE60] =	vst v13;
	v46 =	vld.idx.msk [tilespmem:v19+s19+$0x0], $0xffff  }
0x44b: {  	[tilespmem:s24+$0xFFFFFE00] =	vst v12;
	v12 =	vld.idx.msk [tilespmem:v43+s19+$0x0], $0xffff  }
0x44c: {  	[tilespmem:s24+$0xFFFFFE10] =	vst v29;
	v29 =	vld.idx.msk [tilespmem:v45+s19+$0x0], $0xffff  }
0x44d: {  	v55 =	vor.u32 v0, v30;
	v0 =	vor.u32 v0, v37;
	[tilespmem:s24+$0xFFFFFD80] =	vst v39;
	v39 =	vor.u32 v38, v37;
	v37 =	vld [tilespmem:$0x1FC50]  }
0x44e: {  	v30 =	vor.u32 v38, v30;
	[tilespmem:s24+$0xFFFFFE70] =	vst v17;
	v38 =	vld [tilespmem:$0x1FC60]  }
0x44f: {  	[tilespmem:s24+$0xFFFFFD90] =	vst v41;
	v41 =	vld [tilespmem:$0x1FC70]  }
0x450: {  	[tilespmem:$0x1FCE0] =	vst v0;
	v43 =	vld [tilespmem:$0x1FC80]  }
0x451: {  	[tilespmem:s24+$0xFFFFFDA0] =	vst v36;
	v45 =	vld [tilespmem:$0x1FC90]  }
0x452: {  	v48 =	vld.idx.msk [tilespmem:v49+s19+$0x0], $0xffff;
	[tilespmem:s24+$0xFFFFFE20] =	vst v37  }
0x453: {  	v49 =	vld.idx.msk [tilespmem:v3+s19+$0x0], $0xffff;
	[tilespmem:s24+$0xFFFFFDB0] =	vst v38  }
0x454: {  	v52 =	vld.idx.msk [tilespmem:v52+s19+$0x0], $0xffff;
	[tilespmem:s24+$0xFFFFFE30] =	vst v41  }
0x455: {  	v19 =	vld.idx.msk [tilespmem:v7+s19+$0x0], $0xffff;
	[tilespmem:s24+$0xFFFFFDC0] =	vst v43  }
0x456: {  	v24 =	vld.idx.msk [tilespmem:v24+s19+$0x0], $0xffff;
	[tilespmem:s24+$0xFFFFFDD0] =	vst v45  }
0x457: {  	v41 =	vld.idx.msk [tilespmem:v47+s19+$0x0], $0xffff;
	[tilespmem:s24+$0xFFFFFE80] =	vst v16  }
0x458: {  	v26 =	vld.idx.msk [tilespmem:v63+s19+$0x0], $0xffff;
	[tilespmem:s24+$0xFFFFFF00] =	vst v40  }
0x459: {  	v63 =	vld [tilespmem:$0x1FCE0];
	[tilespmem:s24+$0xFFFFFE90] =	vst v20  }
0x45a: {  	v35 =	vld.idx.msk [tilespmem:v55+s19+$0x0], $0xffff;
	[tilespmem:s24+$0xFFFFFF10] =	vst v5  }
0x45b: {  	v36 =	vld.idx.msk [tilespmem:v30+s19+$0x0], $0xffff;
	[tilespmem:s24+$0xFFFFFEA0] =	vst v22  }
0x45c: {  	v30 =	vld.idx.msk [tilespmem:v14+s19+$0x0], $0xffff;
	[tilespmem:s24+$0xFFFFFEB0] =	vst v27  }
0x45d: {  	v47 =	vld [tilespmem:$0x1FCA0];
	[tilespmem:s24+$0xFFFFFF30] =	vst v8  }
0x45e: {  	v20 =	vld.idx.msk [tilespmem:v4+s19+$0x0], $0xffff;
	[tilespmem:s24+$0xFFFFFEC0] =	vst v12  }
0x45f: {  	v27 =	vld.idx.msk [tilespmem:v34+s19+$0x0], $0xffff;
	[tilespmem:s24+$0xFFFFFF40] =	vst v28  }
0x460: {  	v37 =	vld.idx.msk [tilespmem:v56+s19+$0x0], $0xffff;
	[tilespmem:s24+$0xFFFFFED0] =	vst v29  }
0x461: {  	v38 =	vld.idx.msk [tilespmem:v23+s19+$0x0], $0xffff;
	[tilespmem:s24+$0xFFFFFF50] =	vst v10  }
0x462: {  	v34 =	vld.idx.msk [tilespmem:v57+s19+$0x0], $0xffff;
	[tilespmem:s24+$0xFFFFFEE0] =	vst v33  }
0x463: {  	v28 =	vld.idx.msk [tilespmem:v31+s19+$0x0], $0xffff;
	[tilespmem:s24+$0xFFFFFF60] =	vst v25  }
0x464: {  	[tilespmem:s24+$0xFFFFFF70] =	vst v32;
	v32 =	vld.idx.msk [tilespmem:v60+s19+$0x0], $0xffff  }
0x465: {  	v33 =	vld.idx.msk [tilespmem:v61+s19+$0x0], $0xffff;
	[tilespmem:s24+$0xFFFFFF20] =	vst v24  }
0x466: {  	v24 =	vld.idx.msk [tilespmem:v54+s19+$0x0], $0xffff;
	[tilespmem:s24+$0xFFFFFF80] =	vst v9  }
0x467: {  	v60 =	vld [tilespmem:$0x1FCB0];
	[tilespmem:s24+$0x0] =	vst v46  }
0x468: {  	v61 =	vld [tilespmem:$0x1FCC0];
	[tilespmem:s24+$0xFFFFFF90] =	vst v48  }
0x469: {  	v29 =	vld.idx.msk [tilespmem:v58+s19+$0x0], $0xffff;
	[tilespmem:s24+$0x10] =	vst v49  }
0x46a: {  	s10 =	sadd.s32 $0x5, s10;
	v31 =	vld.idx.msk [tilespmem:v59+s19+$0x0], $0xffff;
	[tilespmem:s24+$0xFFFFFFA0] =	vst v50  }
0x46b: {  	p2 =	slt.u32 s10, $0x14;
	v22 =	vld.idx.msk [tilespmem:v42+s19+$0x0], $0xffff;
	[tilespmem:s24+$0x20] =	vst v18  }
.Ltmp10:
0x46c: {  	v16 =	vld.idx.msk [tilespmem:v39+s19+$0x0], $0xffff;
	[tilespmem:s24+$0xFFFFFFB0] =	vst v51;
	(pc) =	sbr.rel @p2 .LBB2_17-.Ltmp10, $4  }
0x46d: {  	[tilespmem:s24+$0x30] =	vst v15;
	v17 =	vld.idx.msk [tilespmem:v63+s19+$0x0], $0xffff  }
0x46e: {  	[tilespmem:s24+$0xFFFFFEF0] =	vst v41;
	v41 =	vld.idx.msk [tilespmem:v62+s19+$0x0], $0xffff  }
0x46f: {  	[tilespmem:s24+$0xFFFFFFC0] =	vst v52;
	v25 =	vld.idx.msk [tilespmem:v60+s19+$0x0], $0xffff  }
0x470: {  	s11 =	sadd.s32 $0x140, s11;
	[tilespmem:s24+$0xFFFFFE50] =	vst v47;
	v23 =	vld.idx.msk [tilespmem:v61+s19+$0x0], $0xffff  }
0x471: {  	[tilespmem:s24+$0x40] =	vst v20  }
0x472: {  	[tilespmem:s24+$0xFFFFFFD0] =	vst v21  }
0x473: {  	[tilespmem:s24+$0x50] =	vst v19  }
0x474: {  	[tilespmem:s24+$0xFFFFFFE0] =	vst v24  }
0x475: {  	[tilespmem:s24+$0x60] =	vst v27  }
0x476: {  	[tilespmem:s24+$0xFFFFFFF0] =	vst v35  }
0x477: {  	[tilespmem:s24+$0x70] =	vst v36  }
0x478: {  	[tilespmem:s24+$0x80] =	vst v37  }
0x479: {  	[tilespmem:s24+$0x100] =	vst v38  }
0x47a: {  	[tilespmem:s24+$0x90] =	vst v34  }
0x47b: {  	[tilespmem:s24+$0x110] =	vst v28  }
0x47c: {  	[tilespmem:s24+$0xA0] =	vst v29  }
0x47d: {  	[tilespmem:s24+$0x120] =	vst v30  }
0x47e: {  	[tilespmem:s24+$0xB0] =	vst v31  }
0x47f: {  	[tilespmem:s24+$0x130] =	vst v32  }
0x480: {  	[tilespmem:s24+$0xC0] =	vst v33  }
0x481: {  	[tilespmem:s24+$0x140] =	vst v26  }
0x482: {  	[tilespmem:s24+$0xE0] =	vst v22  }
0x483: {  	[tilespmem:s24+$0x170] =	vst v16  }
0x484: {  	[tilespmem:s24+$0xF0] =	vst v17  }
0x485: {  	s10 =	sadd.s32 s12, s15;
	[tilespmem:s24+$0x160] =	vst v41  }
0x486: {  	p2 =	seq.s32 s14, $0x3;
	s10 =	sshrl.u32 s10, $0x3;
	[tilespmem:s24+$0xD0] =	vst v25  }
0x487: {  	s11 =	smul.u32 @!p2 $0x32000, s14;
	s10 =	sadd.s32 s2, s10;
	[tilespmem:s24+$0x150] =	vst v23  }
0x488: {  	[hbm4b:s10+s17] =	stream.strided.scatter [tilespmem:s29], [sflag:$0x6], $0x1900, s18, s17, $0x38;
	[tilespmem:$0x1CE80] =	vst v63  }
0x489: {  	s10 =	sadd.s32 @!p2 s8, s11  }
0x48a: {  	s13 =	simm.s32 @!p2 $0x800;
	s15 =	simm.s32 @!p2 $0x19640;
	s10 =	sshrl.u32 @!p2 s10, $0x4  }
0x48b: {  	s14 =	sadd.s32 $0x1, s14;
	s11 =	simm.s32 @!p2 $0x40;
	s10 =	sadd.s32 @!p2 s5, s10  }
0x48c: {  	[tilespmem:s15], [sflag:$0x4] =	stream.strided.gather @!p2 [hbm4b:s10+s11], $0x640, s13, s11, $0x38;
	[tilespmem:$0x1CE80] =	vst v63  }
0x48d: {  	s10 =	simm.s32 @p1 $0x40;
	s11 =	simm.s32 @p1 $0x800;
	s13 =	simm.s32 @p1 $0x19640  }
0x48e: {  	[tilespmem:s13], [sflag:$0x4] =	stream.strided.gather @p1 [hbm4b:s1+s10], $0x640, s11, s10, $0x38;
	[tilespmem:$0x1CE80] =	vst v63  }
0x48f: {  	p1 =	sne.s32 s14, $0x4  }
.Ltmp11:
0x490: {  	_ = 	snop;
	(pc) =	sbr.rel @p1 .LBB2_10-.Ltmp11, $2  }
0x491: {  	_ =	sdelay $0x2  }
0x492: {  	v8 =	vlaneseq.u32  }
.Ltmp12:
0x493: {  	(pc) =	sbr.rel @p0 .LBB2_21-.Ltmp12, $1  }
0x494: {  	_ =	sdelay $0x3  }
0x495: {  	v0 =	vld [tilespmem:$0x1FF10]  }
0x496: {  	v1 =	vld [tilespmem:$0x1FF20]  }
0x497: {  	s1 =	sadd.s32 s6, s9;
	v2 =	vld [tilespmem:$0x1FF30]  }
.Ltmp13:
0x498: {  	s4 =	rddreg [dreg:$0xa];
	v3 =	vld [tilespmem:$0x1FF40];
	s1 =	sshll.u32 s1, $0xA;
	(pc) =	sbr.rel .LBB2_2-.Ltmp13, $4  }
0x499: {  	v4 =	vld [tilespmem:$0x1FF50];
	s1 =	sadd.s32 s4, s1  }
0x49a: {  	s30 =	rddreg [dreg:$0x0];
	v5 =	vld [tilespmem:$0x1FF60];
	s1 =	sshrl.u32 s1, $0x3  }
0x49b: {  	v6 =	vld [tilespmem:$0x1FF70];
	s4 =	smov.u32 s9;
	s1 =	sadd.s32 s30, s1  }
0x49c: {  	v7 =	vld [tilespmem:$0x1FF80];
	[tilespmem:s19], [sflag:$0x2] =	stream.strided.gather [hbm4b:s1+s17], $0xC800, s18, s17, $0x38  }
.LBB2_22:
0x49d: {  	_ =	sfence.sel $0x180000  }
0x49e: {  	[bflag:$0x0] =	sbarrier.arrive $0xFFFF  }
0x49f: {  	_ =	strace $0x90000047  }
0x4a0: {  	s0 =	stileid.u32;
	[bflag:$0x2] =	sbarrier.arrive $0xFFFF  }
0x4a1: {  	p0 =	sne.s32 s0, $0x0;
	s0 =	rddreg [dreg:$0x3]  }
0x4a2: {  	s0 =	sadd.s32 @!p0 $0x100000, s0  }
0x4a3: {  	[sflag:s0] =	ssyncadd.tile.s32 @!p0 $0x1;
	_ =	shalt  }
.Lfunc_end2:
_tile_overlayer_lowered:
.L_overlay_start_2:
0x4a4: {  	(tag) =	ssettag $0x2  }
0x4a5: {  	s0 =	rddreg [dreg:$0x0];
	s2 =	stileid.u32  }
0x4a6: {  	s1 =	rddreg [dreg:$0x1];
	p0 =	sne.s32 s2, $0x0  }
0x4a7: {  	s3 =	rddreg [dreg:$0x2];
	[bflag:$0x3] =	sbarrier.arrive $0xFFFF;
	s2 =	simm.s32 @!p0 $0x1C07  }
0x4a8: {  	[timem:s3], [sflag:s2] =	dma.local @!p0 [hbm:s0], s1  }
0x4a9: {  	s0 =	simm.s32 @!p0 $0x7  }
0x4aa: {  	_ =	swait.ge @!p0 [sflag:s0], s1  }
0x4ab: {  	s1 =	ssub.s32 @!p0 $0x0, s1;
	[sflag:s0] =	ssyncset.done @!p0 $0x0  }
0x4ac: {  	[sflag:s0] =	ssyncadd.s32 @!p0 s1  }
0x4ad: {  	[bflag:$0x3] =	sbarrier.arrive $0xFFFF  }
0x4ae: {  	_ =	shalt  }

</sc_bundles>
